<compile_context>
chip_gen: v7x
topology: tpu7x:2x2x1
jax: 0.10.2.dev20260603
libtpu: 0.0.44.dev20260713+nightly
codegen_flags: <defaults>
</compile_context>

<pallas_src>
import functools

import jax
import jax.numpy as jnp
from jax import lax
from jax.experimental import pallas as pl
from jax.experimental.pallas import tpu as pltpu, tpu_sc as plsc

D_MODEL = 1024
D_SPACE = 64
KC = 8
MAX_K = 32
KEEP = 0.9
CLUSTER_SIZE = 32
TS = 256
GW = 128
CPG = GW // CLUSTER_SIZE


def _gate_pre_kernel(x_ref, wgt_ref, bgt_ref, emb_ref, ce_ref, ex_ref,
                     eg_ref, ids_ref, pmod_ref, accc_ref, *, n_groups):
    step = pl.program_id(0)

    @pl.when(step == 0)
    def _init():
        accc_ref[...] = jnp.zeros_like(accc_ref)

    x = x_ref[...]
    ht = jax.lax.dot_general(x, wgt_ref[...], (((1,), (0,)), ((), ())),
                             preferred_element_type=jnp.float32)
    ht = ht + bgt_ref[...]
    h = ht[:, :D_SPACE] * (1.0 / KEEP)
    tau = ht[:, D_SPACE:D_SPACE + 1]

    ce = ce_ref[...]
    inv_c = 1.0 / (jnp.sqrt(jnp.sum(ce * ce, axis=0, keepdims=True)) + 1e-08)
    cs = jax.lax.dot_general(h, ce * inv_c, (((1,), (0,)), ((), ())),
                             preferred_element_type=jnp.float32)
    n_clusters = cs.shape[-1]

    cmax = jnp.max(cs, axis=-1, keepdims=True)
    ce_exp = jnp.exp(cs - cmax)
    probs = ce_exp / jnp.sum(ce_exp, axis=-1, keepdims=True)
    accc_ref[...] += jnp.broadcast_to(
        jnp.sum(probs, axis=0, keepdims=True), accc_ref.shape)

    lane = jax.lax.broadcasted_iota(jnp.int32, cs.shape, 1)
    w = cs
    ids = []
    act_b = None
    for _ in range(KC):
        m = jnp.max(w, axis=-1, keepdims=True)
        idx = jnp.min(jnp.where(w == m, lane, n_clusters), axis=-1,
                      keepdims=True)
        ids.append(idx)
        hit = lane == idx
        act_b = hit if act_b is None else (act_b | hit)
        w = jnp.where(hit, -1e30, w)
    ids8 = jnp.concatenate(ids, axis=1)
    act = act_b.astype(jnp.float32)

    tok = (step * TS
           + jax.lax.broadcasted_iota(jnp.int32, (TS, 1), 0))
    ids_ref[...] = tok * n_groups + (ids8 >> 2)
    pmod_ref[...] = ids8 & (CPG - 1)

    act_n = jax.lax.dot_general(act, ex_ref[...], (((1,), (0,)), ((), ())),
                                preferred_element_type=jnp.float32) > 0.5

    emb = emb_ref[...]
    inv_n = 1.0 / (jnp.sqrt(jnp.sum(emb * emb, axis=0, keepdims=True)) + 1e-08)
    scores = jax.lax.dot_general(h, emb * inv_n, (((1,), (0,)), ((), ())),
                                 preferred_element_type=jnp.float32)

    raw = scores - tau
    eg_ref[...] = jnp.where(act_n, jnp.maximum(jnp.exp(raw) - 1.0, 0.0), 0.0)


@functools.lru_cache(maxsize=None)
def _make_sc_gather(n_rows, n_idx):
    info = plsc.get_sparse_core_info()
    nw = info.num_cores * info.num_subcores
    ch = 128
    b_per_w = n_idx // nw
    assert b_per_w % ch == 0
    mesh = plsc.VectorSubcoreMesh(core_axis_name="c", subcore_axis_name="s")

    @functools.partial(
        pl.kernel, mesh=mesh,
        out_type=jax.ShapeDtypeStruct((n_idx, GW), jnp.float32),
        scratch_types=[
            pltpu.VMEM((ch,), jnp.int32),
            pltpu.VMEM((ch, GW), jnp.float32),
            pltpu.SemaphoreType.DMA,
        ],
    )
    def sc_gather(table_hbm, idx_hbm, out_hbm, idx_v, rows_v, sem):
        wid = lax.axis_index("s") * info.num_cores + lax.axis_index("c")

        @pl.loop(0, b_per_w // ch)
        def _(j):
            base = wid * b_per_w + j * ch
            pltpu.sync_copy(idx_hbm.at[pl.ds(base, ch)], idx_v)
            pltpu.async_copy(table_hbm.at[idx_v], rows_v, sem).wait()
            pltpu.sync_copy(rows_v, out_hbm.at[pl.ds(base, ch)])

    return sc_gather


def _gate_post_kernel(eg_ref, cp_ref, pmod_ref, out_ref, accn_ref):
    step = pl.program_id(0)

    @pl.when(step == 0)
    def _init():
        accn_ref[...] = jnp.zeros_like(accn_ref)

    pmod = pmod_ref[...]
    grp_lane = jax.lax.broadcasted_iota(
        jnp.int32, (TS, GW), 1) >> 5
    pieces = []
    for k in range(KC):
        sel = grp_lane == pmod[:, k:k + 1]
        pieces.append(jnp.where(sel, cp_ref[:, k * GW:(k + 1) * GW], 0.0))
    masked = jnp.concatenate(pieces, axis=1)

    m1 = jnp.max(masked, axis=-1, keepdims=True)

    w_bits = jax.lax.bitcast_convert_type(masked, jnp.int32)
    lo = jnp.zeros_like(m1, dtype=jnp.int32)
    hi = jax.lax.bitcast_convert_type(m1, jnp.int32) + 1
    for _ in range(31):
        mid = lo + ((hi - lo) >> 1)
        cnt = jnp.sum((w_bits >= mid).astype(jnp.float32), axis=-1,
                      keepdims=True)
        pred = cnt >= MAX_K
        lo = jnp.where(pred, mid, lo)
        hi = jnp.where(pred, hi, mid)

    kept_c = jnp.where(w_bits >= lo, masked, 0.0)
    gsum = jnp.sum(kept_c, axis=-1, keepdims=True) + 1e-08
    scale = jnp.tanh(m1) / gsum

    eg = eg_ref[...]
    eg_bits = jax.lax.bitcast_convert_type(eg, jnp.int32)
    out = jnp.where(eg_bits >= lo, eg, 0.0) * scale
    out_ref[...] = out
    accn_ref[...] += jnp.broadcast_to(
        jnp.sum(out, axis=0, keepdims=True), accn_ref.shape)


def _run_gate_pre(x2d, wgt, bgt, emb_t, ce_t, ex, n_clusters, n_neurons):
    tokens = x2d.shape[0]
    grid = tokens // TS
    n_groups = n_neurons // GW
    pre = functools.partial(_gate_pre_kernel, n_groups=n_groups)
    eg, ids, pmod, accc = pl.pallas_call(
        pre,
        grid=(grid,),
        in_specs=[
            pl.BlockSpec((TS, D_MODEL), lambda i: (i, 0)),
            pl.BlockSpec((D_MODEL, 128), lambda i: (0, 0)),
            pl.BlockSpec((1, 128), lambda i: (0, 0)),
            pl.BlockSpec((D_SPACE, n_neurons), lambda i: (0, 0)),
            pl.BlockSpec((D_SPACE, n_clusters), lambda i: (0, 0)),
            pl.BlockSpec((n_clusters, n_neurons), lambda i: (0, 0)),
        ],
        out_specs=[
            pl.BlockSpec((TS, n_neurons), lambda i: (i, 0)),
            pl.BlockSpec((TS, KC), lambda i: (i, 0)),
            pl.BlockSpec((TS, KC), lambda i: (i, 0)),
            pl.BlockSpec((8, n_clusters), lambda i: (0, 0)),
        ],
        out_shape=[
            jax.ShapeDtypeStruct((tokens, n_neurons), jnp.float32),
            jax.ShapeDtypeStruct((tokens, KC), jnp.int32),
            jax.ShapeDtypeStruct((tokens, KC), jnp.int32),
            jax.ShapeDtypeStruct((8, n_clusters), jnp.float32),
        ],
    )(x2d, wgt, bgt, emb_t, ce_t, ex)
    return eg, ids, pmod, accc


def _run_gate_gather(eg, ids, n_neurons):
    tokens = eg.shape[0]
    n_groups = n_neurons // GW
    n_idx = tokens * KC
    gather = _make_sc_gather(tokens * n_groups, n_idx)
    compact = gather(eg.reshape(tokens * n_groups, GW),
                     ids.reshape(n_idx))
    return compact.reshape(tokens, KC * GW)


def _run_gate_post(eg, compact, pmod, n_neurons):
    tokens = eg.shape[0]
    grid = tokens // TS
    out, accn = pl.pallas_call(
        _gate_post_kernel,
        grid=(grid,),
        in_specs=[
            pl.BlockSpec((TS, n_neurons), lambda i: (i, 0)),
            pl.BlockSpec((TS, KC * GW), lambda i: (i, 0)),
            pl.BlockSpec((TS, KC), lambda i: (i, 0)),
        ],
        out_specs=[
            pl.BlockSpec((TS, n_neurons), lambda i: (i, 0)),
            pl.BlockSpec((8, n_neurons), lambda i: (0, 0)),
        ],
        out_shape=[
            jax.ShapeDtypeStruct((tokens, n_neurons), jnp.float32),
            jax.ShapeDtypeStruct((8, n_neurons), jnp.float32),
        ],
    )(eg, compact, pmod)
    return out, accn[0]


def _aux(freq_sum, tokens, n):
    freq = freq_sum / tokens
    return ((freq - 1.0 / n) ** 2).sum() * n


def kernel(x, neuron_emb, W_attn, b_attn, W_know, b_know, W_tau_attn,
           b_tau_attn, W_tau_know, b_tau_know, cluster_emb_qk, cluster_emb_v,
           cluster_emb_know):
    B, S, _ = x.shape
    tokens = B * S
    x2d = x.reshape(tokens, D_MODEL)

    n_qk = cluster_emb_qk.shape[0] * CLUSTER_SIZE
    n_v = cluster_emb_v.shape[0] * CLUSTER_SIZE
    n_know = cluster_emb_know.shape[0] * CLUSTER_SIZE

    qk_emb_t = neuron_emb[:n_qk].T
    v_emb_t = neuron_emb[n_qk:n_qk + n_v].T
    know_emb_t = neuron_emb[n_qk + n_v:].T

    def mk_wgt(w_h, w_tau_col):
        pad = jnp.zeros((D_MODEL, 128 - D_SPACE - 1), jnp.float32)
        return jnp.concatenate([w_h, w_tau_col, pad], axis=1)

    def mk_bgt(b_h, b_tau_col):
        pad = jnp.zeros((128 - D_SPACE - 1,), jnp.float32)
        return jnp.concatenate([b_h, b_tau_col, pad])[None, :]

    def mk_ex(n_clusters):
        n = n_clusters * CLUSTER_SIZE
        rows = jnp.arange(n_clusters)[:, None]
        cols = jnp.arange(n)[None, :] // CLUSTER_SIZE
        return (rows == cols).astype(jnp.float32)

    specs = [
        (W_attn[:, 0:D_SPACE], b_attn[0:D_SPACE], W_tau_attn[:, 0:1],
         b_tau_attn[0:1], qk_emb_t, cluster_emb_qk.T, n_qk),
        (W_attn[:, D_SPACE:2 * D_SPACE], b_attn[D_SPACE:2 * D_SPACE],
         W_tau_attn[:, 1:2], b_tau_attn[1:2], qk_emb_t, cluster_emb_qk.T,
         n_qk),
        (W_attn[:, 2 * D_SPACE:], b_attn[2 * D_SPACE:], W_tau_attn[:, 2:3],
         b_tau_attn[2:3], v_emb_t, cluster_emb_v.T, n_v),
        (W_know, b_know, W_tau_know, b_tau_know, know_emb_t,
         cluster_emb_know.T, n_know),
    ]
    pres = []
    for w_h, b_h, w_t, b_t, emb_t, ce_t, n in specs:
        c = n // CLUSTER_SIZE
        pres.append(_run_gate_pre(
            x2d, mk_wgt(w_h, w_t), mk_bgt(b_h, b_t), emb_t, ce_t, mk_ex(c),
            c, n))
    compacts = [_run_gate_gather(pres[i][0], pres[i][1], specs[i][6])
                for i in range(4)]
    gates = []
    auxs = []
    for i in range(4):
        eg, _, pmod, accc = pres[i]
        n = specs[i][6]
        out, accn = _run_gate_post(eg, compacts[i], pmod, n)
        gates.append(out.reshape(B, S, n))
        auxs.append(_aux(accc[0], tokens, n // CLUSTER_SIZE)
                    + _aux(accn, tokens, n))

    aux = auxs[0] + auxs[1] + auxs[2] + auxs[3]
    return gates[0], gates[1], gates[2], gates[3], aux

# --- scband reference (transcript-rebuilt; emitter-appended) ---
"""Pipeline reference for scband-router-83726092468700 (READ-ONLY COPY).

The authoritative reference and input builder live on the scoring server;
editing this copy changes nothing except your own understanding.
"""

import jax, jax.numpy as jnp
import numpy as np

D_MODEL = 1024
D_SPACE = 64
N_QK = 2048
N_V = 2048
N_KNOW = 4096
NC_QK = 64
NC_V = 64
NC_KNOW = 128
KC = 8
MAX_K = 32
DROP = 0.1
B = 2
S = 2048


def threshold_gate(scores, tau, max_k):
    raw_gate = scores - tau
    gate = jnp.where(raw_gate > 0, raw_gate, 1e-08 * jnp.exp(raw_gate))
    exp_gate = jnp.exp(gate) - 1.0
    if max_k is not None:
        topk_vals, _ = jax.lax.top_k(exp_gate, max_k)
        threshold = topk_vals[:, :, -1:]
        exp_gate = jnp.where(exp_gate >= threshold, exp_gate, 0.0)
    gate_sum = exp_gate.sum(axis=-1, keepdims=True) + 1e-08
    gate_strength = jnp.tanh(exp_gate.max(axis=-1, keepdims=True))
    return exp_gate / gate_sum * gate_strength


def hierarchical_gate(h, neuron_emb, cluster_emb, tau, n_neurons, n_clusters, k_cluster, max_k):
    Bh, Sh, _ = h.shape
    cluster_size = n_neurons // n_clusters
    ce = cluster_emb / (jnp.linalg.norm(cluster_emb, axis=-1, keepdims=True) + 1e-08)
    cluster_scores = jnp.einsum('bsd,cd->bsc', h, ce)
    topk_vals, topk_ids = jax.lax.top_k(cluster_scores, k_cluster)
    cluster_probs = jax.nn.softmax(cluster_scores, axis=-1)
    cluster_freq = cluster_probs.mean(axis=(0, 1))
    cluster_aux = ((cluster_freq - 1.0 / n_clusters) ** 2).sum() * n_clusters
    offsets = jnp.arange(cluster_size)
    base = topk_ids * cluster_size
    active_ids = base[:, :, :, None] + offsets[None, None, None, :]
    active_ids = active_ids.reshape(Bh, Sh, k_cluster * cluster_size)
    active_emb = neuron_emb[active_ids.reshape(-1)]
    active_emb = active_emb.reshape(Bh, Sh, k_cluster * cluster_size, -1)
    active_scores = jnp.einsum('bsd,bsnd->bsn', h, active_emb)
    active_gates = threshold_gate(active_scores, tau, max_k)
    gates = jnp.zeros((Bh, Sh, n_neurons), dtype=active_gates.dtype)
    b_idx = jnp.arange(Bh)[:, None, None]
    s_idx = jnp.arange(Sh)[None, :, None]
    gates = gates.at[b_idx, s_idx, active_ids].set(active_gates)
    neuron_freq = gates.mean(axis=(0, 1))
    neuron_aux = ((neuron_freq - 1.0 / n_neurons) ** 2).sum() * n_neurons
    return gates, cluster_aux, neuron_aux


def setup_inputs(seed: int = 0):
    key = jax.random.key(seed)
    ks = jax.random.split(key, 10)
    total = N_QK + N_V + N_KNOW
    return {
        'x': jax.random.normal(ks[0], (B, S, D_MODEL), jnp.float32),
        'neuron_emb': jax.random.normal(ks[1], (total, D_SPACE), jnp.float32) * 0.02,
        'W_attn': jax.random.normal(ks[2], (D_MODEL, 3 * D_SPACE), jnp.float32) * 0.02,
        'b_attn': jnp.zeros((3 * D_SPACE,), jnp.float32),
        'W_know': jax.random.normal(ks[3], (D_MODEL, D_SPACE), jnp.float32) * 0.02,
        'b_know': jnp.zeros((D_SPACE,), jnp.float32),
        'W_tau_attn': jax.random.normal(ks[4], (D_MODEL, 3), jnp.float32) * 0.02,
        'b_tau_attn': jnp.zeros((3,), jnp.float32),
        'W_tau_know': jax.random.normal(ks[5], (D_MODEL, 1), jnp.float32) * 0.02,
        'b_tau_know': jnp.zeros((1,), jnp.float32),
        'cluster_emb_qk': jax.random.normal(ks[6], (NC_QK, D_SPACE), jnp.float32) * 0.02,
        'cluster_emb_v': jax.random.normal(ks[7], (NC_V, D_SPACE), jnp.float32) * 0.02,
        'cluster_emb_know': jax.random.normal(ks[8], (NC_KNOW, D_SPACE), jnp.float32) * 0.02,
    }


def reference(x, neuron_emb, W_attn, b_attn, W_know, b_know, W_tau_attn, b_tau_attn, W_tau_know, b_tau_know, cluster_emb_qk, cluster_emb_v, cluster_emb_know):
    emb_norm = neuron_emb / (jnp.linalg.norm(neuron_emb, axis=-1, keepdims=True) + 1e-08)
    qk_emb = emb_norm[:N_QK]
    v_emb = emb_norm[N_QK:N_QK + N_V]
    know_emb = emb_norm[N_QK + N_V:]
    keep = 1.0 - DROP
    h_all = (x @ W_attn + b_attn) / keep
    h_Q, h_K, h_V = jnp.split(h_all, 3, axis=-1)
    tau_all = x @ W_tau_attn + b_tau_attn
    tau_Q = tau_all[:, :, 0:1]
    tau_K = tau_all[:, :, 1:2]
    tau_V = tau_all[:, :, 2:3]
    gate_Q, caq, naq = hierarchical_gate(h_Q, qk_emb, cluster_emb_qk, tau_Q, N_QK, NC_QK, KC, MAX_K)
    gate_K, cak, nak = hierarchical_gate(h_K, qk_emb, cluster_emb_qk, tau_K, N_QK, NC_QK, KC, MAX_K)
    gate_V, cav, nav = hierarchical_gate(h_V, v_emb, cluster_emb_v, tau_V, N_V, NC_V, KC, MAX_K)
    aux_attn = caq + cak + cav + (naq + nak + nav)
    h_know = (x @ W_know + b_know) / keep
    tau_k = x @ W_tau_know + b_tau_know
    gate_know, ck, nk = hierarchical_gate(h_know, know_emb, cluster_emb_know, tau_k, N_KNOW, NC_KNOW, KC, MAX_K)
    aux = aux_attn + ck + nk
    return (gate_Q, gate_K, gate_V, gate_know, aux)

if __name__ == "__main__":
    import jax
    _d = setup_inputs()
    print(jax.jit(kernel)(*tuple(_d.values())))

</pallas_src>

<mosaic_0001>
#map = affine_map<(d0, d1) -> (0, 0)>
#map1 = affine_map<(d0, d1) -> (0)>
module attributes {stable_mosaic.version = 14 : i64} {
  func.func @sc_gather(%arg0: i32, %arg1: i32, %arg2: memref<65536x128xf32, #tpu.memory_space<hbm>>, %arg3: memref<32768xi32, #tpu.memory_space<hbm>>, %arg4: memref<32768x128xf32, #tpu.memory_space<hbm>>, %arg5: memref<128xi32, #tpu.memory_space<vmem>>, %arg6: memref<128x128xf32, #tpu.memory_space<vmem>>, %arg7: memref<!tpu.dma_semaphore, #tpu.memory_space<semaphore_mem>>) attributes {dimension_semantics = [#tpu.dimension_semantics<core_parallel>, #tpu.dimension_semantics<subcore_parallel>], iteration_bounds = array<i64: 2, 16>, scalar_prefetch = 0 : i64, scratch_operands = 3 : i64, tpu.core_type = #tpu.core_type<sc_vector_subcore>, window_params = [{transform_indices = #map}, {transform_indices = #map1}, {transform_indices = #map}]} {
    %mul3A = arith.constant 2 : i32
    %mul3A_0 = arith.muli %arg1, %mul3A : i32
    %add3A = arith.addi %mul3A_0, %arg0 : i32
    %scan3A = arith.constant 0 : i32
    %scan3A_1 = arith.constant 8 : i32
    %scan3A_2 = arith.addi %scan3A, %scan3A_1 : i32
    %scan3A_3 = arith.constant 1 : i32
    scf.for %scan3A_5 = %scan3A to %scan3A_2 step %scan3A_3  : i32 {
      %mul3A_6 = arith.constant 1 : i32
      %mul3A_7 = arith.muli %scan3A_5, %mul3A_6 : i32
      %add3A_8 = arith.constant 0 : i32
      %add3A_9 = arith.addi %add3A_8, %mul3A_7 : i32
      %mul3A_10 = arith.constant 1024 : i32
      %mul3A_11 = arith.muli %add3A, %mul3A_10 : i32
      %mul3A_12 = arith.constant 128 : i32
      %mul3A_13 = arith.muli %add3A_9, %mul3A_12 : i32
      %add3A_14 = arith.addi %mul3A_11, %mul3A_13 : i32
      "tpu.region"() ({
        %run_scoped3A = tpu.sem_alloc : memref<!tpu.dma_semaphore, #tpu.memory_space<semaphore_mem>>
        %dma_start3A_19 = tpu.memref_slice %arg3[%add3A_14] : memref<32768xi32, #tpu.memory_space<hbm>> -> memref<128xi32, #tpu.memory_space<hbm>>
        %dma_start3A_20 = tpu.memref_slice %arg3[%add3A_14] : memref<32768xi32, #tpu.memory_space<hbm>> -> memref<128xi32, #tpu.memory_space<hbm>>
        tpu.enqueue_dma source(%dma_start3A_20 : memref<128xi32, #tpu.memory_space<hbm>>) target(%arg5 : memref<128xi32, #tpu.memory_space<vmem>>) target_semaphore(%run_scoped3A : memref<!tpu.dma_semaphore, #tpu.memory_space<semaphore_mem>>)
        %dma_wait3A_21 = tpu.memref_slice %arg3[%add3A_14] : memref<32768xi32, #tpu.memory_space<hbm>> -> memref<128xi32, #tpu.memory_space<hbm>>
        %dma_wait3A_22 = tpu.memref_slice %arg3[%add3A_14] : memref<32768xi32, #tpu.memory_space<hbm>> -> memref<128xi32, #tpu.memory_space<hbm>>
        tpu.wait_dma2 semaphore(%run_scoped3A : memref<!tpu.dma_semaphore, #tpu.memory_space<semaphore_mem>>) src(%dma_wait3A_22 : memref<128xi32, #tpu.memory_space<hbm>>) dst(%arg5 : memref<128xi32, #tpu.memory_space<vmem>>)
        tpu.yield
      }) : () -> ()
      %dma_start3A = arith.constant 0 : i32
      %dma_start3A_15 = arith.constant 0 : i32
      %dma_start3A_16 = tpu.memref_slice %arg2[%dma_start3A, %dma_start3A_15] : memref<65536x128xf32, #tpu.memory_space<hbm>> -> memref<65536x128xf32, #tpu.memory_space<hbm>>
      tpu.enqueue_indirect_dma source(%dma_start3A_16 : memref<65536x128xf32, #tpu.memory_space<hbm>>) target(%arg6 : memref<128x128xf32, #tpu.memory_space<vmem>>) offsets(%arg5 : memref<128xi32, #tpu.memory_space<vmem>>) semaphore(%arg7 : memref<!tpu.dma_semaphore, #tpu.memory_space<semaphore_mem>>)
      %dma_wait3A = arith.constant 0 : i32
      %dma_wait3A_17 = arith.constant 0 : i32
      %dma_wait3A_18 = tpu.memref_slice %arg2[%dma_wait3A, %dma_wait3A_17] : memref<65536x128xf32, #tpu.memory_space<hbm>> -> memref<65536x128xf32, #tpu.memory_space<hbm>>
      tpu.wait_indirect_dma semaphore(%arg7 : memref<!tpu.dma_semaphore, #tpu.memory_space<semaphore_mem>>) src(%dma_wait3A_18 : memref<65536x128xf32, #tpu.memory_space<hbm>>) dst(%arg6 : memref<128x128xf32, #tpu.memory_space<vmem>>)
      "tpu.region"() ({
        %run_scoped3A = tpu.sem_alloc : memref<!tpu.dma_semaphore, #tpu.memory_space<semaphore_mem>>
        %dma_start3A_19 = arith.constant 0 : i32
        %dma_start3A_20 = tpu.memref_slice %arg4[%add3A_14, %dma_start3A_19] : memref<32768x128xf32, #tpu.memory_space<hbm>> -> memref<128x128xf32, #tpu.memory_space<hbm>>
        %dma_start3A_21 = arith.constant 0 : i32
        %dma_start3A_22 = tpu.memref_slice %arg4[%add3A_14, %dma_start3A_21] : memref<32768x128xf32, #tpu.memory_space<hbm>> -> memref<128x128xf32, #tpu.memory_space<hbm>>
        tpu.enqueue_dma source(%arg6 : memref<128x128xf32, #tpu.memory_space<vmem>>) target(%dma_start3A_22 : memref<128x128xf32, #tpu.memory_space<hbm>>) target_semaphore(%run_scoped3A : memref<!tpu.dma_semaphore, #tpu.memory_space<semaphore_mem>>)
        %dma_wait3A_23 = arith.constant 0 : i32
        %dma_wait3A_24 = tpu.memref_slice %arg4[%add3A_14, %dma_wait3A_23] : memref<32768x128xf32, #tpu.memory_space<hbm>> -> memref<128x128xf32, #tpu.memory_space<hbm>>
        %dma_wait3A_25 = arith.constant 0 : i32
        %dma_wait3A_26 = tpu.memref_slice %arg4[%add3A_14, %dma_wait3A_25] : memref<32768x128xf32, #tpu.memory_space<hbm>> -> memref<128x128xf32, #tpu.memory_space<hbm>>
        tpu.wait_dma2 semaphore(%run_scoped3A : memref<!tpu.dma_semaphore, #tpu.memory_space<semaphore_mem>>) src(%arg6 : memref<128x128xf32, #tpu.memory_space<vmem>>) dst(%dma_wait3A_26 : memref<128x128xf32, #tpu.memory_space<hbm>>)
        tpu.yield
      }) : () -> ()
    }
    %scan3A_4 = arith.constant 8 : i32
    return
  }
}

#map = affine_map<(d0, d1) -> (0, 0)>
#map1 = affine_map<(d0, d1) -> (0)>
module attributes {stable_mosaic.version = 14 : i64} {
  func.func @sc_gather(%arg0: i32, %arg1: i32, %arg2: memref<65536x128xf32, #tpu.memory_space<hbm>>, %arg3: memref<32768xi32, #tpu.memory_space<hbm>>, %arg4: memref<32768x128xf32, #tpu.memory_space<hbm>>, %arg5: memref<128xi32, #tpu.memory_space<vmem>>, %arg6: memref<128x128xf32, #tpu.memory_space<vmem>>, %arg7: memref<!tpu.dma_semaphore, #tpu.memory_space<semaphore_mem>>) attributes {dimension_semantics = [#tpu.dimension_semantics<core_parallel>, #tpu.dimension_semantics<subcore_parallel>], iteration_bounds = array<i64: 2, 16>, scalar_prefetch = 0 : i64, scratch_operands = 3 : i64, tpu.core_type = #tpu.core_type<sc_vector_subcore>, window_params = [{transform_indices = #map}, {transform_indices = #map1}, {transform_indices = #map}]} {
    %mul3A = arith.constant 2 : i32
    %mul3A_0 = arith.muli %arg1, %mul3A : i32
    %add3A = arith.addi %mul3A_0, %arg0 : i32
    %scan3A = arith.constant 0 : i32
    %scan3A_1 = arith.constant 8 : i32
    %scan3A_2 = arith.addi %scan3A, %scan3A_1 : i32
    %scan3A_3 = arith.constant 1 : i32
    scf.for %scan3A_5 = %scan3A to %scan3A_2 step %scan3A_3  : i32 {
      %mul3A_6 = arith.constant 1 : i32
      %mul3A_7 = arith.muli %scan3A_5, %mul3A_6 : i32
      %add3A_8 = arith.constant 0 : i32
      %add3A_9 = arith.addi %add3A_8, %mul3A_7 : i32
      %mul3A_10 = arith.constant 1024 : i32
      %mul3A_11 = arith.muli %add3A, %mul3A_10 : i32
      %mul3A_12 = arith.constant 128 : i32
      %mul3A_13 = arith.muli %add3A_9, %mul3A_12 : i32
      %add3A_14 = arith.addi %mul3A_11, %mul3A_13 : i32
      "tpu.region"() ({
        %run_scoped3A = tpu.sem_alloc : memref<!tpu.dma_semaphore, #tpu.memory_space<semaphore_mem>>
        %dma_start3A_19 = tpu.memref_slice %arg3[%add3A_14] : memref<32768xi32, #tpu.memory_space<hbm>> -> memref<128xi32, #tpu.memory_space<hbm>>
        %dma_start3A_20 = tpu.memref_slice %arg3[%add3A_14] : memref<32768xi32, #tpu.memory_space<hbm>> -> memref<128xi32, #tpu.memory_space<hbm>>
        tpu.enqueue_dma source(%dma_start3A_20 : memref<128xi32, #tpu.memory_space<hbm>>) target(%arg5 : memref<128xi32, #tpu.memory_space<vmem>>) target_semaphore(%run_scoped3A : memref<!tpu.dma_semaphore, #tpu.memory_space<semaphore_mem>>)
        %dma_wait3A_21 = tpu.memref_slice %arg3[%add3A_14] : memref<32768xi32, #tpu.memory_space<hbm>> -> memref<128xi32, #tpu.memory_space<hbm>>
        %dma_wait3A_22 = tpu.memref_slice %arg3[%add3A_14] : memref<32768xi32, #tpu.memory_space<hbm>> -> memref<128xi32, #tpu.memory_space<hbm>>
        tpu.wait_dma2 semaphore(%run_scoped3A : memref<!tpu.dma_semaphore, #tpu.memory_space<semaphore_mem>>) src(%dma_wait3A_22 : memref<128xi32, #tpu.memory_space<hbm>>) dst(%arg5 : memref<128xi32, #tpu.memory_space<vmem>>)
        tpu.yield
      }) : () -> ()
      %dma_start3A = arith.constant 0 : i32
      %dma_start3A_15 = arith.constant 0 : i32
      %dma_start3A_16 = tpu.memref_slice %arg2[%dma_start3A, %dma_start3A_15] : memref<65536x128xf32, #tpu.memory_space<hbm>> -> memref<65536x128xf32, #tpu.memory_space<hbm>>
      tpu.enqueue_indirect_dma source(%dma_start3A_16 : memref<65536x128xf32, #tpu.memory_space<hbm>>) target(%arg6 : memref<128x128xf32, #tpu.memory_space<vmem>>) offsets(%arg5 : memref<128xi32, #tpu.memory_space<vmem>>) semaphore(%arg7 : memref<!tpu.dma_semaphore, #tpu.memory_space<semaphore_mem>>)
      %dma_wait3A = arith.constant 0 : i32
      %dma_wait3A_17 = arith.constant 0 : i32
      %dma_wait3A_18 = tpu.memref_slice %arg2[%dma_wait3A, %dma_wait3A_17] : memref<65536x128xf32, #tpu.memory_space<hbm>> -> memref<65536x128xf32, #tpu.memory_space<hbm>>
      tpu.wait_indirect_dma semaphore(%arg7 : memref<!tpu.dma_semaphore, #tpu.memory_space<semaphore_mem>>) src(%dma_wait3A_18 : memref<65536x128xf32, #tpu.memory_space<hbm>>) dst(%arg6 : memref<128x128xf32, #tpu.memory_space<vmem>>)
      "tpu.region"() ({
        %run_scoped3A = tpu.sem_alloc : memref<!tpu.dma_semaphore, #tpu.memory_space<semaphore_mem>>
        %dma_start3A_19 = arith.constant 0 : i32
        %dma_start3A_20 = tpu.memref_slice %arg4[%add3A_14, %dma_start3A_19] : memref<32768x128xf32, #tpu.memory_space<hbm>> -> memref<128x128xf32, #tpu.memory_space<hbm>>
        %dma_start3A_21 = arith.constant 0 : i32
        %dma_start3A_22 = tpu.memref_slice %arg4[%add3A_14, %dma_start3A_21] : memref<32768x128xf32, #tpu.memory_space<hbm>> -> memref<128x128xf32, #tpu.memory_space<hbm>>
        tpu.enqueue_dma source(%arg6 : memref<128x128xf32, #tpu.memory_space<vmem>>) target(%dma_start3A_22 : memref<128x128xf32, #tpu.memory_space<hbm>>) target_semaphore(%run_scoped3A : memref<!tpu.dma_semaphore, #tpu.memory_space<semaphore_mem>>)
        %dma_wait3A_23 = arith.constant 0 : i32
        %dma_wait3A_24 = tpu.memref_slice %arg4[%add3A_14, %dma_wait3A_23] : memref<32768x128xf32, #tpu.memory_space<hbm>> -> memref<128x128xf32, #tpu.memory_space<hbm>>
        %dma_wait3A_25 = arith.constant 0 : i32
        %dma_wait3A_26 = tpu.memref_slice %arg4[%add3A_14, %dma_wait3A_25] : memref<32768x128xf32, #tpu.memory_space<hbm>> -> memref<128x128xf32, #tpu.memory_space<hbm>>
        tpu.wait_dma2 semaphore(%run_scoped3A : memref<!tpu.dma_semaphore, #tpu.memory_space<semaphore_mem>>) src(%arg6 : memref<128x128xf32, #tpu.memory_space<vmem>>) dst(%dma_wait3A_26 : memref<128x128xf32, #tpu.memory_space<hbm>>)
        tpu.yield
      }) : () -> ()
    }
    %scan3A_4 = arith.constant 8 : i32
    return
  }
}

#map = affine_map<(d0, d1) -> (0, 0)>
#map1 = affine_map<(d0, d1) -> (0)>
module attributes {stable_mosaic.version = 14 : i64} {
  func.func @sc_gather(%arg0: i32, %arg1: i32, %arg2: memref<131072x128xf32, #tpu.memory_space<hbm>>, %arg3: memref<32768xi32, #tpu.memory_space<hbm>>, %arg4: memref<32768x128xf32, #tpu.memory_space<hbm>>, %arg5: memref<128xi32, #tpu.memory_space<vmem>>, %arg6: memref<128x128xf32, #tpu.memory_space<vmem>>, %arg7: memref<!tpu.dma_semaphore, #tpu.memory_space<semaphore_mem>>) attributes {dimension_semantics = [#tpu.dimension_semantics<core_parallel>, #tpu.dimension_semantics<subcore_parallel>], iteration_bounds = array<i64: 2, 16>, scalar_prefetch = 0 : i64, scratch_operands = 3 : i64, tpu.core_type = #tpu.core_type<sc_vector_subcore>, window_params = [{transform_indices = #map}, {transform_indices = #map1}, {transform_indices = #map}]} {
    %mul3A = arith.constant 2 : i32
    %mul3A_0 = arith.muli %arg1, %mul3A : i32
    %add3A = arith.addi %mul3A_0, %arg0 : i32
    %scan3A = arith.constant 0 : i32
    %scan3A_1 = arith.constant 8 : i32
    %scan3A_2 = arith.addi %scan3A, %scan3A_1 : i32
    %scan3A_3 = arith.constant 1 : i32
    scf.for %scan3A_5 = %scan3A to %scan3A_2 step %scan3A_3  : i32 {
      %mul3A_6 = arith.constant 1 : i32
      %mul3A_7 = arith.muli %scan3A_5, %mul3A_6 : i32
      %add3A_8 = arith.constant 0 : i32
      %add3A_9 = arith.addi %add3A_8, %mul3A_7 : i32
      %mul3A_10 = arith.constant 1024 : i32
      %mul3A_11 = arith.muli %add3A, %mul3A_10 : i32
      %mul3A_12 = arith.constant 128 : i32
      %mul3A_13 = arith.muli %add3A_9, %mul3A_12 : i32
      %add3A_14 = arith.addi %mul3A_11, %mul3A_13 : i32
      "tpu.region"() ({
        %run_scoped3A = tpu.sem_alloc : memref<!tpu.dma_semaphore, #tpu.memory_space<semaphore_mem>>
        %dma_start3A_19 = tpu.memref_slice %arg3[%add3A_14] : memref<32768xi32, #tpu.memory_space<hbm>> -> memref<128xi32, #tpu.memory_space<hbm>>
        %dma_start3A_20 = tpu.memref_slice %arg3[%add3A_14] : memref<32768xi32, #tpu.memory_space<hbm>> -> memref<128xi32, #tpu.memory_space<hbm>>
        tpu.enqueue_dma source(%dma_start3A_20 : memref<128xi32, #tpu.memory_space<hbm>>) target(%arg5 : memref<128xi32, #tpu.memory_space<vmem>>) target_semaphore(%run_scoped3A : memref<!tpu.dma_semaphore, #tpu.memory_space<semaphore_mem>>)
        %dma_wait3A_21 = tpu.memref_slice %arg3[%add3A_14] : memref<32768xi32, #tpu.memory_space<hbm>> -> memref<128xi32, #tpu.memory_space<hbm>>
        %dma_wait3A_22 = tpu.memref_slice %arg3[%add3A_14] : memref<32768xi32, #tpu.memory_space<hbm>> -> memref<128xi32, #tpu.memory_space<hbm>>
        tpu.wait_dma2 semaphore(%run_scoped3A : memref<!tpu.dma_semaphore, #tpu.memory_space<semaphore_mem>>) src(%dma_wait3A_22 : memref<128xi32, #tpu.memory_space<hbm>>) dst(%arg5 : memref<128xi32, #tpu.memory_space<vmem>>)
        tpu.yield
      }) : () -> ()
      %dma_start3A = arith.constant 0 : i32
      %dma_start3A_15 = arith.constant 0 : i32
      %dma_start3A_16 = tpu.memref_slice %arg2[%dma_start3A, %dma_start3A_15] : memref<131072x128xf32, #tpu.memory_space<hbm>> -> memref<131072x128xf32, #tpu.memory_space<hbm>>
      tpu.enqueue_indirect_dma source(%dma_start3A_16 : memref<131072x128xf32, #tpu.memory_space<hbm>>) target(%arg6 : memref<128x128xf32, #tpu.memory_space<vmem>>) offsets(%arg5 : memref<128xi32, #tpu.memory_space<vmem>>) semaphore(%arg7 : memref<!tpu.dma_semaphore, #tpu.memory_space<semaphore_mem>>)
      %dma_wait3A = arith.constant 0 : i32
      %dma_wait3A_17 = arith.constant 0 : i32
      %dma_wait3A_18 = tpu.memref_slice %arg2[%dma_wait3A, %dma_wait3A_17] : memref<131072x128xf32, #tpu.memory_space<hbm>> -> memref<131072x128xf32, #tpu.memory_space<hbm>>
      tpu.wait_indirect_dma semaphore(%arg7 : memref<!tpu.dma_semaphore, #tpu.memory_space<semaphore_mem>>) src(%dma_wait3A_18 : memref<131072x128xf32, #tpu.memory_space<hbm>>) dst(%arg6 : memref<128x128xf32, #tpu.memory_space<vmem>>)
      "tpu.region"() ({
        %run_scoped3A = tpu.sem_alloc : memref<!tpu.dma_semaphore, #tpu.memory_space<semaphore_mem>>
        %dma_start3A_19 = arith.constant 0 : i32
        %dma_start3A_20 = tpu.memref_slice %arg4[%add3A_14, %dma_start3A_19] : memref<32768x128xf32, #tpu.memory_space<hbm>> -> memref<128x128xf32, #tpu.memory_space<hbm>>
        %dma_start3A_21 = arith.constant 0 : i32
        %dma_start3A_22 = tpu.memref_slice %arg4[%add3A_14, %dma_start3A_21] : memref<32768x128xf32, #tpu.memory_space<hbm>> -> memref<128x128xf32, #tpu.memory_space<hbm>>
        tpu.enqueue_dma source(%arg6 : memref<128x128xf32, #tpu.memory_space<vmem>>) target(%dma_start3A_22 : memref<128x128xf32, #tpu.memory_space<hbm>>) target_semaphore(%run_scoped3A : memref<!tpu.dma_semaphore, #tpu.memory_space<semaphore_mem>>)
        %dma_wait3A_23 = arith.constant 0 : i32
        %dma_wait3A_24 = tpu.memref_slice %arg4[%add3A_14, %dma_wait3A_23] : memref<32768x128xf32, #tpu.memory_space<hbm>> -> memref<128x128xf32, #tpu.memory_space<hbm>>
        %dma_wait3A_25 = arith.constant 0 : i32
        %dma_wait3A_26 = tpu.memref_slice %arg4[%add3A_14, %dma_wait3A_25] : memref<32768x128xf32, #tpu.memory_space<hbm>> -> memref<128x128xf32, #tpu.memory_space<hbm>>
        tpu.wait_dma2 semaphore(%run_scoped3A : memref<!tpu.dma_semaphore, #tpu.memory_space<semaphore_mem>>) src(%arg6 : memref<128x128xf32, #tpu.memory_space<vmem>>) dst(%dma_wait3A_26 : memref<128x128xf32, #tpu.memory_space<hbm>>)
        tpu.yield
      }) : () -> ()
    }
    %scan3A_4 = arith.constant 8 : i32
    return
  }
}

#map = affine_map<(d0, d1) -> (0, 0)>
#map1 = affine_map<(d0, d1) -> (0)>
module attributes {stable_mosaic.version = 14 : i64} {
  func.func @sc_gather(%arg0: i32, %arg1: i32, %arg2: memref<65536x128xf32, #tpu.memory_space<hbm>>, %arg3: memref<32768xi32, #tpu.memory_space<hbm>>, %arg4: memref<32768x128xf32, #tpu.memory_space<hbm>>, %arg5: memref<128xi32, #tpu.memory_space<vmem>>, %arg6: memref<128x128xf32, #tpu.memory_space<vmem>>, %arg7: memref<!tpu.dma_semaphore, #tpu.memory_space<semaphore_mem>>) attributes {dimension_semantics = [#tpu.dimension_semantics<core_parallel>, #tpu.dimension_semantics<subcore_parallel>], iteration_bounds = array<i64: 2, 16>, scalar_prefetch = 0 : i64, scratch_operands = 3 : i64, tpu.core_type = #tpu.core_type<sc_vector_subcore>, window_params = [{transform_indices = #map}, {transform_indices = #map1}, {transform_indices = #map}]} {
    %mul3A = arith.constant 2 : i32
    %mul3A_0 = arith.muli %arg1, %mul3A : i32
    %add3A = arith.addi %mul3A_0, %arg0 : i32
    %scan3A = arith.constant 0 : i32
    %scan3A_1 = arith.constant 8 : i32
    %scan3A_2 = arith.addi %scan3A, %scan3A_1 : i32
    %scan3A_3 = arith.constant 1 : i32
    scf.for %scan3A_5 = %scan3A to %scan3A_2 step %scan3A_3  : i32 {
      %mul3A_6 = arith.constant 1 : i32
      %mul3A_7 = arith.muli %scan3A_5, %mul3A_6 : i32
      %add3A_8 = arith.constant 0 : i32
      %add3A_9 = arith.addi %add3A_8, %mul3A_7 : i32
      %mul3A_10 = arith.constant 1024 : i32
      %mul3A_11 = arith.muli %add3A, %mul3A_10 : i32
      %mul3A_12 = arith.constant 128 : i32
      %mul3A_13 = arith.muli %add3A_9, %mul3A_12 : i32
      %add3A_14 = arith.addi %mul3A_11, %mul3A_13 : i32
      "tpu.region"() ({
        %run_scoped3A = tpu.sem_alloc : memref<!tpu.dma_semaphore, #tpu.memory_space<semaphore_mem>>
        %dma_start3A_19 = tpu.memref_slice %arg3[%add3A_14] : memref<32768xi32, #tpu.memory_space<hbm>> -> memref<128xi32, #tpu.memory_space<hbm>>
        %dma_start3A_20 = tpu.memref_slice %arg3[%add3A_14] : memref<32768xi32, #tpu.memory_space<hbm>> -> memref<128xi32, #tpu.memory_space<hbm>>
        tpu.enqueue_dma source(%dma_start3A_20 : memref<128xi32, #tpu.memory_space<hbm>>) target(%arg5 : memref<128xi32, #tpu.memory_space<vmem>>) target_semaphore(%run_scoped3A : memref<!tpu.dma_semaphore, #tpu.memory_space<semaphore_mem>>)
        %dma_wait3A_21 = tpu.memref_slice %arg3[%add3A_14] : memref<32768xi32, #tpu.memory_space<hbm>> -> memref<128xi32, #tpu.memory_space<hbm>>
        %dma_wait3A_22 = tpu.memref_slice %arg3[%add3A_14] : memref<32768xi32, #tpu.memory_space<hbm>> -> memref<128xi32, #tpu.memory_space<hbm>>
        tpu.wait_dma2 semaphore(%run_scoped3A : memref<!tpu.dma_semaphore, #tpu.memory_space<semaphore_mem>>) src(%dma_wait3A_22 : memref<128xi32, #tpu.memory_space<hbm>>) dst(%arg5 : memref<128xi32, #tpu.memory_space<vmem>>)
        tpu.yield
      }) : () -> ()
      %dma_start3A = arith.constant 0 : i32
      %dma_start3A_15 = arith.constant 0 : i32
      %dma_start3A_16 = tpu.memref_slice %arg2[%dma_start3A, %dma_start3A_15] : memref<65536x128xf32, #tpu.memory_space<hbm>> -> memref<65536x128xf32, #tpu.memory_space<hbm>>
      tpu.enqueue_indirect_dma source(%dma_start3A_16 : memref<65536x128xf32, #tpu.memory_space<hbm>>) target(%arg6 : memref<128x128xf32, #tpu.memory_space<vmem>>) offsets(%arg5 : memref<128xi32, #tpu.memory_space<vmem>>) semaphore(%arg7 : memref<!tpu.dma_semaphore, #tpu.memory_space<semaphore_mem>>)
      %dma_wait3A = arith.constant 0 : i32
      %dma_wait3A_17 = arith.constant 0 : i32
      %dma_wait3A_18 = tpu.memref_slice %arg2[%dma_wait3A, %dma_wait3A_17] : memref<65536x128xf32, #tpu.memory_space<hbm>> -> memref<65536x128xf32, #tpu.memory_space<hbm>>
      tpu.wait_indirect_dma semaphore(%arg7 : memref<!tpu.dma_semaphore, #tpu.memory_space<semaphore_mem>>) src(%dma_wait3A_18 : memref<65536x128xf32, #tpu.memory_space<hbm>>) dst(%arg6 : memref<128x128xf32, #tpu.memory_space<vmem>>)
      "tpu.region"() ({
        %run_scoped3A = tpu.sem_alloc : memref<!tpu.dma_semaphore, #tpu.memory_space<semaphore_mem>>
        %dma_start3A_19 = arith.constant 0 : i32
        %dma_start3A_20 = tpu.memref_slice %arg4[%add3A_14, %dma_start3A_19] : memref<32768x128xf32, #tpu.memory_space<hbm>> -> memref<128x128xf32, #tpu.memory_space<hbm>>
        %dma_start3A_21 = arith.constant 0 : i32
        %dma_start3A_22 = tpu.memref_slice %arg4[%add3A_14, %dma_start3A_21] : memref<32768x128xf32, #tpu.memory_space<hbm>> -> memref<128x128xf32, #tpu.memory_space<hbm>>
        tpu.enqueue_dma source(%arg6 : memref<128x128xf32, #tpu.memory_space<vmem>>) target(%dma_start3A_22 : memref<128x128xf32, #tpu.memory_space<hbm>>) target_semaphore(%run_scoped3A : memref<!tpu.dma_semaphore, #tpu.memory_space<semaphore_mem>>)
        %dma_wait3A_23 = arith.constant 0 : i32
        %dma_wait3A_24 = tpu.memref_slice %arg4[%add3A_14, %dma_wait3A_23] : memref<32768x128xf32, #tpu.memory_space<hbm>> -> memref<128x128xf32, #tpu.memory_space<hbm>>
        %dma_wait3A_25 = arith.constant 0 : i32
        %dma_wait3A_26 = tpu.memref_slice %arg4[%add3A_14, %dma_wait3A_25] : memref<32768x128xf32, #tpu.memory_space<hbm>> -> memref<128x128xf32, #tpu.memory_space<hbm>>
        tpu.wait_dma2 semaphore(%run_scoped3A : memref<!tpu.dma_semaphore, #tpu.memory_space<semaphore_mem>>) src(%arg6 : memref<128x128xf32, #tpu.memory_space<vmem>>) dst(%dma_wait3A_26 : memref<128x128xf32, #tpu.memory_space<hbm>>)
        tpu.yield
      }) : () -> ()
    }
    %scan3A_4 = arith.constant 8 : i32
    return
  }
}

module attributes {stable_mosaic.version = 14 : i64} {
  func.func @_gate_pre_kernel(%arg0: i32, %arg1: memref<256x1024xf32, #tpu.memory_space<vmem>>, %arg2: memref<1024x128xf32, #tpu.memory_space<vmem>>, %arg3: memref<1x128xf32, #tpu.memory_space<vmem>>, %arg4: memref<64x2048xf32, #tpu.memory_space<vmem>>, %arg5: memref<64x64xf32, #tpu.memory_space<vmem>>, %arg6: memref<64x2048xf32, #tpu.memory_space<vmem>>, %arg7: memref<256x2048xf32, #tpu.memory_space<vmem>>, %arg8: memref<256x8xi32, #tpu.memory_space<vmem>>, %arg9: memref<256x8xi32, #tpu.memory_space<vmem>>, %arg10: memref<8x64xf32, #tpu.memory_space<vmem>>) attributes {dimension_semantics = [#tpu.dimension_semantics<arbitrary>], iteration_bounds = array<i64: 16>, scalar_prefetch = 0 : i64, scratch_operands = 0 : i64, tpu.core_type = #tpu.core_type<tc>, window_params = [{transform_indices = @transform_0, window_bounds = array<i64: 256, 1024>}, {pipeline_mode = #tpu.pipeline_mode<synchronous>, transform_indices = @transform_1, window_bounds = array<i64: 1024, 128>}, {pipeline_mode = #tpu.pipeline_mode<synchronous>, transform_indices = @transform_2, window_bounds = array<i64: 1, 128>}, {pipeline_mode = #tpu.pipeline_mode<synchronous>, transform_indices = @transform_3, window_bounds = array<i64: 64, 2048>}, {pipeline_mode = #tpu.pipeline_mode<synchronous>, transform_indices = @transform_4, window_bounds = array<i64: 64, 64>}, {pipeline_mode = #tpu.pipeline_mode<synchronous>, transform_indices = @transform_5, window_bounds = array<i64: 64, 2048>}, {transform_indices = @transform_6, window_bounds = array<i64: 256, 2048>}, {transform_indices = @transform_7, window_bounds = array<i64: 256, 8>}, {transform_indices = @transform_8, window_bounds = array<i64: 256, 8>}, {pipeline_mode = #tpu.pipeline_mode<synchronous>, transform_indices = @transform_9, window_bounds = array<i64: 8, 64>}]} {
    %eq3A = arith.constant 0 : i32
    %eq3A_0 = arith.cmpi eq, %arg0, %eq3A : i32
    %convert_element_type3A = arith.extui %eq3A_0 : i1 to i32
    %cond3A = arith.constant 0 : i32
    %cond3A_1 = arith.cmpi ne, %convert_element_type3A, %cond3A : i32
    scf.if %cond3A_1 {
      %broadcast_in_dim3A_237 = arith.constant 0.000000e+00 : f32
      %broadcast_in_dim3A_238 = vector.broadcast %broadcast_in_dim3A_237 : f32 to vector<8x64xf32>
      %swap3A_239 = arith.constant 0 : index
      %swap3A_240 = arith.constant 0 : index
      %swap3A_241 = vector.load %arg10[%swap3A_239, %swap3A_240] : memref<8x64xf32, #tpu.memory_space<vmem>>, vector<8x64xf32>
      tpu.vector_store %arg10[%swap3A_239, %swap3A_240], %broadcast_in_dim3A_238 {strides = array<i32>} : memref<8x64xf32, #tpu.memory_space<vmem>>, vector<8x64xf32>,
    } else {
    }
    %get3A = arith.constant 0 : index
    %get3A_2 = arith.constant 0 : index
    %get3A_3 = vector.load %arg1[%get3A, %get3A_2] : memref<256x1024xf32, #tpu.memory_space<vmem>>, vector<256x1024xf32>
    %get3A_4 = arith.constant 0 : index
    %get3A_5 = arith.constant 0 : index
    %get3A_6 = vector.load %arg2[%get3A_4, %get3A_5] : memref<1024x128xf32, #tpu.memory_space<vmem>>, vector<1024x128xf32>
    %dot_general3A = arith.constant dense<0.000000e+00> : vector<256x128xf32>
    %dot_general3A_7 = tpu.matmul %get3A_3, %get3A_6, %dot_general3A {dimension_numbers = #tpu.dot_dimension_numbers<[1], [0], [0], [1], [0, 0, 1, 1], [], []>, transpose_lhs_hint = false} : vector<256x1024xf32>, vector<1024x128xf32>, vector<256x128xf32> -> vector<256x128xf32>
    %get3A_8 = arith.constant 0 : index
    %get3A_9 = arith.constant 0 : index
    %get3A_10 = vector.load %arg3[%get3A_8, %get3A_9] : memref<1x128xf32, #tpu.memory_space<vmem>>, vector<1x128xf32>
    %add3A = vector.broadcast %get3A_10 : vector<1x128xf32> to vector<256x128xf32>
    %add3A_11 = arith.addf %dot_general3A_7, %add3A : vector<256x128xf32>
    %slice3A = vector.extract_strided_slice %add3A_11 {offsets = [0, 0], sizes = [256, 64], strides = [1, 1]} : vector<256x128xf32> to vector<256x64xf32>
    %mul3A = arith.constant 1.11111116 : f32
    %mul3A_12 = vector.broadcast %mul3A : f32 to vector<256x64xf32>
    %mul3A_13 = arith.mulf %slice3A, %mul3A_12 : vector<256x64xf32>
    %slice3A_14 = vector.extract_strided_slice %add3A_11 {offsets = [0, 64], sizes = [256, 1], strides = [1, 1]} : vector<256x128xf32> to vector<256x1xf32>
    %get3A_15 = arith.constant 0 : index
    %get3A_16 = arith.constant 0 : index
    %get3A_17 = vector.load %arg5[%get3A_15, %get3A_16] : memref<64x64xf32, #tpu.memory_space<vmem>>, vector<64x64xf32>
    %mul3A_18 = arith.mulf %get3A_17, %get3A_17 : vector<64x64xf32>
    %reduce_sum3A = arith.constant dense<0.000000e+00> : vector<64xf32>
    %reduce_sum3A_19 = vector.multi_reduction <add>, %mul3A_18, %reduce_sum3A [0] : vector<64x64xf32> to vector<64xf32>
    %broadcast_in_dim3A = vector.shape_cast %reduce_sum3A_19 : vector<64xf32> to vector<1x64xf32>
    %sqrt3A = math.sqrt %broadcast_in_dim3A : vector<1x64xf32>
    %add3A_20 = arith.constant 9.99999993E-9 : f32
    %add3A_21 = vector.broadcast %add3A_20 : f32 to vector<1x64xf32>
    %add3A_22 = arith.addf %sqrt3A, %add3A_21 : vector<1x64xf32>
    %div3A = arith.constant 1.000000e+00 : f32
    %div3A_23 = vector.broadcast %div3A : f32 to vector<1x64xf32>
    %div3A_24 = arith.divf %div3A_23, %add3A_22 : vector<1x64xf32>
    %mul3A_25 = vector.broadcast %div3A_24 : vector<1x64xf32> to vector<64x64xf32>
    %mul3A_26 = arith.mulf %get3A_17, %mul3A_25 : vector<64x64xf32>
    %dot_general3A_27 = arith.constant dense<0.000000e+00> : vector<256x64xf32>
    %dot_general3A_28 = tpu.matmul %mul3A_13, %mul3A_26, %dot_general3A_27 {dimension_numbers = #tpu.dot_dimension_numbers<[1], [0], [0], [1], [0, 0, 1, 1], [], []>, transpose_lhs_hint = false} : vector<256x64xf32>, vector<64x64xf32>, vector<256x64xf32> -> vector<256x64xf32>
    %reduce_max3A = arith.constant dense<0xFF800000> : vector<256xf32>
    %reduce_max3A_29 = vector.multi_reduction <maximumf>, %dot_general3A_28, %reduce_max3A [1] : vector<256x64xf32> to vector<256xf32>
    %broadcast_in_dim3A_30 = vector.shape_cast %reduce_max3A_29 : vector<256xf32> to vector<256x1xf32>
    %sub3A = vector.broadcast %broadcast_in_dim3A_30 : vector<256x1xf32> to vector<256x64xf32>
    %sub3A_31 = arith.subf %dot_general3A_28, %sub3A : vector<256x64xf32>
    %exp3A = math.exp %sub3A_31 : vector<256x64xf32>
    %reduce_sum3A_32 = arith.constant dense<0.000000e+00> : vector<256xf32>
    %reduce_sum3A_33 = vector.multi_reduction <add>, %exp3A, %reduce_sum3A_32 [1] : vector<256x64xf32> to vector<256xf32>
    %broadcast_in_dim3A_34 = vector.shape_cast %reduce_sum3A_33 : vector<256xf32> to vector<256x1xf32>
    %div3A_35 = vector.broadcast %broadcast_in_dim3A_34 : vector<256x1xf32> to vector<256x64xf32>
    %div3A_36 = arith.divf %exp3A, %div3A_35 : vector<256x64xf32>
    %get3A_37 = arith.constant 0 : index
    %get3A_38 = arith.constant 0 : index
    %get3A_39 = vector.load %arg10[%get3A_37, %get3A_38] : memref<8x64xf32, #tpu.memory_space<vmem>>, vector<8x64xf32>
    %reduce_sum3A_40 = arith.constant dense<0.000000e+00> : vector<64xf32>
    %reduce_sum3A_41 = vector.multi_reduction <add>, %div3A_36, %reduce_sum3A_40 [0] : vector<256x64xf32> to vector<64xf32>
    %broadcast_in_dim3A_42 = vector.shape_cast %reduce_sum3A_41 : vector<64xf32> to vector<1x64xf32>
    %broadcast_in_dim3A_43 = vector.shape_cast %broadcast_in_dim3A_42 : vector<1x64xf32> to vector<1x64xf32>
    %broadcast_in_dim3A_44 = vector.broadcast %broadcast_in_dim3A_43 : vector<1x64xf32> to vector<8x64xf32>
    %add3A_45 = arith.addf %get3A_39, %broadcast_in_dim3A_44 : vector<8x64xf32>
    %swap3A = arith.constant 0 : index
    %swap3A_46 = arith.constant 0 : index
    %swap3A_47 = vector.load %arg10[%swap3A, %swap3A_46] : memref<8x64xf32, #tpu.memory_space<vmem>>, vector<8x64xf32>
    tpu.vector_store %arg10[%swap3A, %swap3A_46], %add3A_45 {strides = array<i32>} : memref<8x64xf32, #tpu.memory_space<vmem>>, vector<8x64xf32>,
    %iota3A = tpu.iota {dimensions = array<i32: 1>} : vector<256x64xi32>
    %reduce_max3A_48 = arith.constant dense<0xFF800000> : vector<256xf32>
    %reduce_max3A_49 = vector.multi_reduction <maximumf>, %dot_general3A_28, %reduce_max3A_48 [1] : vector<256x64xf32> to vector<256xf32>
    %broadcast_in_dim3A_50 = vector.shape_cast %reduce_max3A_49 : vector<256xf32> to vector<256x1xf32>
    %eq3A_51 = vector.broadcast %broadcast_in_dim3A_50 : vector<256x1xf32> to vector<256x64xf32>
    %eq3A_52 = arith.cmpf oeq, %dot_general3A_28, %eq3A_51 : vector<256x64xf32>
    %jit3A = arith.constant 64 : i32
    %broadcast_in_dim3A_53 = vector.broadcast %jit3A : i32 to vector<256x64xi32>
    %select_n3A = arith.select %eq3A_52, %iota3A, %broadcast_in_dim3A_53 : vector<256x64xi1>, vector<256x64xi32>
    %reduce_min3A = arith.constant dense<2147483647> : vector<256xi32>
    %reduce_min3A_54 = vector.multi_reduction <minsi>, %select_n3A, %reduce_min3A [1] : vector<256x64xi32> to vector<256xi32>
    %broadcast_in_dim3A_55 = vector.shape_cast %reduce_min3A_54 : vector<256xi32> to vector<256x1xi32>
    %eq3A_56 = vector.broadcast %broadcast_in_dim3A_55 : vector<256x1xi32> to vector<256x64xi32>
    %eq3A_57 = arith.cmpi eq, %iota3A, %eq3A_56 : vector<256x64xi32>
    %jit3A_58 = arith.constant -1.000000e+30 : f32
    %broadcast_in_dim3A_59 = vector.broadcast %jit3A_58 : f32 to vector<256x64xf32>
    %select_n3A_60 = arith.select %eq3A_57, %broadcast_in_dim3A_59, %dot_general3A_28 : vector<256x64xi1>, vector<256x64xf32>
    %reduce_max3A_61 = arith.constant dense<0xFF800000> : vector<256xf32>
    %reduce_max3A_62 = vector.multi_reduction <maximumf>, %select_n3A_60, %reduce_max3A_61 [1] : vector<256x64xf32> to vector<256xf32>
    %broadcast_in_dim3A_63 = vector.shape_cast %reduce_max3A_62 : vector<256xf32> to vector<256x1xf32>
    %eq3A_64 = vector.broadcast %broadcast_in_dim3A_63 : vector<256x1xf32> to vector<256x64xf32>
    %eq3A_65 = arith.cmpf oeq, %select_n3A_60, %eq3A_64 : vector<256x64xf32>
    %jit3A_66 = arith.constant 64 : i32
    %broadcast_in_dim3A_67 = vector.broadcast %jit3A_66 : i32 to vector<256x64xi32>
    %select_n3A_68 = arith.select %eq3A_65, %iota3A, %broadcast_in_dim3A_67 : vector<256x64xi1>, vector<256x64xi32>
    %reduce_min3A_69 = arith.constant dense<2147483647> : vector<256xi32>
    %reduce_min3A_70 = vector.multi_reduction <minsi>, %select_n3A_68, %reduce_min3A_69 [1] : vector<256x64xi32> to vector<256xi32>
    %broadcast_in_dim3A_71 = vector.shape_cast %reduce_min3A_70 : vector<256xi32> to vector<256x1xi32>
    %eq3A_72 = vector.broadcast %broadcast_in_dim3A_71 : vector<256x1xi32> to vector<256x64xi32>
    %eq3A_73 = arith.cmpi eq, %iota3A, %eq3A_72 : vector<256x64xi32>
    %or3A = arith.ori %eq3A_57, %eq3A_73 : vector<256x64xi1>
    %jit3A_74 = arith.constant -1.000000e+30 : f32
    %broadcast_in_dim3A_75 = vector.broadcast %jit3A_74 : f32 to vector<256x64xf32>
    %select_n3A_76 = arith.select %eq3A_73, %broadcast_in_dim3A_75, %select_n3A_60 : vector<256x64xi1>, vector<256x64xf32>
    %reduce_max3A_77 = arith.constant dense<0xFF800000> : vector<256xf32>
    %reduce_max3A_78 = vector.multi_reduction <maximumf>, %select_n3A_76, %reduce_max3A_77 [1] : vector<256x64xf32> to vector<256xf32>
    %broadcast_in_dim3A_79 = vector.shape_cast %reduce_max3A_78 : vector<256xf32> to vector<256x1xf32>
    %eq3A_80 = vector.broadcast %broadcast_in_dim3A_79 : vector<256x1xf32> to vector<256x64xf32>
    %eq3A_81 = arith.cmpf oeq, %select_n3A_76, %eq3A_80 : vector<256x64xf32>
    %jit3A_82 = arith.constant 64 : i32
    %broadcast_in_dim3A_83 = vector.broadcast %jit3A_82 : i32 to vector<256x64xi32>
    %select_n3A_84 = arith.select %eq3A_81, %iota3A, %broadcast_in_dim3A_83 : vector<256x64xi1>, vector<256x64xi32>
    %reduce_min3A_85 = arith.constant dense<2147483647> : vector<256xi32>
    %reduce_min3A_86 = vector.multi_reduction <minsi>, %select_n3A_84, %reduce_min3A_85 [1] : vector<256x64xi32> to vector<256xi32>
    %broadcast_in_dim3A_87 = vector.shape_cast %reduce_min3A_86 : vector<256xi32> to vector<256x1xi32>
    %eq3A_88 = vector.broadcast %broadcast_in_dim3A_87 : vector<256x1xi32> to vector<256x64xi32>
    %eq3A_89 = arith.cmpi eq, %iota3A, %eq3A_88 : vector<256x64xi32>
    %or3A_90 = arith.ori %or3A, %eq3A_89 : vector<256x64xi1>
    %jit3A_91 = arith.constant -1.000000e+30 : f32
    %broadcast_in_dim3A_92 = vector.broadcast %jit3A_91 : f32 to vector<256x64xf32>
    %select_n3A_93 = arith.select %eq3A_89, %broadcast_in_dim3A_92, %select_n3A_76 : vector<256x64xi1>, vector<256x64xf32>
    %reduce_max3A_94 = arith.constant dense<0xFF800000> : vector<256xf32>
    %reduce_max3A_95 = vector.multi_reduction <maximumf>, %select_n3A_93, %reduce_max3A_94 [1] : vector<256x64xf32> to vector<256xf32>
    %broadcast_in_dim3A_96 = vector.shape_cast %reduce_max3A_95 : vector<256xf32> to vector<256x1xf32>
    %eq3A_97 = vector.broadcast %broadcast_in_dim3A_96 : vector<256x1xf32> to vector<256x64xf32>
    %eq3A_98 = arith.cmpf oeq, %select_n3A_93, %eq3A_97 : vector<256x64xf32>
    %jit3A_99 = arith.constant 64 : i32
    %broadcast_in_dim3A_100 = vector.broadcast %jit3A_99 : i32 to vector<256x64xi32>
    %select_n3A_101 = arith.select %eq3A_98, %iota3A, %broadcast_in_dim3A_100 : vector<256x64xi1>, vector<256x64xi32>
    %reduce_min3A_102 = arith.constant dense<2147483647> : vector<256xi32>
    %reduce_min3A_103 = vector.multi_reduction <minsi>, %select_n3A_101, %reduce_min3A_102 [1] : vector<256x64xi32> to vector<256xi32>
    %broadcast_in_dim3A_104 = vector.shape_cast %reduce_min3A_103 : vector<256xi32> to vector<256x1xi32>
    %eq3A_105 = vector.broadcast %broadcast_in_dim3A_104 : vector<256x1xi32> to vector<256x64xi32>
    %eq3A_106 = arith.cmpi eq, %iota3A, %eq3A_105 : vector<256x64xi32>
    %or3A_107 = arith.ori %or3A_90, %eq3A_106 : vector<256x64xi1>
    %jit3A_108 = arith.constant -1.000000e+30 : f32
    %broadcast_in_dim3A_109 = vector.broadcast %jit3A_108 : f32 to vector<256x64xf32>
    %select_n3A_110 = arith.select %eq3A_106, %broadcast_in_dim3A_109, %select_n3A_93 : vector<256x64xi1>, vector<256x64xf32>
    %reduce_max3A_111 = arith.constant dense<0xFF800000> : vector<256xf32>
    %reduce_max3A_112 = vector.multi_reduction <maximumf>, %select_n3A_110, %reduce_max3A_111 [1] : vector<256x64xf32> to vector<256xf32>
    %broadcast_in_dim3A_113 = vector.shape_cast %reduce_max3A_112 : vector<256xf32> to vector<256x1xf32>
    %eq3A_114 = vector.broadcast %broadcast_in_dim3A_113 : vector<256x1xf32> to vector<256x64xf32>
    %eq3A_115 = arith.cmpf oeq, %select_n3A_110, %eq3A_114 : vector<256x64xf32>
    %jit3A_116 = arith.constant 64 : i32
    %broadcast_in_dim3A_117 = vector.broadcast %jit3A_116 : i32 to vector<256x64xi32>
    %select_n3A_118 = arith.select %eq3A_115, %iota3A, %broadcast_in_dim3A_117 : vector<256x64xi1>, vector<256x64xi32>
    %reduce_min3A_119 = arith.constant dense<2147483647> : vector<256xi32>
    %reduce_min3A_120 = vector.multi_reduction <minsi>, %select_n3A_118, %reduce_min3A_119 [1] : vector<256x64xi32> to vector<256xi32>
    %broadcast_in_dim3A_121 = vector.shape_cast %reduce_min3A_120 : vector<256xi32> to vector<256x1xi32>
    %eq3A_122 = vector.broadcast %broadcast_in_dim3A_121 : vector<256x1xi32> to vector<256x64xi32>
    %eq3A_123 = arith.cmpi eq, %iota3A, %eq3A_122 : vector<256x64xi32>
    %or3A_124 = arith.ori %or3A_107, %eq3A_123 : vector<256x64xi1>
    %jit3A_125 = arith.constant -1.000000e+30 : f32
    %broadcast_in_dim3A_126 = vector.broadcast %jit3A_125 : f32 to vector<256x64xf32>
    %select_n3A_127 = arith.select %eq3A_123, %broadcast_in_dim3A_126, %select_n3A_110 : vector<256x64xi1>, vector<256x64xf32>
    %reduce_max3A_128 = arith.constant dense<0xFF800000> : vector<256xf32>
    %reduce_max3A_129 = vector.multi_reduction <maximumf>, %select_n3A_127, %reduce_max3A_128 [1] : vector<256x64xf32> to vector<256xf32>
    %broadcast_in_dim3A_130 = vector.shape_cast %reduce_max3A_129 : vector<256xf32> to vector<256x1xf32>
    %eq3A_131 = vector.broadcast %broadcast_in_dim3A_130 : vector<256x1xf32> to vector<256x64xf32>
    %eq3A_132 = arith.cmpf oeq, %select_n3A_127, %eq3A_131 : vector<256x64xf32>
    %jit3A_133 = arith.constant 64 : i32
    %broadcast_in_dim3A_134 = vector.broadcast %jit3A_133 : i32 to vector<256x64xi32>
    %select_n3A_135 = arith.select %eq3A_132, %iota3A, %broadcast_in_dim3A_134 : vector<256x64xi1>, vector<256x64xi32>
    %reduce_min3A_136 = arith.constant dense<2147483647> : vector<256xi32>
    %reduce_min3A_137 = vector.multi_reduction <minsi>, %select_n3A_135, %reduce_min3A_136 [1] : vector<256x64xi32> to vector<256xi32>
    %broadcast_in_dim3A_138 = vector.shape_cast %reduce_min3A_137 : vector<256xi32> to vector<256x1xi32>
    %eq3A_139 = vector.broadcast %broadcast_in_dim3A_138 : vector<256x1xi32> to vector<256x64xi32>
    %eq3A_140 = arith.cmpi eq, %iota3A, %eq3A_139 : vector<256x64xi32>
    %or3A_141 = arith.ori %or3A_124, %eq3A_140 : vector<256x64xi1>
    %jit3A_142 = arith.constant -1.000000e+30 : f32
    %broadcast_in_dim3A_143 = vector.broadcast %jit3A_142 : f32 to vector<256x64xf32>
    %select_n3A_144 = arith.select %eq3A_140, %broadcast_in_dim3A_143, %select_n3A_127 : vector<256x64xi1>, vector<256x64xf32>
    %reduce_max3A_145 = arith.constant dense<0xFF800000> : vector<256xf32>
    %reduce_max3A_146 = vector.multi_reduction <maximumf>, %select_n3A_144, %reduce_max3A_145 [1] : vector<256x64xf32> to vector<256xf32>
    %broadcast_in_dim3A_147 = vector.shape_cast %reduce_max3A_146 : vector<256xf32> to vector<256x1xf32>
    %eq3A_148 = vector.broadcast %broadcast_in_dim3A_147 : vector<256x1xf32> to vector<256x64xf32>
    %eq3A_149 = arith.cmpf oeq, %select_n3A_144, %eq3A_148 : vector<256x64xf32>
    %jit3A_150 = arith.constant 64 : i32
    %broadcast_in_dim3A_151 = vector.broadcast %jit3A_150 : i32 to vector<256x64xi32>
    %select_n3A_152 = arith.select %eq3A_149, %iota3A, %broadcast_in_dim3A_151 : vector<256x64xi1>, vector<256x64xi32>
    %reduce_min3A_153 = arith.constant dense<2147483647> : vector<256xi32>
    %reduce_min3A_154 = vector.multi_reduction <minsi>, %select_n3A_152, %reduce_min3A_153 [1] : vector<256x64xi32> to vector<256xi32>
    %broadcast_in_dim3A_155 = vector.shape_cast %reduce_min3A_154 : vector<256xi32> to vector<256x1xi32>
    %eq3A_156 = vector.broadcast %broadcast_in_dim3A_155 : vector<256x1xi32> to vector<256x64xi32>
    %eq3A_157 = arith.cmpi eq, %iota3A, %eq3A_156 : vector<256x64xi32>
    %or3A_158 = arith.ori %or3A_141, %eq3A_157 : vector<256x64xi1>
    %jit3A_159 = arith.constant -1.000000e+30 : f32
    %broadcast_in_dim3A_160 = vector.broadcast %jit3A_159 : f32 to vector<256x64xf32>
    %select_n3A_161 = arith.select %eq3A_157, %broadcast_in_dim3A_160, %select_n3A_144 : vector<256x64xi1>, vector<256x64xf32>
    %reduce_max3A_162 = arith.constant dense<0xFF800000> : vector<256xf32>
    %reduce_max3A_163 = vector.multi_reduction <maximumf>, %select_n3A_161, %reduce_max3A_162 [1] : vector<256x64xf32> to vector<256xf32>
    %broadcast_in_dim3A_164 = vector.shape_cast %reduce_max3A_163 : vector<256xf32> to vector<256x1xf32>
    %eq3A_165 = vector.broadcast %broadcast_in_dim3A_164 : vector<256x1xf32> to vector<256x64xf32>
    %eq3A_166 = arith.cmpf oeq, %select_n3A_161, %eq3A_165 : vector<256x64xf32>
    %jit3A_167 = arith.constant 64 : i32
    %broadcast_in_dim3A_168 = vector.broadcast %jit3A_167 : i32 to vector<256x64xi32>
    %select_n3A_169 = arith.select %eq3A_166, %iota3A, %broadcast_in_dim3A_168 : vector<256x64xi1>, vector<256x64xi32>
    %reduce_min3A_170 = arith.constant dense<2147483647> : vector<256xi32>
    %reduce_min3A_171 = vector.multi_reduction <minsi>, %select_n3A_169, %reduce_min3A_170 [1] : vector<256x64xi32> to vector<256xi32>
    %broadcast_in_dim3A_172 = vector.shape_cast %reduce_min3A_171 : vector<256xi32> to vector<256x1xi32>
    %eq3A_173 = vector.broadcast %broadcast_in_dim3A_172 : vector<256x1xi32> to vector<256x64xi32>
    %eq3A_174 = arith.cmpi eq, %iota3A, %eq3A_173 : vector<256x64xi32>
    %or3A_175 = arith.ori %or3A_158, %eq3A_174 : vector<256x64xi1>
    %concatenate3A = tpu.concatenate %broadcast_in_dim3A_55, %broadcast_in_dim3A_71, %broadcast_in_dim3A_87, %broadcast_in_dim3A_104, %broadcast_in_dim3A_121, %broadcast_in_dim3A_138, %broadcast_in_dim3A_155, %broadcast_in_dim3A_172 in 1 : vector<256x1xi32>, vector<256x1xi32>, vector<256x1xi32>, vector<256x1xi32>, vector<256x1xi32>, vector<256x1xi32>, vector<256x1xi32>, vector<256x1xi32> -> vector<256x8xi32>
    %convert_element_type3A_176 = arith.extui %or3A_175 : vector<256x64xi1> to vector<256x64xi32>
    %convert_element_type3A_177 = arith.sitofp %convert_element_type3A_176 : vector<256x64xi32> to vector<256x64xf32>
    %mul3A_178 = arith.constant 256 : i32
    %mul3A_179 = arith.muli %arg0, %mul3A_178 : i32
    %iota3A_180 = tpu.iota {dimensions = array<i32: 0>} : vector<256x1xi32>
    %add3A_181 = vector.broadcast %mul3A_179 : i32 to vector<256x1xi32>
    %add3A_182 = arith.addi %add3A_181, %iota3A_180 : vector<256x1xi32>
    %mul3A_183 = arith.constant 16 : i32
    %mul3A_184 = vector.broadcast %mul3A_183 : i32 to vector<256x1xi32>
    %mul3A_185 = arith.muli %add3A_182, %mul3A_184 : vector<256x1xi32>
    %shift_right_arithmetic3A = arith.constant 2 : i32
    %shift_right_arithmetic3A_186 = vector.broadcast %shift_right_arithmetic3A : i32 to vector<256x8xi32>
    %shift_right_arithmetic3A_187 = arith.shrsi %concatenate3A, %shift_right_arithmetic3A_186 : vector<256x8xi32>
    %add3A_188 = vector.broadcast %mul3A_185 : vector<256x1xi32> to vector<256x8xi32>
    %add3A_189 = arith.addi %add3A_188, %shift_right_arithmetic3A_187 : vector<256x8xi32>
    %swap3A_190 = arith.constant 0 : index
    %swap3A_191 = arith.constant 0 : index
    %swap3A_192 = vector.load %arg8[%swap3A_190, %swap3A_191] : memref<256x8xi32, #tpu.memory_space<vmem>>, vector<256x8xi32>
    tpu.vector_store %arg8[%swap3A_190, %swap3A_191], %add3A_189 {strides = array<i32>} : memref<256x8xi32, #tpu.memory_space<vmem>>, vector<256x8xi32>,
    %and3A = arith.constant 3 : i32
    %and3A_193 = vector.broadcast %and3A : i32 to vector<256x8xi32>
    %and3A_194 = arith.andi %concatenate3A, %and3A_193 : vector<256x8xi32>
    %swap3A_195 = arith.constant 0 : index
    %swap3A_196 = arith.constant 0 : index
    %swap3A_197 = vector.load %arg9[%swap3A_195, %swap3A_196] : memref<256x8xi32, #tpu.memory_space<vmem>>, vector<256x8xi32>
    tpu.vector_store %arg9[%swap3A_195, %swap3A_196], %and3A_194 {strides = array<i32>} : memref<256x8xi32, #tpu.memory_space<vmem>>, vector<256x8xi32>,
    %get3A_198 = arith.constant 0 : index
    %get3A_199 = arith.constant 0 : index
    %get3A_200 = vector.load %arg6[%get3A_198, %get3A_199] : memref<64x2048xf32, #tpu.memory_space<vmem>>, vector<64x2048xf32>
    %dot_general3A_201 = arith.constant dense<0.000000e+00> : vector<256x2048xf32>
    %dot_general3A_202 = tpu.matmul %convert_element_type3A_177, %get3A_200, %dot_general3A_201 {dimension_numbers = #tpu.dot_dimension_numbers<[1], [0], [0], [1], [0, 0, 1, 1], [], []>, transpose_lhs_hint = false} : vector<256x64xf32>, vector<64x2048xf32>, vector<256x2048xf32> -> vector<256x2048xf32>
    %gt3A = arith.constant 5.000000e-01 : f32
    %gt3A_203 = vector.broadcast %gt3A : f32 to vector<256x2048xf32>
    %gt3A_204 = arith.cmpf ogt, %dot_general3A_202, %gt3A_203 : vector<256x2048xf32>
    %get3A_205 = arith.constant 0 : index
    %get3A_206 = arith.constant 0 : index
    %get3A_207 = vector.load %arg4[%get3A_205, %get3A_206] : memref<64x2048xf32, #tpu.memory_space<vmem>>, vector<64x2048xf32>
    %mul3A_208 = arith.mulf %get3A_207, %get3A_207 : vector<64x2048xf32>
    %reduce_sum3A_209 = arith.constant dense<0.000000e+00> : vector<2048xf32>
    %reduce_sum3A_210 = vector.multi_reduction <add>, %mul3A_208, %reduce_sum3A_209 [0] : vector<64x2048xf32> to vector<2048xf32>
    %broadcast_in_dim3A_211 = vector.shape_cast %reduce_sum3A_210 : vector<2048xf32> to vector<1x2048xf32>
    %sqrt3A_212 = math.sqrt %broadcast_in_dim3A_211 : vector<1x2048xf32>
    %add3A_213 = arith.constant 9.99999993E-9 : f32
    %add3A_214 = vector.broadcast %add3A_213 : f32 to vector<1x2048xf32>
    %add3A_215 = arith.addf %sqrt3A_212, %add3A_214 : vector<1x2048xf32>
    %div3A_216 = arith.constant 1.000000e+00 : f32
    %div3A_217 = vector.broadcast %div3A_216 : f32 to vector<1x2048xf32>
    %div3A_218 = arith.divf %div3A_217, %add3A_215 : vector<1x2048xf32>
    %mul3A_219 = vector.broadcast %div3A_218 : vector<1x2048xf32> to vector<64x2048xf32>
    %mul3A_220 = arith.mulf %get3A_207, %mul3A_219 : vector<64x2048xf32>
    %dot_general3A_221 = arith.constant dense<0.000000e+00> : vector<256x2048xf32>
    %dot_general3A_222 = tpu.matmul %mul3A_13, %mul3A_220, %dot_general3A_221 {dimension_numbers = #tpu.dot_dimension_numbers<[1], [0], [0], [1], [0, 0, 1, 1], [], []>, transpose_lhs_hint = false} : vector<256x64xf32>, vector<64x2048xf32>, vector<256x2048xf32> -> vector<256x2048xf32>
    %sub3A_223 = vector.broadcast %slice3A_14 : vector<256x1xf32> to vector<256x2048xf32>
    %sub3A_224 = arith.subf %dot_general3A_222, %sub3A_223 : vector<256x2048xf32>
    %exp3A_225 = math.exp %sub3A_224 : vector<256x2048xf32>
    %sub3A_226 = arith.constant 1.000000e+00 : f32
    %sub3A_227 = vector.broadcast %sub3A_226 : f32 to vector<256x2048xf32>
    %sub3A_228 = arith.subf %exp3A_225, %sub3A_227 : vector<256x2048xf32>
    %max3A = arith.constant 0.000000e+00 : f32
    %max3A_229 = vector.broadcast %max3A : f32 to vector<256x2048xf32>
    %max3A_230 = arith.maximumf %sub3A_228, %max3A_229 : vector<256x2048xf32>
    %jit3A_231 = arith.constant 0.000000e+00 : f32
    %broadcast_in_dim3A_232 = vector.broadcast %jit3A_231 : f32 to vector<256x2048xf32>
    %select_n3A_233 = arith.select %gt3A_204, %max3A_230, %broadcast_in_dim3A_232 : vector<256x2048xi1>, vector<256x2048xf32>
    %swap3A_234 = arith.constant 0 : index
    %swap3A_235 = arith.constant 0 : index
    %swap3A_236 = vector.load %arg7[%swap3A_234, %swap3A_235] : memref<256x2048xf32, #tpu.memory_space<vmem>>, vector<256x2048xf32>
    tpu.vector_store %arg7[%swap3A_234, %swap3A_235], %select_n3A_233 {strides = array<i32>} : memref<256x2048xf32, #tpu.memory_space<vmem>>, vector<256x2048xf32>,
    return
  }
  func.func @transform_0(%arg0: i32) -> (i32, i32) {
    %c0_i32 = arith.constant 0 : i32
    %c0_i32_0 = arith.constant 0 : i32
    return %arg0, %c0_i32 : i32, i32
  }
  func.func @transform_1(%arg0: i32) -> (i32, i32) {
    %c0_i32 = arith.constant 0 : i32
    %c0_i32_0 = arith.constant 0 : i32
    %c0_i32_1 = arith.constant 0 : i32
    return %c0_i32, %c0_i32_0 : i32, i32
  }
  func.func @transform_2(%arg0: i32) -> (i32, i32) {
    %c0_i32 = arith.constant 0 : i32
    %c0_i32_0 = arith.constant 0 : i32
    %c0_i32_1 = arith.constant 0 : i32
    return %c0_i32, %c0_i32_0 : i32, i32
  }
  func.func @transform_3(%arg0: i32) -> (i32, i32) {
    %c0_i32 = arith.constant 0 : i32
    %c0_i32_0 = arith.constant 0 : i32
    %c0_i32_1 = arith.constant 0 : i32
    return %c0_i32, %c0_i32_0 : i32, i32
  }
  func.func @transform_4(%arg0: i32) -> (i32, i32) {
    %c0_i32 = arith.constant 0 : i32
    %c0_i32_0 = arith.constant 0 : i32
    %c0_i32_1 = arith.constant 0 : i32
    return %c0_i32, %c0_i32_0 : i32, i32
  }
  func.func @transform_5(%arg0: i32) -> (i32, i32) {
    %c0_i32 = arith.constant 0 : i32
    %c0_i32_0 = arith.constant 0 : i32
    %c0_i32_1 = arith.constant 0 : i32
    return %c0_i32, %c0_i32_0 : i32, i32
  }
  func.func @transform_6(%arg0: i32) -> (i32, i32) {
    %c0_i32 = arith.constant 0 : i32
    %c0_i32_0 = arith.constant 0 : i32
    return %arg0, %c0_i32 : i32, i32
  }
  func.func @transform_7(%arg0: i32) -> (i32, i32) {
    %c0_i32 = arith.constant 0 : i32
    %c0_i32_0 = arith.constant 0 : i32
    return %arg0, %c0_i32 : i32, i32
  }
  func.func @transform_8(%arg0: i32) -> (i32, i32) {
    %c0_i32 = arith.constant 0 : i32
    %c0_i32_0 = arith.constant 0 : i32
    return %arg0, %c0_i32 : i32, i32
  }
  func.func @transform_9(%arg0: i32) -> (i32, i32) {
    %c0_i32 = arith.constant 0 : i32
    %c0_i32_0 = arith.constant 0 : i32
    %c0_i32_1 = arith.constant 0 : i32
    return %c0_i32, %c0_i32_0 : i32, i32
  }
}

module attributes {stable_mosaic.version = 14 : i64} {
  func.func @_gate_pre_kernel(%arg0: i32, %arg1: memref<256x1024xf32, #tpu.memory_space<vmem>>, %arg2: memref<1024x128xf32, #tpu.memory_space<vmem>>, %arg3: memref<1x128xf32, #tpu.memory_space<vmem>>, %arg4: memref<64x4096xf32, #tpu.memory_space<vmem>>, %arg5: memref<64x128xf32, #tpu.memory_space<vmem>>, %arg6: memref<128x4096xf32, #tpu.memory_space<vmem>>, %arg7: memref<256x4096xf32, #tpu.memory_space<vmem>>, %arg8: memref<256x8xi32, #tpu.memory_space<vmem>>, %arg9: memref<256x8xi32, #tpu.memory_space<vmem>>, %arg10: memref<8x128xf32, #tpu.memory_space<vmem>>) attributes {dimension_semantics = [#tpu.dimension_semantics<arbitrary>], iteration_bounds = array<i64: 16>, scalar_prefetch = 0 : i64, scratch_operands = 0 : i64, tpu.core_type = #tpu.core_type<tc>, window_params = [{transform_indices = @transform_0, window_bounds = array<i64: 256, 1024>}, {pipeline_mode = #tpu.pipeline_mode<synchronous>, transform_indices = @transform_1, window_bounds = array<i64: 1024, 128>}, {pipeline_mode = #tpu.pipeline_mode<synchronous>, transform_indices = @transform_2, window_bounds = array<i64: 1, 128>}, {pipeline_mode = #tpu.pipeline_mode<synchronous>, transform_indices = @transform_3, window_bounds = array<i64: 64, 4096>}, {pipeline_mode = #tpu.pipeline_mode<synchronous>, transform_indices = @transform_4, window_bounds = array<i64: 64, 128>}, {pipeline_mode = #tpu.pipeline_mode<synchronous>, transform_indices = @transform_5, window_bounds = array<i64: 128, 4096>}, {transform_indices = @transform_6, window_bounds = array<i64: 256, 4096>}, {transform_indices = @transform_7, window_bounds = array<i64: 256, 8>}, {transform_indices = @transform_8, window_bounds = array<i64: 256, 8>}, {pipeline_mode = #tpu.pipeline_mode<synchronous>, transform_indices = @transform_9, window_bounds = array<i64: 8, 128>}]} {
    %eq3A = arith.constant 0 : i32
    %eq3A_0 = arith.cmpi eq, %arg0, %eq3A : i32
    %convert_element_type3A = arith.extui %eq3A_0 : i1 to i32
    %cond3A = arith.constant 0 : i32
    %cond3A_1 = arith.cmpi ne, %convert_element_type3A, %cond3A : i32
    scf.if %cond3A_1 {
      %broadcast_in_dim3A_237 = arith.constant 0.000000e+00 : f32
      %broadcast_in_dim3A_238 = vector.broadcast %broadcast_in_dim3A_237 : f32 to vector<8x128xf32>
      %swap3A_239 = arith.constant 0 : index
      %swap3A_240 = arith.constant 0 : index
      %swap3A_241 = vector.load %arg10[%swap3A_239, %swap3A_240] : memref<8x128xf32, #tpu.memory_space<vmem>>, vector<8x128xf32>
      tpu.vector_store %arg10[%swap3A_239, %swap3A_240], %broadcast_in_dim3A_238 {strides = array<i32>} : memref<8x128xf32, #tpu.memory_space<vmem>>, vector<8x128xf32>,
    } else {
    }
    %get3A = arith.constant 0 : index
    %get3A_2 = arith.constant 0 : index
    %get3A_3 = vector.load %arg1[%get3A, %get3A_2] : memref<256x1024xf32, #tpu.memory_space<vmem>>, vector<256x1024xf32>
    %get3A_4 = arith.constant 0 : index
    %get3A_5 = arith.constant 0 : index
    %get3A_6 = vector.load %arg2[%get3A_4, %get3A_5] : memref<1024x128xf32, #tpu.memory_space<vmem>>, vector<1024x128xf32>
    %dot_general3A = arith.constant dense<0.000000e+00> : vector<256x128xf32>
    %dot_general3A_7 = tpu.matmul %get3A_3, %get3A_6, %dot_general3A {dimension_numbers = #tpu.dot_dimension_numbers<[1], [0], [0], [1], [0, 0, 1, 1], [], []>, transpose_lhs_hint = false} : vector<256x1024xf32>, vector<1024x128xf32>, vector<256x128xf32> -> vector<256x128xf32>
    %get3A_8 = arith.constant 0 : index
    %get3A_9 = arith.constant 0 : index
    %get3A_10 = vector.load %arg3[%get3A_8, %get3A_9] : memref<1x128xf32, #tpu.memory_space<vmem>>, vector<1x128xf32>
    %add3A = vector.broadcast %get3A_10 : vector<1x128xf32> to vector<256x128xf32>
    %add3A_11 = arith.addf %dot_general3A_7, %add3A : vector<256x128xf32>
    %slice3A = vector.extract_strided_slice %add3A_11 {offsets = [0, 0], sizes = [256, 64], strides = [1, 1]} : vector<256x128xf32> to vector<256x64xf32>
    %mul3A = arith.constant 1.11111116 : f32
    %mul3A_12 = vector.broadcast %mul3A : f32 to vector<256x64xf32>
    %mul3A_13 = arith.mulf %slice3A, %mul3A_12 : vector<256x64xf32>
    %slice3A_14 = vector.extract_strided_slice %add3A_11 {offsets = [0, 64], sizes = [256, 1], strides = [1, 1]} : vector<256x128xf32> to vector<256x1xf32>
    %get3A_15 = arith.constant 0 : index
    %get3A_16 = arith.constant 0 : index
    %get3A_17 = vector.load %arg5[%get3A_15, %get3A_16] : memref<64x128xf32, #tpu.memory_space<vmem>>, vector<64x128xf32>
    %mul3A_18 = arith.mulf %get3A_17, %get3A_17 : vector<64x128xf32>
    %reduce_sum3A = arith.constant dense<0.000000e+00> : vector<128xf32>
    %reduce_sum3A_19 = vector.multi_reduction <add>, %mul3A_18, %reduce_sum3A [0] : vector<64x128xf32> to vector<128xf32>
    %broadcast_in_dim3A = vector.shape_cast %reduce_sum3A_19 : vector<128xf32> to vector<1x128xf32>
    %sqrt3A = math.sqrt %broadcast_in_dim3A : vector<1x128xf32>
    %add3A_20 = arith.constant 9.99999993E-9 : f32
    %add3A_21 = vector.broadcast %add3A_20 : f32 to vector<1x128xf32>
    %add3A_22 = arith.addf %sqrt3A, %add3A_21 : vector<1x128xf32>
    %div3A = arith.constant 1.000000e+00 : f32
    %div3A_23 = vector.broadcast %div3A : f32 to vector<1x128xf32>
    %div3A_24 = arith.divf %div3A_23, %add3A_22 : vector<1x128xf32>
    %mul3A_25 = vector.broadcast %div3A_24 : vector<1x128xf32> to vector<64x128xf32>
    %mul3A_26 = arith.mulf %get3A_17, %mul3A_25 : vector<64x128xf32>
    %dot_general3A_27 = arith.constant dense<0.000000e+00> : vector<256x128xf32>
    %dot_general3A_28 = tpu.matmul %mul3A_13, %mul3A_26, %dot_general3A_27 {dimension_numbers = #tpu.dot_dimension_numbers<[1], [0], [0], [1], [0, 0, 1, 1], [], []>, transpose_lhs_hint = false} : vector<256x64xf32>, vector<64x128xf32>, vector<256x128xf32> -> vector<256x128xf32>
    %reduce_max3A = arith.constant dense<0xFF800000> : vector<256xf32>
    %reduce_max3A_29 = vector.multi_reduction <maximumf>, %dot_general3A_28, %reduce_max3A [1] : vector<256x128xf32> to vector<256xf32>
    %broadcast_in_dim3A_30 = vector.shape_cast %reduce_max3A_29 : vector<256xf32> to vector<256x1xf32>
    %sub3A = vector.broadcast %broadcast_in_dim3A_30 : vector<256x1xf32> to vector<256x128xf32>
    %sub3A_31 = arith.subf %dot_general3A_28, %sub3A : vector<256x128xf32>
    %exp3A = math.exp %sub3A_31 : vector<256x128xf32>
    %reduce_sum3A_32 = arith.constant dense<0.000000e+00> : vector<256xf32>
    %reduce_sum3A_33 = vector.multi_reduction <add>, %exp3A, %reduce_sum3A_32 [1] : vector<256x128xf32> to vector<256xf32>
    %broadcast_in_dim3A_34 = vector.shape_cast %reduce_sum3A_33 : vector<256xf32> to vector<256x1xf32>
    %div3A_35 = vector.broadcast %broadcast_in_dim3A_34 : vector<256x1xf32> to vector<256x128xf32>
    %div3A_36 = arith.divf %exp3A, %div3A_35 : vector<256x128xf32>
    %get3A_37 = arith.constant 0 : index
    %get3A_38 = arith.constant 0 : index
    %get3A_39 = vector.load %arg10[%get3A_37, %get3A_38] : memref<8x128xf32, #tpu.memory_space<vmem>>, vector<8x128xf32>
    %reduce_sum3A_40 = arith.constant dense<0.000000e+00> : vector<128xf32>
    %reduce_sum3A_41 = vector.multi_reduction <add>, %div3A_36, %reduce_sum3A_40 [0] : vector<256x128xf32> to vector<128xf32>
    %broadcast_in_dim3A_42 = vector.shape_cast %reduce_sum3A_41 : vector<128xf32> to vector<1x128xf32>
    %broadcast_in_dim3A_43 = vector.shape_cast %broadcast_in_dim3A_42 : vector<1x128xf32> to vector<1x128xf32>
    %broadcast_in_dim3A_44 = vector.broadcast %broadcast_in_dim3A_43 : vector<1x128xf32> to vector<8x128xf32>
    %add3A_45 = arith.addf %get3A_39, %broadcast_in_dim3A_44 : vector<8x128xf32>
    %swap3A = arith.constant 0 : index
    %swap3A_46 = arith.constant 0 : index
    %swap3A_47 = vector.load %arg10[%swap3A, %swap3A_46] : memref<8x128xf32, #tpu.memory_space<vmem>>, vector<8x128xf32>
    tpu.vector_store %arg10[%swap3A, %swap3A_46], %add3A_45 {strides = array<i32>} : memref<8x128xf32, #tpu.memory_space<vmem>>, vector<8x128xf32>,
    %iota3A = tpu.iota {dimensions = array<i32: 1>} : vector<256x128xi32>
    %reduce_max3A_48 = arith.constant dense<0xFF800000> : vector<256xf32>
    %reduce_max3A_49 = vector.multi_reduction <maximumf>, %dot_general3A_28, %reduce_max3A_48 [1] : vector<256x128xf32> to vector<256xf32>
    %broadcast_in_dim3A_50 = vector.shape_cast %reduce_max3A_49 : vector<256xf32> to vector<256x1xf32>
    %eq3A_51 = vector.broadcast %broadcast_in_dim3A_50 : vector<256x1xf32> to vector<256x128xf32>
    %eq3A_52 = arith.cmpf oeq, %dot_general3A_28, %eq3A_51 : vector<256x128xf32>
    %jit3A = arith.constant 128 : i32
    %broadcast_in_dim3A_53 = vector.broadcast %jit3A : i32 to vector<256x128xi32>
    %select_n3A = arith.select %eq3A_52, %iota3A, %broadcast_in_dim3A_53 : vector<256x128xi1>, vector<256x128xi32>
    %reduce_min3A = arith.constant dense<2147483647> : vector<256xi32>
    %reduce_min3A_54 = vector.multi_reduction <minsi>, %select_n3A, %reduce_min3A [1] : vector<256x128xi32> to vector<256xi32>
    %broadcast_in_dim3A_55 = vector.shape_cast %reduce_min3A_54 : vector<256xi32> to vector<256x1xi32>
    %eq3A_56 = vector.broadcast %broadcast_in_dim3A_55 : vector<256x1xi32> to vector<256x128xi32>
    %eq3A_57 = arith.cmpi eq, %iota3A, %eq3A_56 : vector<256x128xi32>
    %jit3A_58 = arith.constant -1.000000e+30 : f32
    %broadcast_in_dim3A_59 = vector.broadcast %jit3A_58 : f32 to vector<256x128xf32>
    %select_n3A_60 = arith.select %eq3A_57, %broadcast_in_dim3A_59, %dot_general3A_28 : vector<256x128xi1>, vector<256x128xf32>
    %reduce_max3A_61 = arith.constant dense<0xFF800000> : vector<256xf32>
    %reduce_max3A_62 = vector.multi_reduction <maximumf>, %select_n3A_60, %reduce_max3A_61 [1] : vector<256x128xf32> to vector<256xf32>
    %broadcast_in_dim3A_63 = vector.shape_cast %reduce_max3A_62 : vector<256xf32> to vector<256x1xf32>
    %eq3A_64 = vector.broadcast %broadcast_in_dim3A_63 : vector<256x1xf32> to vector<256x128xf32>
    %eq3A_65 = arith.cmpf oeq, %select_n3A_60, %eq3A_64 : vector<256x128xf32>
    %jit3A_66 = arith.constant 128 : i32
    %broadcast_in_dim3A_67 = vector.broadcast %jit3A_66 : i32 to vector<256x128xi32>
    %select_n3A_68 = arith.select %eq3A_65, %iota3A, %broadcast_in_dim3A_67 : vector<256x128xi1>, vector<256x128xi32>
    %reduce_min3A_69 = arith.constant dense<2147483647> : vector<256xi32>
    %reduce_min3A_70 = vector.multi_reduction <minsi>, %select_n3A_68, %reduce_min3A_69 [1] : vector<256x128xi32> to vector<256xi32>
    %broadcast_in_dim3A_71 = vector.shape_cast %reduce_min3A_70 : vector<256xi32> to vector<256x1xi32>
    %eq3A_72 = vector.broadcast %broadcast_in_dim3A_71 : vector<256x1xi32> to vector<256x128xi32>
    %eq3A_73 = arith.cmpi eq, %iota3A, %eq3A_72 : vector<256x128xi32>
    %or3A = arith.ori %eq3A_57, %eq3A_73 : vector<256x128xi1>
    %jit3A_74 = arith.constant -1.000000e+30 : f32
    %broadcast_in_dim3A_75 = vector.broadcast %jit3A_74 : f32 to vector<256x128xf32>
    %select_n3A_76 = arith.select %eq3A_73, %broadcast_in_dim3A_75, %select_n3A_60 : vector<256x128xi1>, vector<256x128xf32>
    %reduce_max3A_77 = arith.constant dense<0xFF800000> : vector<256xf32>
    %reduce_max3A_78 = vector.multi_reduction <maximumf>, %select_n3A_76, %reduce_max3A_77 [1] : vector<256x128xf32> to vector<256xf32>
    %broadcast_in_dim3A_79 = vector.shape_cast %reduce_max3A_78 : vector<256xf32> to vector<256x1xf32>
    %eq3A_80 = vector.broadcast %broadcast_in_dim3A_79 : vector<256x1xf32> to vector<256x128xf32>
    %eq3A_81 = arith.cmpf oeq, %select_n3A_76, %eq3A_80 : vector<256x128xf32>
    %jit3A_82 = arith.constant 128 : i32
    %broadcast_in_dim3A_83 = vector.broadcast %jit3A_82 : i32 to vector<256x128xi32>
    %select_n3A_84 = arith.select %eq3A_81, %iota3A, %broadcast_in_dim3A_83 : vector<256x128xi1>, vector<256x128xi32>
    %reduce_min3A_85 = arith.constant dense<2147483647> : vector<256xi32>
    %reduce_min3A_86 = vector.multi_reduction <minsi>, %select_n3A_84, %reduce_min3A_85 [1] : vector<256x128xi32> to vector<256xi32>
    %broadcast_in_dim3A_87 = vector.shape_cast %reduce_min3A_86 : vector<256xi32> to vector<256x1xi32>
    %eq3A_88 = vector.broadcast %broadcast_in_dim3A_87 : vector<256x1xi32> to vector<256x128xi32>
    %eq3A_89 = arith.cmpi eq, %iota3A, %eq3A_88 : vector<256x128xi32>
    %or3A_90 = arith.ori %or3A, %eq3A_89 : vector<256x128xi1>
    %jit3A_91 = arith.constant -1.000000e+30 : f32
    %broadcast_in_dim3A_92 = vector.broadcast %jit3A_91 : f32 to vector<256x128xf32>
    %select_n3A_93 = arith.select %eq3A_89, %broadcast_in_dim3A_92, %select_n3A_76 : vector<256x128xi1>, vector<256x128xf32>
    %reduce_max3A_94 = arith.constant dense<0xFF800000> : vector<256xf32>
    %reduce_max3A_95 = vector.multi_reduction <maximumf>, %select_n3A_93, %reduce_max3A_94 [1] : vector<256x128xf32> to vector<256xf32>
    %broadcast_in_dim3A_96 = vector.shape_cast %reduce_max3A_95 : vector<256xf32> to vector<256x1xf32>
    %eq3A_97 = vector.broadcast %broadcast_in_dim3A_96 : vector<256x1xf32> to vector<256x128xf32>
    %eq3A_98 = arith.cmpf oeq, %select_n3A_93, %eq3A_97 : vector<256x128xf32>
    %jit3A_99 = arith.constant 128 : i32
    %broadcast_in_dim3A_100 = vector.broadcast %jit3A_99 : i32 to vector<256x128xi32>
    %select_n3A_101 = arith.select %eq3A_98, %iota3A, %broadcast_in_dim3A_100 : vector<256x128xi1>, vector<256x128xi32>
    %reduce_min3A_102 = arith.constant dense<2147483647> : vector<256xi32>
    %reduce_min3A_103 = vector.multi_reduction <minsi>, %select_n3A_101, %reduce_min3A_102 [1] : vector<256x128xi32> to vector<256xi32>
    %broadcast_in_dim3A_104 = vector.shape_cast %reduce_min3A_103 : vector<256xi32> to vector<256x1xi32>
    %eq3A_105 = vector.broadcast %broadcast_in_dim3A_104 : vector<256x1xi32> to vector<256x128xi32>
    %eq3A_106 = arith.cmpi eq, %iota3A, %eq3A_105 : vector<256x128xi32>
    %or3A_107 = arith.ori %or3A_90, %eq3A_106 : vector<256x128xi1>
    %jit3A_108 = arith.constant -1.000000e+30 : f32
    %broadcast_in_dim3A_109 = vector.broadcast %jit3A_108 : f32 to vector<256x128xf32>
    %select_n3A_110 = arith.select %eq3A_106, %broadcast_in_dim3A_109, %select_n3A_93 : vector<256x128xi1>, vector<256x128xf32>
    %reduce_max3A_111 = arith.constant dense<0xFF800000> : vector<256xf32>
    %reduce_max3A_112 = vector.multi_reduction <maximumf>, %select_n3A_110, %reduce_max3A_111 [1] : vector<256x128xf32> to vector<256xf32>
    %broadcast_in_dim3A_113 = vector.shape_cast %reduce_max3A_112 : vector<256xf32> to vector<256x1xf32>
    %eq3A_114 = vector.broadcast %broadcast_in_dim3A_113 : vector<256x1xf32> to vector<256x128xf32>
    %eq3A_115 = arith.cmpf oeq, %select_n3A_110, %eq3A_114 : vector<256x128xf32>
    %jit3A_116 = arith.constant 128 : i32
    %broadcast_in_dim3A_117 = vector.broadcast %jit3A_116 : i32 to vector<256x128xi32>
    %select_n3A_118 = arith.select %eq3A_115, %iota3A, %broadcast_in_dim3A_117 : vector<256x128xi1>, vector<256x128xi32>
    %reduce_min3A_119 = arith.constant dense<2147483647> : vector<256xi32>
    %reduce_min3A_120 = vector.multi_reduction <minsi>, %select_n3A_118, %reduce_min3A_119 [1] : vector<256x128xi32> to vector<256xi32>
    %broadcast_in_dim3A_121 = vector.shape_cast %reduce_min3A_120 : vector<256xi32> to vector<256x1xi32>
    %eq3A_122 = vector.broadcast %broadcast_in_dim3A_121 : vector<256x1xi32> to vector<256x128xi32>
    %eq3A_123 = arith.cmpi eq, %iota3A, %eq3A_122 : vector<256x128xi32>
    %or3A_124 = arith.ori %or3A_107, %eq3A_123 : vector<256x128xi1>
    %jit3A_125 = arith.constant -1.000000e+30 : f32
    %broadcast_in_dim3A_126 = vector.broadcast %jit3A_125 : f32 to vector<256x128xf32>
    %select_n3A_127 = arith.select %eq3A_123, %broadcast_in_dim3A_126, %select_n3A_110 : vector<256x128xi1>, vector<256x128xf32>
    %reduce_max3A_128 = arith.constant dense<0xFF800000> : vector<256xf32>
    %reduce_max3A_129 = vector.multi_reduction <maximumf>, %select_n3A_127, %reduce_max3A_128 [1] : vector<256x128xf32> to vector<256xf32>
    %broadcast_in_dim3A_130 = vector.shape_cast %reduce_max3A_129 : vector<256xf32> to vector<256x1xf32>
    %eq3A_131 = vector.broadcast %broadcast_in_dim3A_130 : vector<256x1xf32> to vector<256x128xf32>
    %eq3A_132 = arith.cmpf oeq, %select_n3A_127, %eq3A_131 : vector<256x128xf32>
    %jit3A_133 = arith.constant 128 : i32
    %broadcast_in_dim3A_134 = vector.broadcast %jit3A_133 : i32 to vector<256x128xi32>
    %select_n3A_135 = arith.select %eq3A_132, %iota3A, %broadcast_in_dim3A_134 : vector<256x128xi1>, vector<256x128xi32>
    %reduce_min3A_136 = arith.constant dense<2147483647> : vector<256xi32>
    %reduce_min3A_137 = vector.multi_reduction <minsi>, %select_n3A_135, %reduce_min3A_136 [1] : vector<256x128xi32> to vector<256xi32>
    %broadcast_in_dim3A_138 = vector.shape_cast %reduce_min3A_137 : vector<256xi32> to vector<256x1xi32>
    %eq3A_139 = vector.broadcast %broadcast_in_dim3A_138 : vector<256x1xi32> to vector<256x128xi32>
    %eq3A_140 = arith.cmpi eq, %iota3A, %eq3A_139 : vector<256x128xi32>
    %or3A_141 = arith.ori %or3A_124, %eq3A_140 : vector<256x128xi1>
    %jit3A_142 = arith.constant -1.000000e+30 : f32
    %broadcast_in_dim3A_143 = vector.broadcast %jit3A_142 : f32 to vector<256x128xf32>
    %select_n3A_144 = arith.select %eq3A_140, %broadcast_in_dim3A_143, %select_n3A_127 : vector<256x128xi1>, vector<256x128xf32>
    %reduce_max3A_145 = arith.constant dense<0xFF800000> : vector<256xf32>
    %reduce_max3A_146 = vector.multi_reduction <maximumf>, %select_n3A_144, %reduce_max3A_145 [1] : vector<256x128xf32> to vector<256xf32>
    %broadcast_in_dim3A_147 = vector.shape_cast %reduce_max3A_146 : vector<256xf32> to vector<256x1xf32>
    %eq3A_148 = vector.broadcast %broadcast_in_dim3A_147 : vector<256x1xf32> to vector<256x128xf32>
    %eq3A_149 = arith.cmpf oeq, %select_n3A_144, %eq3A_148 : vector<256x128xf32>
    %jit3A_150 = arith.constant 128 : i32
    %broadcast_in_dim3A_151 = vector.broadcast %jit3A_150 : i32 to vector<256x128xi32>
    %select_n3A_152 = arith.select %eq3A_149, %iota3A, %broadcast_in_dim3A_151 : vector<256x128xi1>, vector<256x128xi32>
    %reduce_min3A_153 = arith.constant dense<2147483647> : vector<256xi32>
    %reduce_min3A_154 = vector.multi_reduction <minsi>, %select_n3A_152, %reduce_min3A_153 [1] : vector<256x128xi32> to vector<256xi32>
    %broadcast_in_dim3A_155 = vector.shape_cast %reduce_min3A_154 : vector<256xi32> to vector<256x1xi32>
    %eq3A_156 = vector.broadcast %broadcast_in_dim3A_155 : vector<256x1xi32> to vector<256x128xi32>
    %eq3A_157 = arith.cmpi eq, %iota3A, %eq3A_156 : vector<256x128xi32>
    %or3A_158 = arith.ori %or3A_141, %eq3A_157 : vector<256x128xi1>
    %jit3A_159 = arith.constant -1.000000e+30 : f32
    %broadcast_in_dim3A_160 = vector.broadcast %jit3A_159 : f32 to vector<256x128xf32>
    %select_n3A_161 = arith.select %eq3A_157, %broadcast_in_dim3A_160, %select_n3A_144 : vector<256x128xi1>, vector<256x128xf32>
    %reduce_max3A_162 = arith.constant dense<0xFF800000> : vector<256xf32>
    %reduce_max3A_163 = vector.multi_reduction <maximumf>, %select_n3A_161, %reduce_max3A_162 [1] : vector<256x128xf32> to vector<256xf32>
    %broadcast_in_dim3A_164 = vector.shape_cast %reduce_max3A_163 : vector<256xf32> to vector<256x1xf32>
    %eq3A_165 = vector.broadcast %broadcast_in_dim3A_164 : vector<256x1xf32> to vector<256x128xf32>
    %eq3A_166 = arith.cmpf oeq, %select_n3A_161, %eq3A_165 : vector<256x128xf32>
    %jit3A_167 = arith.constant 128 : i32
    %broadcast_in_dim3A_168 = vector.broadcast %jit3A_167 : i32 to vector<256x128xi32>
    %select_n3A_169 = arith.select %eq3A_166, %iota3A, %broadcast_in_dim3A_168 : vector<256x128xi1>, vector<256x128xi32>
    %reduce_min3A_170 = arith.constant dense<2147483647> : vector<256xi32>
    %reduce_min3A_171 = vector.multi_reduction <minsi>, %select_n3A_169, %reduce_min3A_170 [1] : vector<256x128xi32> to vector<256xi32>
    %broadcast_in_dim3A_172 = vector.shape_cast %reduce_min3A_171 : vector<256xi32> to vector<256x1xi32>
    %eq3A_173 = vector.broadcast %broadcast_in_dim3A_172 : vector<256x1xi32> to vector<256x128xi32>
    %eq3A_174 = arith.cmpi eq, %iota3A, %eq3A_173 : vector<256x128xi32>
    %or3A_175 = arith.ori %or3A_158, %eq3A_174 : vector<256x128xi1>
    %concatenate3A = tpu.concatenate %broadcast_in_dim3A_55, %broadcast_in_dim3A_71, %broadcast_in_dim3A_87, %broadcast_in_dim3A_104, %broadcast_in_dim3A_121, %broadcast_in_dim3A_138, %broadcast_in_dim3A_155, %broadcast_in_dim3A_172 in 1 : vector<256x1xi32>, vector<256x1xi32>, vector<256x1xi32>, vector<256x1xi32>, vector<256x1xi32>, vector<256x1xi32>, vector<256x1xi32>, vector<256x1xi32> -> vector<256x8xi32>
    %convert_element_type3A_176 = arith.extui %or3A_175 : vector<256x128xi1> to vector<256x128xi32>
    %convert_element_type3A_177 = arith.sitofp %convert_element_type3A_176 : vector<256x128xi32> to vector<256x128xf32>
    %mul3A_178 = arith.constant 256 : i32
    %mul3A_179 = arith.muli %arg0, %mul3A_178 : i32
    %iota3A_180 = tpu.iota {dimensions = array<i32: 0>} : vector<256x1xi32>
    %add3A_181 = vector.broadcast %mul3A_179 : i32 to vector<256x1xi32>
    %add3A_182 = arith.addi %add3A_181, %iota3A_180 : vector<256x1xi32>
    %mul3A_183 = arith.constant 32 : i32
    %mul3A_184 = vector.broadcast %mul3A_183 : i32 to vector<256x1xi32>
    %mul3A_185 = arith.muli %add3A_182, %mul3A_184 : vector<256x1xi32>
    %shift_right_arithmetic3A = arith.constant 2 : i32
    %shift_right_arithmetic3A_186 = vector.broadcast %shift_right_arithmetic3A : i32 to vector<256x8xi32>
    %shift_right_arithmetic3A_187 = arith.shrsi %concatenate3A, %shift_right_arithmetic3A_186 : vector<256x8xi32>
    %add3A_188 = vector.broadcast %mul3A_185 : vector<256x1xi32> to vector<256x8xi32>
    %add3A_189 = arith.addi %add3A_188, %shift_right_arithmetic3A_187 : vector<256x8xi32>
    %swap3A_190 = arith.constant 0 : index
    %swap3A_191 = arith.constant 0 : index
    %swap3A_192 = vector.load %arg8[%swap3A_190, %swap3A_191] : memref<256x8xi32, #tpu.memory_space<vmem>>, vector<256x8xi32>
    tpu.vector_store %arg8[%swap3A_190, %swap3A_191], %add3A_189 {strides = array<i32>} : memref<256x8xi32, #tpu.memory_space<vmem>>, vector<256x8xi32>,
    %and3A = arith.constant 3 : i32
    %and3A_193 = vector.broadcast %and3A : i32 to vector<256x8xi32>
    %and3A_194 = arith.andi %concatenate3A, %and3A_193 : vector<256x8xi32>
    %swap3A_195 = arith.constant 0 : index
    %swap3A_196 = arith.constant 0 : index
    %swap3A_197 = vector.load %arg9[%swap3A_195, %swap3A_196] : memref<256x8xi32, #tpu.memory_space<vmem>>, vector<256x8xi32>
    tpu.vector_store %arg9[%swap3A_195, %swap3A_196], %and3A_194 {strides = array<i32>} : memref<256x8xi32, #tpu.memory_space<vmem>>, vector<256x8xi32>,
    %get3A_198 = arith.constant 0 : index
    %get3A_199 = arith.constant 0 : index
    %get3A_200 = vector.load %arg6[%get3A_198, %get3A_199] : memref<128x4096xf32, #tpu.memory_space<vmem>>, vector<128x4096xf32>
    %dot_general3A_201 = arith.constant dense<0.000000e+00> : vector<256x4096xf32>
    %dot_general3A_202 = tpu.matmul %convert_element_type3A_177, %get3A_200, %dot_general3A_201 {dimension_numbers = #tpu.dot_dimension_numbers<[1], [0], [0], [1], [0, 0, 1, 1], [], []>, transpose_lhs_hint = false} : vector<256x128xf32>, vector<128x4096xf32>, vector<256x4096xf32> -> vector<256x4096xf32>
    %gt3A = arith.constant 5.000000e-01 : f32
    %gt3A_203 = vector.broadcast %gt3A : f32 to vector<256x4096xf32>
    %gt3A_204 = arith.cmpf ogt, %dot_general3A_202, %gt3A_203 : vector<256x4096xf32>
    %get3A_205 = arith.constant 0 : index
    %get3A_206 = arith.constant 0 : index
    %get3A_207 = vector.load %arg4[%get3A_205, %get3A_206] : memref<64x4096xf32, #tpu.memory_space<vmem>>, vector<64x4096xf32>
    %mul3A_208 = arith.mulf %get3A_207, %get3A_207 : vector<64x4096xf32>
    %reduce_sum3A_209 = arith.constant dense<0.000000e+00> : vector<4096xf32>
    %reduce_sum3A_210 = vector.multi_reduction <add>, %mul3A_208, %reduce_sum3A_209 [0] : vector<64x4096xf32> to vector<4096xf32>
    %broadcast_in_dim3A_211 = vector.shape_cast %reduce_sum3A_210 : vector<4096xf32> to vector<1x4096xf32>
    %sqrt3A_212 = math.sqrt %broadcast_in_dim3A_211 : vector<1x4096xf32>
    %add3A_213 = arith.constant 9.99999993E-9 : f32
    %add3A_214 = vector.broadcast %add3A_213 : f32 to vector<1x4096xf32>
    %add3A_215 = arith.addf %sqrt3A_212, %add3A_214 : vector<1x4096xf32>
    %div3A_216 = arith.constant 1.000000e+00 : f32
    %div3A_217 = vector.broadcast %div3A_216 : f32 to vector<1x4096xf32>
    %div3A_218 = arith.divf %div3A_217, %add3A_215 : vector<1x4096xf32>
    %mul3A_219 = vector.broadcast %div3A_218 : vector<1x4096xf32> to vector<64x4096xf32>
    %mul3A_220 = arith.mulf %get3A_207, %mul3A_219 : vector<64x4096xf32>
    %dot_general3A_221 = arith.constant dense<0.000000e+00> : vector<256x4096xf32>
    %dot_general3A_222 = tpu.matmul %mul3A_13, %mul3A_220, %dot_general3A_221 {dimension_numbers = #tpu.dot_dimension_numbers<[1], [0], [0], [1], [0, 0, 1, 1], [], []>, transpose_lhs_hint = false} : vector<256x64xf32>, vector<64x4096xf32>, vector<256x4096xf32> -> vector<256x4096xf32>
    %sub3A_223 = vector.broadcast %slice3A_14 : vector<256x1xf32> to vector<256x4096xf32>
    %sub3A_224 = arith.subf %dot_general3A_222, %sub3A_223 : vector<256x4096xf32>
    %exp3A_225 = math.exp %sub3A_224 : vector<256x4096xf32>
    %sub3A_226 = arith.constant 1.000000e+00 : f32
    %sub3A_227 = vector.broadcast %sub3A_226 : f32 to vector<256x4096xf32>
    %sub3A_228 = arith.subf %exp3A_225, %sub3A_227 : vector<256x4096xf32>
    %max3A = arith.constant 0.000000e+00 : f32
    %max3A_229 = vector.broadcast %max3A : f32 to vector<256x4096xf32>
    %max3A_230 = arith.maximumf %sub3A_228, %max3A_229 : vector<256x4096xf32>
    %jit3A_231 = arith.constant 0.000000e+00 : f32
    %broadcast_in_dim3A_232 = vector.broadcast %jit3A_231 : f32 to vector<256x4096xf32>
    %select_n3A_233 = arith.select %gt3A_204, %max3A_230, %broadcast_in_dim3A_232 : vector<256x4096xi1>, vector<256x4096xf32>
    %swap3A_234 = arith.constant 0 : index
    %swap3A_235 = arith.constant 0 : index
    %swap3A_236 = vector.load %arg7[%swap3A_234, %swap3A_235] : memref<256x4096xf32, #tpu.memory_space<vmem>>, vector<256x4096xf32>
    tpu.vector_store %arg7[%swap3A_234, %swap3A_235], %select_n3A_233 {strides = array<i32>} : memref<256x4096xf32, #tpu.memory_space<vmem>>, vector<256x4096xf32>,
    return
  }
  func.func @transform_0(%arg0: i32) -> (i32, i32) {
    %c0_i32 = arith.constant 0 : i32
    %c0_i32_0 = arith.constant 0 : i32
    return %arg0, %c0_i32 : i32, i32
  }
  func.func @transform_1(%arg0: i32) -> (i32, i32) {
    %c0_i32 = arith.constant 0 : i32
    %c0_i32_0 = arith.constant 0 : i32
    %c0_i32_1 = arith.constant 0 : i32
    return %c0_i32, %c0_i32_0 : i32, i32
  }
  func.func @transform_2(%arg0: i32) -> (i32, i32) {
    %c0_i32 = arith.constant 0 : i32
    %c0_i32_0 = arith.constant 0 : i32
    %c0_i32_1 = arith.constant 0 : i32
    return %c0_i32, %c0_i32_0 : i32, i32
  }
  func.func @transform_3(%arg0: i32) -> (i32, i32) {
    %c0_i32 = arith.constant 0 : i32
    %c0_i32_0 = arith.constant 0 : i32
    %c0_i32_1 = arith.constant 0 : i32
    return %c0_i32, %c0_i32_0 : i32, i32
  }
  func.func @transform_4(%arg0: i32) -> (i32, i32) {
    %c0_i32 = arith.constant 0 : i32
    %c0_i32_0 = arith.constant 0 : i32
    %c0_i32_1 = arith.constant 0 : i32
    return %c0_i32, %c0_i32_0 : i32, i32
  }
  func.func @transform_5(%arg0: i32) -> (i32, i32) {
    %c0_i32 = arith.constant 0 : i32
    %c0_i32_0 = arith.constant 0 : i32
    %c0_i32_1 = arith.constant 0 : i32
    return %c0_i32, %c0_i32_0 : i32, i32
  }
  func.func @transform_6(%arg0: i32) -> (i32, i32) {
    %c0_i32 = arith.constant 0 : i32
    %c0_i32_0 = arith.constant 0 : i32
    return %arg0, %c0_i32 : i32, i32
  }
  func.func @transform_7(%arg0: i32) -> (i32, i32) {
    %c0_i32 = arith.constant 0 : i32
    %c0_i32_0 = arith.constant 0 : i32
    return %arg0, %c0_i32 : i32, i32
  }
  func.func @transform_8(%arg0: i32) -> (i32, i32) {
    %c0_i32 = arith.constant 0 : i32
    %c0_i32_0 = arith.constant 0 : i32
    return %arg0, %c0_i32 : i32, i32
  }
  func.func @transform_9(%arg0: i32) -> (i32, i32) {
    %c0_i32 = arith.constant 0 : i32
    %c0_i32_0 = arith.constant 0 : i32
    %c0_i32_1 = arith.constant 0 : i32
    return %c0_i32, %c0_i32_0 : i32, i32
  }
}

module attributes {stable_mosaic.version = 14 : i64} {
  func.func @_gate_post_kernel(%arg0: i32, %arg1: memref<256x2048xf32, #tpu.memory_space<vmem>>, %arg2: memref<256x1024xf32, #tpu.memory_space<vmem>>, %arg3: memref<256x8xi32, #tpu.memory_space<vmem>>, %arg4: memref<256x2048xf32, #tpu.memory_space<vmem>>, %arg5: memref<8x2048xf32, #tpu.memory_space<vmem>>) attributes {dimension_semantics = [#tpu.dimension_semantics<arbitrary>], iteration_bounds = array<i64: 16>, scalar_prefetch = 0 : i64, scratch_operands = 0 : i64, tpu.core_type = #tpu.core_type<tc>, window_params = [{transform_indices = @transform_0, window_bounds = array<i64: 256, 2048>}, {transform_indices = @transform_1, window_bounds = array<i64: 256, 1024>}, {transform_indices = @transform_2, window_bounds = array<i64: 256, 8>}, {transform_indices = @transform_3, window_bounds = array<i64: 256, 2048>}, {pipeline_mode = #tpu.pipeline_mode<synchronous>, transform_indices = @transform_4, window_bounds = array<i64: 8, 2048>}]} {
    %eq3A = arith.constant 0 : i32
    %eq3A_0 = arith.cmpi eq, %arg0, %eq3A : i32
    %convert_element_type3A = arith.extui %eq3A_0 : i1 to i32
    %cond3A = arith.constant 0 : i32
    %cond3A_1 = arith.cmpi ne, %convert_element_type3A, %cond3A : i32
    scf.if %cond3A_1 {
      %broadcast_in_dim3A_639 = arith.constant 0.000000e+00 : f32
      %broadcast_in_dim3A_640 = vector.broadcast %broadcast_in_dim3A_639 : f32 to vector<8x2048xf32>
      %swap3A_641 = arith.constant 0 : index
      %swap3A_642 = arith.constant 0 : index
      %swap3A_643 = vector.load %arg5[%swap3A_641, %swap3A_642] : memref<8x2048xf32, #tpu.memory_space<vmem>>, vector<8x2048xf32>
      tpu.vector_store %arg5[%swap3A_641, %swap3A_642], %broadcast_in_dim3A_640 {strides = array<i32>} : memref<8x2048xf32, #tpu.memory_space<vmem>>, vector<8x2048xf32>,
    } else {
    }
    %get3A = arith.constant 0 : index
    %get3A_2 = arith.constant 0 : index
    %get3A_3 = vector.load %arg3[%get3A, %get3A_2] : memref<256x8xi32, #tpu.memory_space<vmem>>, vector<256x8xi32>
    %iota3A = tpu.iota {dimensions = array<i32: 1>} : vector<256x128xi32>
    %shift_right_arithmetic3A = arith.constant 5 : i32
    %shift_right_arithmetic3A_4 = vector.broadcast %shift_right_arithmetic3A : i32 to vector<256x128xi32>
    %shift_right_arithmetic3A_5 = arith.shrsi %iota3A, %shift_right_arithmetic3A_4 : vector<256x128xi32>
    %slice3A = vector.extract_strided_slice %get3A_3 {offsets = [0, 0], sizes = [256, 1], strides = [1, 1]} : vector<256x8xi32> to vector<256x1xi32>
    %eq3A_6 = vector.broadcast %slice3A : vector<256x1xi32> to vector<256x128xi32>
    %eq3A_7 = arith.cmpi eq, %shift_right_arithmetic3A_5, %eq3A_6 : vector<256x128xi32>
    %get3A_8 = arith.constant 0 : index
    %get3A_9 = arith.constant 0 : index
    %get3A_10 = vector.load %arg2[%get3A_8, %get3A_9] : memref<256x1024xf32, #tpu.memory_space<vmem>>, vector<256x128xf32>
    %jit3A = arith.constant 0.000000e+00 : f32
    %broadcast_in_dim3A = vector.broadcast %jit3A : f32 to vector<256x128xf32>
    %select_n3A = arith.select %eq3A_7, %get3A_10, %broadcast_in_dim3A : vector<256x128xi1>, vector<256x128xf32>
    %slice3A_11 = vector.extract_strided_slice %get3A_3 {offsets = [0, 1], sizes = [256, 1], strides = [1, 1]} : vector<256x8xi32> to vector<256x1xi32>
    %eq3A_12 = vector.broadcast %slice3A_11 : vector<256x1xi32> to vector<256x128xi32>
    %eq3A_13 = arith.cmpi eq, %shift_right_arithmetic3A_5, %eq3A_12 : vector<256x128xi32>
    %get3A_14 = arith.constant 0 : index
    %get3A_15 = arith.constant 128 : index
    %get3A_16 = vector.load %arg2[%get3A_14, %get3A_15] : memref<256x1024xf32, #tpu.memory_space<vmem>>, vector<256x128xf32>
    %jit3A_17 = arith.constant 0.000000e+00 : f32
    %broadcast_in_dim3A_18 = vector.broadcast %jit3A_17 : f32 to vector<256x128xf32>
    %select_n3A_19 = arith.select %eq3A_13, %get3A_16, %broadcast_in_dim3A_18 : vector<256x128xi1>, vector<256x128xf32>
    %slice3A_20 = vector.extract_strided_slice %get3A_3 {offsets = [0, 2], sizes = [256, 1], strides = [1, 1]} : vector<256x8xi32> to vector<256x1xi32>
    %eq3A_21 = vector.broadcast %slice3A_20 : vector<256x1xi32> to vector<256x128xi32>
    %eq3A_22 = arith.cmpi eq, %shift_right_arithmetic3A_5, %eq3A_21 : vector<256x128xi32>
    %get3A_23 = arith.constant 0 : index
    %get3A_24 = arith.constant 256 : index
    %get3A_25 = vector.load %arg2[%get3A_23, %get3A_24] : memref<256x1024xf32, #tpu.memory_space<vmem>>, vector<256x128xf32>
    %jit3A_26 = arith.constant 0.000000e+00 : f32
    %broadcast_in_dim3A_27 = vector.broadcast %jit3A_26 : f32 to vector<256x128xf32>
    %select_n3A_28 = arith.select %eq3A_22, %get3A_25, %broadcast_in_dim3A_27 : vector<256x128xi1>, vector<256x128xf32>
    %slice3A_29 = vector.extract_strided_slice %get3A_3 {offsets = [0, 3], sizes = [256, 1], strides = [1, 1]} : vector<256x8xi32> to vector<256x1xi32>
    %eq3A_30 = vector.broadcast %slice3A_29 : vector<256x1xi32> to vector<256x128xi32>
    %eq3A_31 = arith.cmpi eq, %shift_right_arithmetic3A_5, %eq3A_30 : vector<256x128xi32>
    %get3A_32 = arith.constant 0 : index
    %get3A_33 = arith.constant 384 : index
    %get3A_34 = vector.load %arg2[%get3A_32, %get3A_33] : memref<256x1024xf32, #tpu.memory_space<vmem>>, vector<256x128xf32>
    %jit3A_35 = arith.constant 0.000000e+00 : f32
    %broadcast_in_dim3A_36 = vector.broadcast %jit3A_35 : f32 to vector<256x128xf32>
    %select_n3A_37 = arith.select %eq3A_31, %get3A_34, %broadcast_in_dim3A_36 : vector<256x128xi1>, vector<256x128xf32>
    %slice3A_38 = vector.extract_strided_slice %get3A_3 {offsets = [0, 4], sizes = [256, 1], strides = [1, 1]} : vector<256x8xi32> to vector<256x1xi32>
    %eq3A_39 = vector.broadcast %slice3A_38 : vector<256x1xi32> to vector<256x128xi32>
    %eq3A_40 = arith.cmpi eq, %shift_right_arithmetic3A_5, %eq3A_39 : vector<256x128xi32>
    %get3A_41 = arith.constant 0 : index
    %get3A_42 = arith.constant 512 : index
    %get3A_43 = vector.load %arg2[%get3A_41, %get3A_42] : memref<256x1024xf32, #tpu.memory_space<vmem>>, vector<256x128xf32>
    %jit3A_44 = arith.constant 0.000000e+00 : f32
    %broadcast_in_dim3A_45 = vector.broadcast %jit3A_44 : f32 to vector<256x128xf32>
    %select_n3A_46 = arith.select %eq3A_40, %get3A_43, %broadcast_in_dim3A_45 : vector<256x128xi1>, vector<256x128xf32>
    %slice3A_47 = vector.extract_strided_slice %get3A_3 {offsets = [0, 5], sizes = [256, 1], strides = [1, 1]} : vector<256x8xi32> to vector<256x1xi32>
    %eq3A_48 = vector.broadcast %slice3A_47 : vector<256x1xi32> to vector<256x128xi32>
    %eq3A_49 = arith.cmpi eq, %shift_right_arithmetic3A_5, %eq3A_48 : vector<256x128xi32>
    %get3A_50 = arith.constant 0 : index
    %get3A_51 = arith.constant 640 : index
    %get3A_52 = vector.load %arg2[%get3A_50, %get3A_51] : memref<256x1024xf32, #tpu.memory_space<vmem>>, vector<256x128xf32>
    %jit3A_53 = arith.constant 0.000000e+00 : f32
    %broadcast_in_dim3A_54 = vector.broadcast %jit3A_53 : f32 to vector<256x128xf32>
    %select_n3A_55 = arith.select %eq3A_49, %get3A_52, %broadcast_in_dim3A_54 : vector<256x128xi1>, vector<256x128xf32>
    %slice3A_56 = vector.extract_strided_slice %get3A_3 {offsets = [0, 6], sizes = [256, 1], strides = [1, 1]} : vector<256x8xi32> to vector<256x1xi32>
    %eq3A_57 = vector.broadcast %slice3A_56 : vector<256x1xi32> to vector<256x128xi32>
    %eq3A_58 = arith.cmpi eq, %shift_right_arithmetic3A_5, %eq3A_57 : vector<256x128xi32>
    %get3A_59 = arith.constant 0 : index
    %get3A_60 = arith.constant 768 : index
    %get3A_61 = vector.load %arg2[%get3A_59, %get3A_60] : memref<256x1024xf32, #tpu.memory_space<vmem>>, vector<256x128xf32>
    %jit3A_62 = arith.constant 0.000000e+00 : f32
    %broadcast_in_dim3A_63 = vector.broadcast %jit3A_62 : f32 to vector<256x128xf32>
    %select_n3A_64 = arith.select %eq3A_58, %get3A_61, %broadcast_in_dim3A_63 : vector<256x128xi1>, vector<256x128xf32>
    %slice3A_65 = vector.extract_strided_slice %get3A_3 {offsets = [0, 7], sizes = [256, 1], strides = [1, 1]} : vector<256x8xi32> to vector<256x1xi32>
    %eq3A_66 = vector.broadcast %slice3A_65 : vector<256x1xi32> to vector<256x128xi32>
    %eq3A_67 = arith.cmpi eq, %shift_right_arithmetic3A_5, %eq3A_66 : vector<256x128xi32>
    %get3A_68 = arith.constant 0 : index
    %get3A_69 = arith.constant 896 : index
    %get3A_70 = vector.load %arg2[%get3A_68, %get3A_69] : memref<256x1024xf32, #tpu.memory_space<vmem>>, vector<256x128xf32>
    %jit3A_71 = arith.constant 0.000000e+00 : f32
    %broadcast_in_dim3A_72 = vector.broadcast %jit3A_71 : f32 to vector<256x128xf32>
    %select_n3A_73 = arith.select %eq3A_67, %get3A_70, %broadcast_in_dim3A_72 : vector<256x128xi1>, vector<256x128xf32>
    %concatenate3A = tpu.concatenate %select_n3A, %select_n3A_19, %select_n3A_28, %select_n3A_37, %select_n3A_46, %select_n3A_55, %select_n3A_64, %select_n3A_73 in 1 : vector<256x128xf32>, vector<256x128xf32>, vector<256x128xf32>, vector<256x128xf32>, vector<256x128xf32>, vector<256x128xf32>, vector<256x128xf32>, vector<256x128xf32> -> vector<256x1024xf32>
    %reduce_max3A = arith.constant dense<0xFF800000> : vector<256xf32>
    %reduce_max3A_74 = vector.multi_reduction <maximumf>, %concatenate3A, %reduce_max3A [1] : vector<256x1024xf32> to vector<256xf32>
    %broadcast_in_dim3A_75 = vector.shape_cast %reduce_max3A_74 : vector<256xf32> to vector<256x1xf32>
    %bitcast_convert_type3A = tpu.bitcast %concatenate3A : vector<256x1024xf32> -> vector<256x1024xi32>
    %broadcast_in_dim3A_76 = arith.constant 0 : i32
    %broadcast_in_dim3A_77 = vector.broadcast %broadcast_in_dim3A_76 : i32 to vector<256x1xi32>
    %bitcast_convert_type3A_78 = tpu.bitcast %broadcast_in_dim3A_75 : vector<256x1xf32> -> vector<256x1xi32>
    %add3A = arith.constant 1 : i32
    %add3A_79 = vector.broadcast %add3A : i32 to vector<256x1xi32>
    %add3A_80 = arith.addi %bitcast_convert_type3A_78, %add3A_79 : vector<256x1xi32>
    %sub3A = arith.subi %add3A_80, %broadcast_in_dim3A_77 : vector<256x1xi32>
    %shift_right_arithmetic3A_81 = arith.constant 1 : i32
    %shift_right_arithmetic3A_82 = vector.broadcast %shift_right_arithmetic3A_81 : i32 to vector<256x1xi32>
    %shift_right_arithmetic3A_83 = arith.shrsi %sub3A, %shift_right_arithmetic3A_82 : vector<256x1xi32>
    %add3A_84 = arith.addi %broadcast_in_dim3A_77, %shift_right_arithmetic3A_83 : vector<256x1xi32>
    %ge3A = vector.broadcast %add3A_84 : vector<256x1xi32> to vector<256x1024xi32>
    %ge3A_85 = arith.cmpi sge, %bitcast_convert_type3A, %ge3A : vector<256x1024xi32>
    %convert_element_type3A_86 = arith.extui %ge3A_85 : vector<256x1024xi1> to vector<256x1024xi32>
    %convert_element_type3A_87 = arith.sitofp %convert_element_type3A_86 : vector<256x1024xi32> to vector<256x1024xf32>
    %reduce_sum3A = arith.constant dense<0.000000e+00> : vector<256xf32>
    %reduce_sum3A_88 = vector.multi_reduction <add>, %convert_element_type3A_87, %reduce_sum3A [1] : vector<256x1024xf32> to vector<256xf32>
    %broadcast_in_dim3A_89 = vector.shape_cast %reduce_sum3A_88 : vector<256xf32> to vector<256x1xf32>
    %ge3A_90 = arith.constant 3.200000e+01 : f32
    %ge3A_91 = vector.broadcast %ge3A_90 : f32 to vector<256x1xf32>
    %ge3A_92 = arith.cmpf oge, %broadcast_in_dim3A_89, %ge3A_91 : vector<256x1xf32>
    %select_n3A_93 = arith.select %ge3A_92, %add3A_84, %broadcast_in_dim3A_77 : vector<256x1xi1>, vector<256x1xi32>
    %select_n3A_94 = arith.select %ge3A_92, %add3A_80, %add3A_84 : vector<256x1xi1>, vector<256x1xi32>
    %sub3A_95 = arith.subi %select_n3A_94, %select_n3A_93 : vector<256x1xi32>
    %shift_right_arithmetic3A_96 = arith.constant 1 : i32
    %shift_right_arithmetic3A_97 = vector.broadcast %shift_right_arithmetic3A_96 : i32 to vector<256x1xi32>
    %shift_right_arithmetic3A_98 = arith.shrsi %sub3A_95, %shift_right_arithmetic3A_97 : vector<256x1xi32>
    %add3A_99 = arith.addi %select_n3A_93, %shift_right_arithmetic3A_98 : vector<256x1xi32>
    %ge3A_100 = vector.broadcast %add3A_99 : vector<256x1xi32> to vector<256x1024xi32>
    %ge3A_101 = arith.cmpi sge, %bitcast_convert_type3A, %ge3A_100 : vector<256x1024xi32>
    %convert_element_type3A_102 = arith.extui %ge3A_101 : vector<256x1024xi1> to vector<256x1024xi32>
    %convert_element_type3A_103 = arith.sitofp %convert_element_type3A_102 : vector<256x1024xi32> to vector<256x1024xf32>
    %reduce_sum3A_104 = arith.constant dense<0.000000e+00> : vector<256xf32>
    %reduce_sum3A_105 = vector.multi_reduction <add>, %convert_element_type3A_103, %reduce_sum3A_104 [1] : vector<256x1024xf32> to vector<256xf32>
    %broadcast_in_dim3A_106 = vector.shape_cast %reduce_sum3A_105 : vector<256xf32> to vector<256x1xf32>
    %ge3A_107 = arith.constant 3.200000e+01 : f32
    %ge3A_108 = vector.broadcast %ge3A_107 : f32 to vector<256x1xf32>
    %ge3A_109 = arith.cmpf oge, %broadcast_in_dim3A_106, %ge3A_108 : vector<256x1xf32>
    %select_n3A_110 = arith.select %ge3A_109, %add3A_99, %select_n3A_93 : vector<256x1xi1>, vector<256x1xi32>
    %select_n3A_111 = arith.select %ge3A_109, %select_n3A_94, %add3A_99 : vector<256x1xi1>, vector<256x1xi32>
    %sub3A_112 = arith.subi %select_n3A_111, %select_n3A_110 : vector<256x1xi32>
    %shift_right_arithmetic3A_113 = arith.constant 1 : i32
    %shift_right_arithmetic3A_114 = vector.broadcast %shift_right_arithmetic3A_113 : i32 to vector<256x1xi32>
    %shift_right_arithmetic3A_115 = arith.shrsi %sub3A_112, %shift_right_arithmetic3A_114 : vector<256x1xi32>
    %add3A_116 = arith.addi %select_n3A_110, %shift_right_arithmetic3A_115 : vector<256x1xi32>
    %ge3A_117 = vector.broadcast %add3A_116 : vector<256x1xi32> to vector<256x1024xi32>
    %ge3A_118 = arith.cmpi sge, %bitcast_convert_type3A, %ge3A_117 : vector<256x1024xi32>
    %convert_element_type3A_119 = arith.extui %ge3A_118 : vector<256x1024xi1> to vector<256x1024xi32>
    %convert_element_type3A_120 = arith.sitofp %convert_element_type3A_119 : vector<256x1024xi32> to vector<256x1024xf32>
    %reduce_sum3A_121 = arith.constant dense<0.000000e+00> : vector<256xf32>
    %reduce_sum3A_122 = vector.multi_reduction <add>, %convert_element_type3A_120, %reduce_sum3A_121 [1] : vector<256x1024xf32> to vector<256xf32>
    %broadcast_in_dim3A_123 = vector.shape_cast %reduce_sum3A_122 : vector<256xf32> to vector<256x1xf32>
    %ge3A_124 = arith.constant 3.200000e+01 : f32
    %ge3A_125 = vector.broadcast %ge3A_124 : f32 to vector<256x1xf32>
    %ge3A_126 = arith.cmpf oge, %broadcast_in_dim3A_123, %ge3A_125 : vector<256x1xf32>
    %select_n3A_127 = arith.select %ge3A_126, %add3A_116, %select_n3A_110 : vector<256x1xi1>, vector<256x1xi32>
    %select_n3A_128 = arith.select %ge3A_126, %select_n3A_111, %add3A_116 : vector<256x1xi1>, vector<256x1xi32>
    %sub3A_129 = arith.subi %select_n3A_128, %select_n3A_127 : vector<256x1xi32>
    %shift_right_arithmetic3A_130 = arith.constant 1 : i32
    %shift_right_arithmetic3A_131 = vector.broadcast %shift_right_arithmetic3A_130 : i32 to vector<256x1xi32>
    %shift_right_arithmetic3A_132 = arith.shrsi %sub3A_129, %shift_right_arithmetic3A_131 : vector<256x1xi32>
    %add3A_133 = arith.addi %select_n3A_127, %shift_right_arithmetic3A_132 : vector<256x1xi32>
    %ge3A_134 = vector.broadcast %add3A_133 : vector<256x1xi32> to vector<256x1024xi32>
    %ge3A_135 = arith.cmpi sge, %bitcast_convert_type3A, %ge3A_134 : vector<256x1024xi32>
    %convert_element_type3A_136 = arith.extui %ge3A_135 : vector<256x1024xi1> to vector<256x1024xi32>
    %convert_element_type3A_137 = arith.sitofp %convert_element_type3A_136 : vector<256x1024xi32> to vector<256x1024xf32>
    %reduce_sum3A_138 = arith.constant dense<0.000000e+00> : vector<256xf32>
    %reduce_sum3A_139 = vector.multi_reduction <add>, %convert_element_type3A_137, %reduce_sum3A_138 [1] : vector<256x1024xf32> to vector<256xf32>
    %broadcast_in_dim3A_140 = vector.shape_cast %reduce_sum3A_139 : vector<256xf32> to vector<256x1xf32>
    %ge3A_141 = arith.constant 3.200000e+01 : f32
    %ge3A_142 = vector.broadcast %ge3A_141 : f32 to vector<256x1xf32>
    %ge3A_143 = arith.cmpf oge, %broadcast_in_dim3A_140, %ge3A_142 : vector<256x1xf32>
    %select_n3A_144 = arith.select %ge3A_143, %add3A_133, %select_n3A_127 : vector<256x1xi1>, vector<256x1xi32>
    %select_n3A_145 = arith.select %ge3A_143, %select_n3A_128, %add3A_133 : vector<256x1xi1>, vector<256x1xi32>
    %sub3A_146 = arith.subi %select_n3A_145, %select_n3A_144 : vector<256x1xi32>
    %shift_right_arithmetic3A_147 = arith.constant 1 : i32
    %shift_right_arithmetic3A_148 = vector.broadcast %shift_right_arithmetic3A_147 : i32 to vector<256x1xi32>
    %shift_right_arithmetic3A_149 = arith.shrsi %sub3A_146, %shift_right_arithmetic3A_148 : vector<256x1xi32>
    %add3A_150 = arith.addi %select_n3A_144, %shift_right_arithmetic3A_149 : vector<256x1xi32>
    %ge3A_151 = vector.broadcast %add3A_150 : vector<256x1xi32> to vector<256x1024xi32>
    %ge3A_152 = arith.cmpi sge, %bitcast_convert_type3A, %ge3A_151 : vector<256x1024xi32>
    %convert_element_type3A_153 = arith.extui %ge3A_152 : vector<256x1024xi1> to vector<256x1024xi32>
    %convert_element_type3A_154 = arith.sitofp %convert_element_type3A_153 : vector<256x1024xi32> to vector<256x1024xf32>
    %reduce_sum3A_155 = arith.constant dense<0.000000e+00> : vector<256xf32>
    %reduce_sum3A_156 = vector.multi_reduction <add>, %convert_element_type3A_154, %reduce_sum3A_155 [1] : vector<256x1024xf32> to vector<256xf32>
    %broadcast_in_dim3A_157 = vector.shape_cast %reduce_sum3A_156 : vector<256xf32> to vector<256x1xf32>
    %ge3A_158 = arith.constant 3.200000e+01 : f32
    %ge3A_159 = vector.broadcast %ge3A_158 : f32 to vector<256x1xf32>
    %ge3A_160 = arith.cmpf oge, %broadcast_in_dim3A_157, %ge3A_159 : vector<256x1xf32>
    %select_n3A_161 = arith.select %ge3A_160, %add3A_150, %select_n3A_144 : vector<256x1xi1>, vector<256x1xi32>
    %select_n3A_162 = arith.select %ge3A_160, %select_n3A_145, %add3A_150 : vector<256x1xi1>, vector<256x1xi32>
    %sub3A_163 = arith.subi %select_n3A_162, %select_n3A_161 : vector<256x1xi32>
    %shift_right_arithmetic3A_164 = arith.constant 1 : i32
    %shift_right_arithmetic3A_165 = vector.broadcast %shift_right_arithmetic3A_164 : i32 to vector<256x1xi32>
    %shift_right_arithmetic3A_166 = arith.shrsi %sub3A_163, %shift_right_arithmetic3A_165 : vector<256x1xi32>
    %add3A_167 = arith.addi %select_n3A_161, %shift_right_arithmetic3A_166 : vector<256x1xi32>
    %ge3A_168 = vector.broadcast %add3A_167 : vector<256x1xi32> to vector<256x1024xi32>
    %ge3A_169 = arith.cmpi sge, %bitcast_convert_type3A, %ge3A_168 : vector<256x1024xi32>
    %convert_element_type3A_170 = arith.extui %ge3A_169 : vector<256x1024xi1> to vector<256x1024xi32>
    %convert_element_type3A_171 = arith.sitofp %convert_element_type3A_170 : vector<256x1024xi32> to vector<256x1024xf32>
    %reduce_sum3A_172 = arith.constant dense<0.000000e+00> : vector<256xf32>
    %reduce_sum3A_173 = vector.multi_reduction <add>, %convert_element_type3A_171, %reduce_sum3A_172 [1] : vector<256x1024xf32> to vector<256xf32>
    %broadcast_in_dim3A_174 = vector.shape_cast %reduce_sum3A_173 : vector<256xf32> to vector<256x1xf32>
    %ge3A_175 = arith.constant 3.200000e+01 : f32
    %ge3A_176 = vector.broadcast %ge3A_175 : f32 to vector<256x1xf32>
    %ge3A_177 = arith.cmpf oge, %broadcast_in_dim3A_174, %ge3A_176 : vector<256x1xf32>
    %select_n3A_178 = arith.select %ge3A_177, %add3A_167, %select_n3A_161 : vector<256x1xi1>, vector<256x1xi32>
    %select_n3A_179 = arith.select %ge3A_177, %select_n3A_162, %add3A_167 : vector<256x1xi1>, vector<256x1xi32>
    %sub3A_180 = arith.subi %select_n3A_179, %select_n3A_178 : vector<256x1xi32>
    %shift_right_arithmetic3A_181 = arith.constant 1 : i32
    %shift_right_arithmetic3A_182 = vector.broadcast %shift_right_arithmetic3A_181 : i32 to vector<256x1xi32>
    %shift_right_arithmetic3A_183 = arith.shrsi %sub3A_180, %shift_right_arithmetic3A_182 : vector<256x1xi32>
    %add3A_184 = arith.addi %select_n3A_178, %shift_right_arithmetic3A_183 : vector<256x1xi32>
    %ge3A_185 = vector.broadcast %add3A_184 : vector<256x1xi32> to vector<256x1024xi32>
    %ge3A_186 = arith.cmpi sge, %bitcast_convert_type3A, %ge3A_185 : vector<256x1024xi32>
    %convert_element_type3A_187 = arith.extui %ge3A_186 : vector<256x1024xi1> to vector<256x1024xi32>
    %convert_element_type3A_188 = arith.sitofp %convert_element_type3A_187 : vector<256x1024xi32> to vector<256x1024xf32>
    %reduce_sum3A_189 = arith.constant dense<0.000000e+00> : vector<256xf32>
    %reduce_sum3A_190 = vector.multi_reduction <add>, %convert_element_type3A_188, %reduce_sum3A_189 [1] : vector<256x1024xf32> to vector<256xf32>
    %broadcast_in_dim3A_191 = vector.shape_cast %reduce_sum3A_190 : vector<256xf32> to vector<256x1xf32>
    %ge3A_192 = arith.constant 3.200000e+01 : f32
    %ge3A_193 = vector.broadcast %ge3A_192 : f32 to vector<256x1xf32>
    %ge3A_194 = arith.cmpf oge, %broadcast_in_dim3A_191, %ge3A_193 : vector<256x1xf32>
    %select_n3A_195 = arith.select %ge3A_194, %add3A_184, %select_n3A_178 : vector<256x1xi1>, vector<256x1xi32>
    %select_n3A_196 = arith.select %ge3A_194, %select_n3A_179, %add3A_184 : vector<256x1xi1>, vector<256x1xi32>
    %sub3A_197 = arith.subi %select_n3A_196, %select_n3A_195 : vector<256x1xi32>
    %shift_right_arithmetic3A_198 = arith.constant 1 : i32
    %shift_right_arithmetic3A_199 = vector.broadcast %shift_right_arithmetic3A_198 : i32 to vector<256x1xi32>
    %shift_right_arithmetic3A_200 = arith.shrsi %sub3A_197, %shift_right_arithmetic3A_199 : vector<256x1xi32>
    %add3A_201 = arith.addi %select_n3A_195, %shift_right_arithmetic3A_200 : vector<256x1xi32>
    %ge3A_202 = vector.broadcast %add3A_201 : vector<256x1xi32> to vector<256x1024xi32>
    %ge3A_203 = arith.cmpi sge, %bitcast_convert_type3A, %ge3A_202 : vector<256x1024xi32>
    %convert_element_type3A_204 = arith.extui %ge3A_203 : vector<256x1024xi1> to vector<256x1024xi32>
    %convert_element_type3A_205 = arith.sitofp %convert_element_type3A_204 : vector<256x1024xi32> to vector<256x1024xf32>
    %reduce_sum3A_206 = arith.constant dense<0.000000e+00> : vector<256xf32>
    %reduce_sum3A_207 = vector.multi_reduction <add>, %convert_element_type3A_205, %reduce_sum3A_206 [1] : vector<256x1024xf32> to vector<256xf32>
    %broadcast_in_dim3A_208 = vector.shape_cast %reduce_sum3A_207 : vector<256xf32> to vector<256x1xf32>
    %ge3A_209 = arith.constant 3.200000e+01 : f32
    %ge3A_210 = vector.broadcast %ge3A_209 : f32 to vector<256x1xf32>
    %ge3A_211 = arith.cmpf oge, %broadcast_in_dim3A_208, %ge3A_210 : vector<256x1xf32>
    %select_n3A_212 = arith.select %ge3A_211, %add3A_201, %select_n3A_195 : vector<256x1xi1>, vector<256x1xi32>
    %select_n3A_213 = arith.select %ge3A_211, %select_n3A_196, %add3A_201 : vector<256x1xi1>, vector<256x1xi32>
    %sub3A_214 = arith.subi %select_n3A_213, %select_n3A_212 : vector<256x1xi32>
    %shift_right_arithmetic3A_215 = arith.constant 1 : i32
    %shift_right_arithmetic3A_216 = vector.broadcast %shift_right_arithmetic3A_215 : i32 to vector<256x1xi32>
    %shift_right_arithmetic3A_217 = arith.shrsi %sub3A_214, %shift_right_arithmetic3A_216 : vector<256x1xi32>
    %add3A_218 = arith.addi %select_n3A_212, %shift_right_arithmetic3A_217 : vector<256x1xi32>
    %ge3A_219 = vector.broadcast %add3A_218 : vector<256x1xi32> to vector<256x1024xi32>
    %ge3A_220 = arith.cmpi sge, %bitcast_convert_type3A, %ge3A_219 : vector<256x1024xi32>
    %convert_element_type3A_221 = arith.extui %ge3A_220 : vector<256x1024xi1> to vector<256x1024xi32>
    %convert_element_type3A_222 = arith.sitofp %convert_element_type3A_221 : vector<256x1024xi32> to vector<256x1024xf32>
    %reduce_sum3A_223 = arith.constant dense<0.000000e+00> : vector<256xf32>
    %reduce_sum3A_224 = vector.multi_reduction <add>, %convert_element_type3A_222, %reduce_sum3A_223 [1] : vector<256x1024xf32> to vector<256xf32>
    %broadcast_in_dim3A_225 = vector.shape_cast %reduce_sum3A_224 : vector<256xf32> to vector<256x1xf32>
    %ge3A_226 = arith.constant 3.200000e+01 : f32
    %ge3A_227 = vector.broadcast %ge3A_226 : f32 to vector<256x1xf32>
    %ge3A_228 = arith.cmpf oge, %broadcast_in_dim3A_225, %ge3A_227 : vector<256x1xf32>
    %select_n3A_229 = arith.select %ge3A_228, %add3A_218, %select_n3A_212 : vector<256x1xi1>, vector<256x1xi32>
    %select_n3A_230 = arith.select %ge3A_228, %select_n3A_213, %add3A_218 : vector<256x1xi1>, vector<256x1xi32>
    %sub3A_231 = arith.subi %select_n3A_230, %select_n3A_229 : vector<256x1xi32>
    %shift_right_arithmetic3A_232 = arith.constant 1 : i32
    %shift_right_arithmetic3A_233 = vector.broadcast %shift_right_arithmetic3A_232 : i32 to vector<256x1xi32>
    %shift_right_arithmetic3A_234 = arith.shrsi %sub3A_231, %shift_right_arithmetic3A_233 : vector<256x1xi32>
    %add3A_235 = arith.addi %select_n3A_229, %shift_right_arithmetic3A_234 : vector<256x1xi32>
    %ge3A_236 = vector.broadcast %add3A_235 : vector<256x1xi32> to vector<256x1024xi32>
    %ge3A_237 = arith.cmpi sge, %bitcast_convert_type3A, %ge3A_236 : vector<256x1024xi32>
    %convert_element_type3A_238 = arith.extui %ge3A_237 : vector<256x1024xi1> to vector<256x1024xi32>
    %convert_element_type3A_239 = arith.sitofp %convert_element_type3A_238 : vector<256x1024xi32> to vector<256x1024xf32>
    %reduce_sum3A_240 = arith.constant dense<0.000000e+00> : vector<256xf32>
    %reduce_sum3A_241 = vector.multi_reduction <add>, %convert_element_type3A_239, %reduce_sum3A_240 [1] : vector<256x1024xf32> to vector<256xf32>
    %broadcast_in_dim3A_242 = vector.shape_cast %reduce_sum3A_241 : vector<256xf32> to vector<256x1xf32>
    %ge3A_243 = arith.constant 3.200000e+01 : f32
    %ge3A_244 = vector.broadcast %ge3A_243 : f32 to vector<256x1xf32>
    %ge3A_245 = arith.cmpf oge, %broadcast_in_dim3A_242, %ge3A_244 : vector<256x1xf32>
    %select_n3A_246 = arith.select %ge3A_245, %add3A_235, %select_n3A_229 : vector<256x1xi1>, vector<256x1xi32>
    %select_n3A_247 = arith.select %ge3A_245, %select_n3A_230, %add3A_235 : vector<256x1xi1>, vector<256x1xi32>
    %sub3A_248 = arith.subi %select_n3A_247, %select_n3A_246 : vector<256x1xi32>
    %shift_right_arithmetic3A_249 = arith.constant 1 : i32
    %shift_right_arithmetic3A_250 = vector.broadcast %shift_right_arithmetic3A_249 : i32 to vector<256x1xi32>
    %shift_right_arithmetic3A_251 = arith.shrsi %sub3A_248, %shift_right_arithmetic3A_250 : vector<256x1xi32>
    %add3A_252 = arith.addi %select_n3A_246, %shift_right_arithmetic3A_251 : vector<256x1xi32>
    %ge3A_253 = vector.broadcast %add3A_252 : vector<256x1xi32> to vector<256x1024xi32>
    %ge3A_254 = arith.cmpi sge, %bitcast_convert_type3A, %ge3A_253 : vector<256x1024xi32>
    %convert_element_type3A_255 = arith.extui %ge3A_254 : vector<256x1024xi1> to vector<256x1024xi32>
    %convert_element_type3A_256 = arith.sitofp %convert_element_type3A_255 : vector<256x1024xi32> to vector<256x1024xf32>
    %reduce_sum3A_257 = arith.constant dense<0.000000e+00> : vector<256xf32>
    %reduce_sum3A_258 = vector.multi_reduction <add>, %convert_element_type3A_256, %reduce_sum3A_257 [1] : vector<256x1024xf32> to vector<256xf32>
    %broadcast_in_dim3A_259 = vector.shape_cast %reduce_sum3A_258 : vector<256xf32> to vector<256x1xf32>
    %ge3A_260 = arith.constant 3.200000e+01 : f32
    %ge3A_261 = vector.broadcast %ge3A_260 : f32 to vector<256x1xf32>
    %ge3A_262 = arith.cmpf oge, %broadcast_in_dim3A_259, %ge3A_261 : vector<256x1xf32>
    %select_n3A_263 = arith.select %ge3A_262, %add3A_252, %select_n3A_246 : vector<256x1xi1>, vector<256x1xi32>
    %select_n3A_264 = arith.select %ge3A_262, %select_n3A_247, %add3A_252 : vector<256x1xi1>, vector<256x1xi32>
    %sub3A_265 = arith.subi %select_n3A_264, %select_n3A_263 : vector<256x1xi32>
    %shift_right_arithmetic3A_266 = arith.constant 1 : i32
    %shift_right_arithmetic3A_267 = vector.broadcast %shift_right_arithmetic3A_266 : i32 to vector<256x1xi32>
    %shift_right_arithmetic3A_268 = arith.shrsi %sub3A_265, %shift_right_arithmetic3A_267 : vector<256x1xi32>
    %add3A_269 = arith.addi %select_n3A_263, %shift_right_arithmetic3A_268 : vector<256x1xi32>
    %ge3A_270 = vector.broadcast %add3A_269 : vector<256x1xi32> to vector<256x1024xi32>
    %ge3A_271 = arith.cmpi sge, %bitcast_convert_type3A, %ge3A_270 : vector<256x1024xi32>
    %convert_element_type3A_272 = arith.extui %ge3A_271 : vector<256x1024xi1> to vector<256x1024xi32>
    %convert_element_type3A_273 = arith.sitofp %convert_element_type3A_272 : vector<256x1024xi32> to vector<256x1024xf32>
    %reduce_sum3A_274 = arith.constant dense<0.000000e+00> : vector<256xf32>
    %reduce_sum3A_275 = vector.multi_reduction <add>, %convert_element_type3A_273, %reduce_sum3A_274 [1] : vector<256x1024xf32> to vector<256xf32>
    %broadcast_in_dim3A_276 = vector.shape_cast %reduce_sum3A_275 : vector<256xf32> to vector<256x1xf32>
    %ge3A_277 = arith.constant 3.200000e+01 : f32
    %ge3A_278 = vector.broadcast %ge3A_277 : f32 to vector<256x1xf32>
    %ge3A_279 = arith.cmpf oge, %broadcast_in_dim3A_276, %ge3A_278 : vector<256x1xf32>
    %select_n3A_280 = arith.select %ge3A_279, %add3A_269, %select_n3A_263 : vector<256x1xi1>, vector<256x1xi32>
    %select_n3A_281 = arith.select %ge3A_279, %select_n3A_264, %add3A_269 : vector<256x1xi1>, vector<256x1xi32>
    %sub3A_282 = arith.subi %select_n3A_281, %select_n3A_280 : vector<256x1xi32>
    %shift_right_arithmetic3A_283 = arith.constant 1 : i32
    %shift_right_arithmetic3A_284 = vector.broadcast %shift_right_arithmetic3A_283 : i32 to vector<256x1xi32>
    %shift_right_arithmetic3A_285 = arith.shrsi %sub3A_282, %shift_right_arithmetic3A_284 : vector<256x1xi32>
    %add3A_286 = arith.addi %select_n3A_280, %shift_right_arithmetic3A_285 : vector<256x1xi32>
    %ge3A_287 = vector.broadcast %add3A_286 : vector<256x1xi32> to vector<256x1024xi32>
    %ge3A_288 = arith.cmpi sge, %bitcast_convert_type3A, %ge3A_287 : vector<256x1024xi32>
    %convert_element_type3A_289 = arith.extui %ge3A_288 : vector<256x1024xi1> to vector<256x1024xi32>
    %convert_element_type3A_290 = arith.sitofp %convert_element_type3A_289 : vector<256x1024xi32> to vector<256x1024xf32>
    %reduce_sum3A_291 = arith.constant dense<0.000000e+00> : vector<256xf32>
    %reduce_sum3A_292 = vector.multi_reduction <add>, %convert_element_type3A_290, %reduce_sum3A_291 [1] : vector<256x1024xf32> to vector<256xf32>
    %broadcast_in_dim3A_293 = vector.shape_cast %reduce_sum3A_292 : vector<256xf32> to vector<256x1xf32>
    %ge3A_294 = arith.constant 3.200000e+01 : f32
    %ge3A_295 = vector.broadcast %ge3A_294 : f32 to vector<256x1xf32>
    %ge3A_296 = arith.cmpf oge, %broadcast_in_dim3A_293, %ge3A_295 : vector<256x1xf32>
    %select_n3A_297 = arith.select %ge3A_296, %add3A_286, %select_n3A_280 : vector<256x1xi1>, vector<256x1xi32>
    %select_n3A_298 = arith.select %ge3A_296, %select_n3A_281, %add3A_286 : vector<256x1xi1>, vector<256x1xi32>
    %sub3A_299 = arith.subi %select_n3A_298, %select_n3A_297 : vector<256x1xi32>
    %shift_right_arithmetic3A_300 = arith.constant 1 : i32
    %shift_right_arithmetic3A_301 = vector.broadcast %shift_right_arithmetic3A_300 : i32 to vector<256x1xi32>
    %shift_right_arithmetic3A_302 = arith.shrsi %sub3A_299, %shift_right_arithmetic3A_301 : vector<256x1xi32>
    %add3A_303 = arith.addi %select_n3A_297, %shift_right_arithmetic3A_302 : vector<256x1xi32>
    %ge3A_304 = vector.broadcast %add3A_303 : vector<256x1xi32> to vector<256x1024xi32>
    %ge3A_305 = arith.cmpi sge, %bitcast_convert_type3A, %ge3A_304 : vector<256x1024xi32>
    %convert_element_type3A_306 = arith.extui %ge3A_305 : vector<256x1024xi1> to vector<256x1024xi32>
    %convert_element_type3A_307 = arith.sitofp %convert_element_type3A_306 : vector<256x1024xi32> to vector<256x1024xf32>
    %reduce_sum3A_308 = arith.constant dense<0.000000e+00> : vector<256xf32>
    %reduce_sum3A_309 = vector.multi_reduction <add>, %convert_element_type3A_307, %reduce_sum3A_308 [1] : vector<256x1024xf32> to vector<256xf32>
    %broadcast_in_dim3A_310 = vector.shape_cast %reduce_sum3A_309 : vector<256xf32> to vector<256x1xf32>
    %ge3A_311 = arith.constant 3.200000e+01 : f32
    %ge3A_312 = vector.broadcast %ge3A_311 : f32 to vector<256x1xf32>
    %ge3A_313 = arith.cmpf oge, %broadcast_in_dim3A_310, %ge3A_312 : vector<256x1xf32>
    %select_n3A_314 = arith.select %ge3A_313, %add3A_303, %select_n3A_297 : vector<256x1xi1>, vector<256x1xi32>
    %select_n3A_315 = arith.select %ge3A_313, %select_n3A_298, %add3A_303 : vector<256x1xi1>, vector<256x1xi32>
    %sub3A_316 = arith.subi %select_n3A_315, %select_n3A_314 : vector<256x1xi32>
    %shift_right_arithmetic3A_317 = arith.constant 1 : i32
    %shift_right_arithmetic3A_318 = vector.broadcast %shift_right_arithmetic3A_317 : i32 to vector<256x1xi32>
    %shift_right_arithmetic3A_319 = arith.shrsi %sub3A_316, %shift_right_arithmetic3A_318 : vector<256x1xi32>
    %add3A_320 = arith.addi %select_n3A_314, %shift_right_arithmetic3A_319 : vector<256x1xi32>
    %ge3A_321 = vector.broadcast %add3A_320 : vector<256x1xi32> to vector<256x1024xi32>
    %ge3A_322 = arith.cmpi sge, %bitcast_convert_type3A, %ge3A_321 : vector<256x1024xi32>
    %convert_element_type3A_323 = arith.extui %ge3A_322 : vector<256x1024xi1> to vector<256x1024xi32>
    %convert_element_type3A_324 = arith.sitofp %convert_element_type3A_323 : vector<256x1024xi32> to vector<256x1024xf32>
    %reduce_sum3A_325 = arith.constant dense<0.000000e+00> : vector<256xf32>
    %reduce_sum3A_326 = vector.multi_reduction <add>, %convert_element_type3A_324, %reduce_sum3A_325 [1] : vector<256x1024xf32> to vector<256xf32>
    %broadcast_in_dim3A_327 = vector.shape_cast %reduce_sum3A_326 : vector<256xf32> to vector<256x1xf32>
    %ge3A_328 = arith.constant 3.200000e+01 : f32
    %ge3A_329 = vector.broadcast %ge3A_328 : f32 to vector<256x1xf32>
    %ge3A_330 = arith.cmpf oge, %broadcast_in_dim3A_327, %ge3A_329 : vector<256x1xf32>
    %select_n3A_331 = arith.select %ge3A_330, %add3A_320, %select_n3A_314 : vector<256x1xi1>, vector<256x1xi32>
    %select_n3A_332 = arith.select %ge3A_330, %select_n3A_315, %add3A_320 : vector<256x1xi1>, vector<256x1xi32>
    %sub3A_333 = arith.subi %select_n3A_332, %select_n3A_331 : vector<256x1xi32>
    %shift_right_arithmetic3A_334 = arith.constant 1 : i32
    %shift_right_arithmetic3A_335 = vector.broadcast %shift_right_arithmetic3A_334 : i32 to vector<256x1xi32>
    %shift_right_arithmetic3A_336 = arith.shrsi %sub3A_333, %shift_right_arithmetic3A_335 : vector<256x1xi32>
    %add3A_337 = arith.addi %select_n3A_331, %shift_right_arithmetic3A_336 : vector<256x1xi32>
    %ge3A_338 = vector.broadcast %add3A_337 : vector<256x1xi32> to vector<256x1024xi32>
    %ge3A_339 = arith.cmpi sge, %bitcast_convert_type3A, %ge3A_338 : vector<256x1024xi32>
    %convert_element_type3A_340 = arith.extui %ge3A_339 : vector<256x1024xi1> to vector<256x1024xi32>
    %convert_element_type3A_341 = arith.sitofp %convert_element_type3A_340 : vector<256x1024xi32> to vector<256x1024xf32>
    %reduce_sum3A_342 = arith.constant dense<0.000000e+00> : vector<256xf32>
    %reduce_sum3A_343 = vector.multi_reduction <add>, %convert_element_type3A_341, %reduce_sum3A_342 [1] : vector<256x1024xf32> to vector<256xf32>
    %broadcast_in_dim3A_344 = vector.shape_cast %reduce_sum3A_343 : vector<256xf32> to vector<256x1xf32>
    %ge3A_345 = arith.constant 3.200000e+01 : f32
    %ge3A_346 = vector.broadcast %ge3A_345 : f32 to vector<256x1xf32>
    %ge3A_347 = arith.cmpf oge, %broadcast_in_dim3A_344, %ge3A_346 : vector<256x1xf32>
    %select_n3A_348 = arith.select %ge3A_347, %add3A_337, %select_n3A_331 : vector<256x1xi1>, vector<256x1xi32>
    %select_n3A_349 = arith.select %ge3A_347, %select_n3A_332, %add3A_337 : vector<256x1xi1>, vector<256x1xi32>
    %sub3A_350 = arith.subi %select_n3A_349, %select_n3A_348 : vector<256x1xi32>
    %shift_right_arithmetic3A_351 = arith.constant 1 : i32
    %shift_right_arithmetic3A_352 = vector.broadcast %shift_right_arithmetic3A_351 : i32 to vector<256x1xi32>
    %shift_right_arithmetic3A_353 = arith.shrsi %sub3A_350, %shift_right_arithmetic3A_352 : vector<256x1xi32>
    %add3A_354 = arith.addi %select_n3A_348, %shift_right_arithmetic3A_353 : vector<256x1xi32>
    %ge3A_355 = vector.broadcast %add3A_354 : vector<256x1xi32> to vector<256x1024xi32>
    %ge3A_356 = arith.cmpi sge, %bitcast_convert_type3A, %ge3A_355 : vector<256x1024xi32>
    %convert_element_type3A_357 = arith.extui %ge3A_356 : vector<256x1024xi1> to vector<256x1024xi32>
    %convert_element_type3A_358 = arith.sitofp %convert_element_type3A_357 : vector<256x1024xi32> to vector<256x1024xf32>
    %reduce_sum3A_359 = arith.constant dense<0.000000e+00> : vector<256xf32>
    %reduce_sum3A_360 = vector.multi_reduction <add>, %convert_element_type3A_358, %reduce_sum3A_359 [1] : vector<256x1024xf32> to vector<256xf32>
    %broadcast_in_dim3A_361 = vector.shape_cast %reduce_sum3A_360 : vector<256xf32> to vector<256x1xf32>
    %ge3A_362 = arith.constant 3.200000e+01 : f32
    %ge3A_363 = vector.broadcast %ge3A_362 : f32 to vector<256x1xf32>
    %ge3A_364 = arith.cmpf oge, %broadcast_in_dim3A_361, %ge3A_363 : vector<256x1xf32>
    %select_n3A_365 = arith.select %ge3A_364, %add3A_354, %select_n3A_348 : vector<256x1xi1>, vector<256x1xi32>
    %select_n3A_366 = arith.select %ge3A_364, %select_n3A_349, %add3A_354 : vector<256x1xi1>, vector<256x1xi32>
    %sub3A_367 = arith.subi %select_n3A_366, %select_n3A_365 : vector<256x1xi32>
    %shift_right_arithmetic3A_368 = arith.constant 1 : i32
    %shift_right_arithmetic3A_369 = vector.broadcast %shift_right_arithmetic3A_368 : i32 to vector<256x1xi32>
    %shift_right_arithmetic3A_370 = arith.shrsi %sub3A_367, %shift_right_arithmetic3A_369 : vector<256x1xi32>
    %add3A_371 = arith.addi %select_n3A_365, %shift_right_arithmetic3A_370 : vector<256x1xi32>
    %ge3A_372 = vector.broadcast %add3A_371 : vector<256x1xi32> to vector<256x1024xi32>
    %ge3A_373 = arith.cmpi sge, %bitcast_convert_type3A, %ge3A_372 : vector<256x1024xi32>
    %convert_element_type3A_374 = arith.extui %ge3A_373 : vector<256x1024xi1> to vector<256x1024xi32>
    %convert_element_type3A_375 = arith.sitofp %convert_element_type3A_374 : vector<256x1024xi32> to vector<256x1024xf32>
    %reduce_sum3A_376 = arith.constant dense<0.000000e+00> : vector<256xf32>
    %reduce_sum3A_377 = vector.multi_reduction <add>, %convert_element_type3A_375, %reduce_sum3A_376 [1] : vector<256x1024xf32> to vector<256xf32>
    %broadcast_in_dim3A_378 = vector.shape_cast %reduce_sum3A_377 : vector<256xf32> to vector<256x1xf32>
    %ge3A_379 = arith.constant 3.200000e+01 : f32
    %ge3A_380 = vector.broadcast %ge3A_379 : f32 to vector<256x1xf32>
    %ge3A_381 = arith.cmpf oge, %broadcast_in_dim3A_378, %ge3A_380 : vector<256x1xf32>
    %select_n3A_382 = arith.select %ge3A_381, %add3A_371, %select_n3A_365 : vector<256x1xi1>, vector<256x1xi32>
    %select_n3A_383 = arith.select %ge3A_381, %select_n3A_366, %add3A_371 : vector<256x1xi1>, vector<256x1xi32>
    %sub3A_384 = arith.subi %select_n3A_383, %select_n3A_382 : vector<256x1xi32>
    %shift_right_arithmetic3A_385 = arith.constant 1 : i32
    %shift_right_arithmetic3A_386 = vector.broadcast %shift_right_arithmetic3A_385 : i32 to vector<256x1xi32>
    %shift_right_arithmetic3A_387 = arith.shrsi %sub3A_384, %shift_right_arithmetic3A_386 : vector<256x1xi32>
    %add3A_388 = arith.addi %select_n3A_382, %shift_right_arithmetic3A_387 : vector<256x1xi32>
    %ge3A_389 = vector.broadcast %add3A_388 : vector<256x1xi32> to vector<256x1024xi32>
    %ge3A_390 = arith.cmpi sge, %bitcast_convert_type3A, %ge3A_389 : vector<256x1024xi32>
    %convert_element_type3A_391 = arith.extui %ge3A_390 : vector<256x1024xi1> to vector<256x1024xi32>
    %convert_element_type3A_392 = arith.sitofp %convert_element_type3A_391 : vector<256x1024xi32> to vector<256x1024xf32>
    %reduce_sum3A_393 = arith.constant dense<0.000000e+00> : vector<256xf32>
    %reduce_sum3A_394 = vector.multi_reduction <add>, %convert_element_type3A_392, %reduce_sum3A_393 [1] : vector<256x1024xf32> to vector<256xf32>
    %broadcast_in_dim3A_395 = vector.shape_cast %reduce_sum3A_394 : vector<256xf32> to vector<256x1xf32>
    %ge3A_396 = arith.constant 3.200000e+01 : f32
    %ge3A_397 = vector.broadcast %ge3A_396 : f32 to vector<256x1xf32>
    %ge3A_398 = arith.cmpf oge, %broadcast_in_dim3A_395, %ge3A_397 : vector<256x1xf32>
    %select_n3A_399 = arith.select %ge3A_398, %add3A_388, %select_n3A_382 : vector<256x1xi1>, vector<256x1xi32>
    %select_n3A_400 = arith.select %ge3A_398, %select_n3A_383, %add3A_388 : vector<256x1xi1>, vector<256x1xi32>
    %sub3A_401 = arith.subi %select_n3A_400, %select_n3A_399 : vector<256x1xi32>
    %shift_right_arithmetic3A_402 = arith.constant 1 : i32
    %shift_right_arithmetic3A_403 = vector.broadcast %shift_right_arithmetic3A_402 : i32 to vector<256x1xi32>
    %shift_right_arithmetic3A_404 = arith.shrsi %sub3A_401, %shift_right_arithmetic3A_403 : vector<256x1xi32>
    %add3A_405 = arith.addi %select_n3A_399, %shift_right_arithmetic3A_404 : vector<256x1xi32>
    %ge3A_406 = vector.broadcast %add3A_405 : vector<256x1xi32> to vector<256x1024xi32>
    %ge3A_407 = arith.cmpi sge, %bitcast_convert_type3A, %ge3A_406 : vector<256x1024xi32>
    %convert_element_type3A_408 = arith.extui %ge3A_407 : vector<256x1024xi1> to vector<256x1024xi32>
    %convert_element_type3A_409 = arith.sitofp %convert_element_type3A_408 : vector<256x1024xi32> to vector<256x1024xf32>
    %reduce_sum3A_410 = arith.constant dense<0.000000e+00> : vector<256xf32>
    %reduce_sum3A_411 = vector.multi_reduction <add>, %convert_element_type3A_409, %reduce_sum3A_410 [1] : vector<256x1024xf32> to vector<256xf32>
    %broadcast_in_dim3A_412 = vector.shape_cast %reduce_sum3A_411 : vector<256xf32> to vector<256x1xf32>
    %ge3A_413 = arith.constant 3.200000e+01 : f32
    %ge3A_414 = vector.broadcast %ge3A_413 : f32 to vector<256x1xf32>
    %ge3A_415 = arith.cmpf oge, %broadcast_in_dim3A_412, %ge3A_414 : vector<256x1xf32>
    %select_n3A_416 = arith.select %ge3A_415, %add3A_405, %select_n3A_399 : vector<256x1xi1>, vector<256x1xi32>
    %select_n3A_417 = arith.select %ge3A_415, %select_n3A_400, %add3A_405 : vector<256x1xi1>, vector<256x1xi32>
    %sub3A_418 = arith.subi %select_n3A_417, %select_n3A_416 : vector<256x1xi32>
    %shift_right_arithmetic3A_419 = arith.constant 1 : i32
    %shift_right_arithmetic3A_420 = vector.broadcast %shift_right_arithmetic3A_419 : i32 to vector<256x1xi32>
    %shift_right_arithmetic3A_421 = arith.shrsi %sub3A_418, %shift_right_arithmetic3A_420 : vector<256x1xi32>
    %add3A_422 = arith.addi %select_n3A_416, %shift_right_arithmetic3A_421 : vector<256x1xi32>
    %ge3A_423 = vector.broadcast %add3A_422 : vector<256x1xi32> to vector<256x1024xi32>
    %ge3A_424 = arith.cmpi sge, %bitcast_convert_type3A, %ge3A_423 : vector<256x1024xi32>
    %convert_element_type3A_425 = arith.extui %ge3A_424 : vector<256x1024xi1> to vector<256x1024xi32>
    %convert_element_type3A_426 = arith.sitofp %convert_element_type3A_425 : vector<256x1024xi32> to vector<256x1024xf32>
    %reduce_sum3A_427 = arith.constant dense<0.000000e+00> : vector<256xf32>
    %reduce_sum3A_428 = vector.multi_reduction <add>, %convert_element_type3A_426, %reduce_sum3A_427 [1] : vector<256x1024xf32> to vector<256xf32>
    %broadcast_in_dim3A_429 = vector.shape_cast %reduce_sum3A_428 : vector<256xf32> to vector<256x1xf32>
    %ge3A_430 = arith.constant 3.200000e+01 : f32
    %ge3A_431 = vector.broadcast %ge3A_430 : f32 to vector<256x1xf32>
    %ge3A_432 = arith.cmpf oge, %broadcast_in_dim3A_429, %ge3A_431 : vector<256x1xf32>
    %select_n3A_433 = arith.select %ge3A_432, %add3A_422, %select_n3A_416 : vector<256x1xi1>, vector<256x1xi32>
    %select_n3A_434 = arith.select %ge3A_432, %select_n3A_417, %add3A_422 : vector<256x1xi1>, vector<256x1xi32>
    %sub3A_435 = arith.subi %select_n3A_434, %select_n3A_433 : vector<256x1xi32>
    %shift_right_arithmetic3A_436 = arith.constant 1 : i32
    %shift_right_arithmetic3A_437 = vector.broadcast %shift_right_arithmetic3A_436 : i32 to vector<256x1xi32>
    %shift_right_arithmetic3A_438 = arith.shrsi %sub3A_435, %shift_right_arithmetic3A_437 : vector<256x1xi32>
    %add3A_439 = arith.addi %select_n3A_433, %shift_right_arithmetic3A_438 : vector<256x1xi32>
    %ge3A_440 = vector.broadcast %add3A_439 : vector<256x1xi32> to vector<256x1024xi32>
    %ge3A_441 = arith.cmpi sge, %bitcast_convert_type3A, %ge3A_440 : vector<256x1024xi32>
    %convert_element_type3A_442 = arith.extui %ge3A_441 : vector<256x1024xi1> to vector<256x1024xi32>
    %convert_element_type3A_443 = arith.sitofp %convert_element_type3A_442 : vector<256x1024xi32> to vector<256x1024xf32>
    %reduce_sum3A_444 = arith.constant dense<0.000000e+00> : vector<256xf32>
    %reduce_sum3A_445 = vector.multi_reduction <add>, %convert_element_type3A_443, %reduce_sum3A_444 [1] : vector<256x1024xf32> to vector<256xf32>
    %broadcast_in_dim3A_446 = vector.shape_cast %reduce_sum3A_445 : vector<256xf32> to vector<256x1xf32>
    %ge3A_447 = arith.constant 3.200000e+01 : f32
    %ge3A_448 = vector.broadcast %ge3A_447 : f32 to vector<256x1xf32>
    %ge3A_449 = arith.cmpf oge, %broadcast_in_dim3A_446, %ge3A_448 : vector<256x1xf32>
    %select_n3A_450 = arith.select %ge3A_449, %add3A_439, %select_n3A_433 : vector<256x1xi1>, vector<256x1xi32>
    %select_n3A_451 = arith.select %ge3A_449, %select_n3A_434, %add3A_439 : vector<256x1xi1>, vector<256x1xi32>
    %sub3A_452 = arith.subi %select_n3A_451, %select_n3A_450 : vector<256x1xi32>
    %shift_right_arithmetic3A_453 = arith.constant 1 : i32
    %shift_right_arithmetic3A_454 = vector.broadcast %shift_right_arithmetic3A_453 : i32 to vector<256x1xi32>
    %shift_right_arithmetic3A_455 = arith.shrsi %sub3A_452, %shift_right_arithmetic3A_454 : vector<256x1xi32>
    %add3A_456 = arith.addi %select_n3A_450, %shift_right_arithmetic3A_455 : vector<256x1xi32>
    %ge3A_457 = vector.broadcast %add3A_456 : vector<256x1xi32> to vector<256x1024xi32>
    %ge3A_458 = arith.cmpi sge, %bitcast_convert_type3A, %ge3A_457 : vector<256x1024xi32>
    %convert_element_type3A_459 = arith.extui %ge3A_458 : vector<256x1024xi1> to vector<256x1024xi32>
    %convert_element_type3A_460 = arith.sitofp %convert_element_type3A_459 : vector<256x1024xi32> to vector<256x1024xf32>
    %reduce_sum3A_461 = arith.constant dense<0.000000e+00> : vector<256xf32>
    %reduce_sum3A_462 = vector.multi_reduction <add>, %convert_element_type3A_460, %reduce_sum3A_461 [1] : vector<256x1024xf32> to vector<256xf32>
    %broadcast_in_dim3A_463 = vector.shape_cast %reduce_sum3A_462 : vector<256xf32> to vector<256x1xf32>
    %ge3A_464 = arith.constant 3.200000e+01 : f32
    %ge3A_465 = vector.broadcast %ge3A_464 : f32 to vector<256x1xf32>
    %ge3A_466 = arith.cmpf oge, %broadcast_in_dim3A_463, %ge3A_465 : vector<256x1xf32>
    %select_n3A_467 = arith.select %ge3A_466, %add3A_456, %select_n3A_450 : vector<256x1xi1>, vector<256x1xi32>
    %select_n3A_468 = arith.select %ge3A_466, %select_n3A_451, %add3A_456 : vector<256x1xi1>, vector<256x1xi32>
    %sub3A_469 = arith.subi %select_n3A_468, %select_n3A_467 : vector<256x1xi32>
    %shift_right_arithmetic3A_470 = arith.constant 1 : i32
    %shift_right_arithmetic3A_471 = vector.broadcast %shift_right_arithmetic3A_470 : i32 to vector<256x1xi32>
    %shift_right_arithmetic3A_472 = arith.shrsi %sub3A_469, %shift_right_arithmetic3A_471 : vector<256x1xi32>
    %add3A_473 = arith.addi %select_n3A_467, %shift_right_arithmetic3A_472 : vector<256x1xi32>
    %ge3A_474 = vector.broadcast %add3A_473 : vector<256x1xi32> to vector<256x1024xi32>
    %ge3A_475 = arith.cmpi sge, %bitcast_convert_type3A, %ge3A_474 : vector<256x1024xi32>
    %convert_element_type3A_476 = arith.extui %ge3A_475 : vector<256x1024xi1> to vector<256x1024xi32>
    %convert_element_type3A_477 = arith.sitofp %convert_element_type3A_476 : vector<256x1024xi32> to vector<256x1024xf32>
    %reduce_sum3A_478 = arith.constant dense<0.000000e+00> : vector<256xf32>
    %reduce_sum3A_479 = vector.multi_reduction <add>, %convert_element_type3A_477, %reduce_sum3A_478 [1] : vector<256x1024xf32> to vector<256xf32>
    %broadcast_in_dim3A_480 = vector.shape_cast %reduce_sum3A_479 : vector<256xf32> to vector<256x1xf32>
    %ge3A_481 = arith.constant 3.200000e+01 : f32
    %ge3A_482 = vector.broadcast %ge3A_481 : f32 to vector<256x1xf32>
    %ge3A_483 = arith.cmpf oge, %broadcast_in_dim3A_480, %ge3A_482 : vector<256x1xf32>
    %select_n3A_484 = arith.select %ge3A_483, %add3A_473, %select_n3A_467 : vector<256x1xi1>, vector<256x1xi32>
    %select_n3A_485 = arith.select %ge3A_483, %select_n3A_468, %add3A_473 : vector<256x1xi1>, vector<256x1xi32>
    %sub3A_486 = arith.subi %select_n3A_485, %select_n3A_484 : vector<256x1xi32>
    %shift_right_arithmetic3A_487 = arith.constant 1 : i32
    %shift_right_arithmetic3A_488 = vector.broadcast %shift_right_arithmetic3A_487 : i32 to vector<256x1xi32>
    %shift_right_arithmetic3A_489 = arith.shrsi %sub3A_486, %shift_right_arithmetic3A_488 : vector<256x1xi32>
    %add3A_490 = arith.addi %select_n3A_484, %shift_right_arithmetic3A_489 : vector<256x1xi32>
    %ge3A_491 = vector.broadcast %add3A_490 : vector<256x1xi32> to vector<256x1024xi32>
    %ge3A_492 = arith.cmpi sge, %bitcast_convert_type3A, %ge3A_491 : vector<256x1024xi32>
    %convert_element_type3A_493 = arith.extui %ge3A_492 : vector<256x1024xi1> to vector<256x1024xi32>
    %convert_element_type3A_494 = arith.sitofp %convert_element_type3A_493 : vector<256x1024xi32> to vector<256x1024xf32>
    %reduce_sum3A_495 = arith.constant dense<0.000000e+00> : vector<256xf32>
    %reduce_sum3A_496 = vector.multi_reduction <add>, %convert_element_type3A_494, %reduce_sum3A_495 [1] : vector<256x1024xf32> to vector<256xf32>
    %broadcast_in_dim3A_497 = vector.shape_cast %reduce_sum3A_496 : vector<256xf32> to vector<256x1xf32>
    %ge3A_498 = arith.constant 3.200000e+01 : f32
    %ge3A_499 = vector.broadcast %ge3A_498 : f32 to vector<256x1xf32>
    %ge3A_500 = arith.cmpf oge, %broadcast_in_dim3A_497, %ge3A_499 : vector<256x1xf32>
    %select_n3A_501 = arith.select %ge3A_500, %add3A_490, %select_n3A_484 : vector<256x1xi1>, vector<256x1xi32>
    %select_n3A_502 = arith.select %ge3A_500, %select_n3A_485, %add3A_490 : vector<256x1xi1>, vector<256x1xi32>
    %sub3A_503 = arith.subi %select_n3A_502, %select_n3A_501 : vector<256x1xi32>
    %shift_right_arithmetic3A_504 = arith.constant 1 : i32
    %shift_right_arithmetic3A_505 = vector.broadcast %shift_right_arithmetic3A_504 : i32 to vector<256x1xi32>
    %shift_right_arithmetic3A_506 = arith.shrsi %sub3A_503, %shift_right_arithmetic3A_505 : vector<256x1xi32>
    %add3A_507 = arith.addi %select_n3A_501, %shift_right_arithmetic3A_506 : vector<256x1xi32>
    %ge3A_508 = vector.broadcast %add3A_507 : vector<256x1xi32> to vector<256x1024xi32>
    %ge3A_509 = arith.cmpi sge, %bitcast_convert_type3A, %ge3A_508 : vector<256x1024xi32>
    %convert_element_type3A_510 = arith.extui %ge3A_509 : vector<256x1024xi1> to vector<256x1024xi32>
    %convert_element_type3A_511 = arith.sitofp %convert_element_type3A_510 : vector<256x1024xi32> to vector<256x1024xf32>
    %reduce_sum3A_512 = arith.constant dense<0.000000e+00> : vector<256xf32>
    %reduce_sum3A_513 = vector.multi_reduction <add>, %convert_element_type3A_511, %reduce_sum3A_512 [1] : vector<256x1024xf32> to vector<256xf32>
    %broadcast_in_dim3A_514 = vector.shape_cast %reduce_sum3A_513 : vector<256xf32> to vector<256x1xf32>
    %ge3A_515 = arith.constant 3.200000e+01 : f32
    %ge3A_516 = vector.broadcast %ge3A_515 : f32 to vector<256x1xf32>
    %ge3A_517 = arith.cmpf oge, %broadcast_in_dim3A_514, %ge3A_516 : vector<256x1xf32>
    %select_n3A_518 = arith.select %ge3A_517, %add3A_507, %select_n3A_501 : vector<256x1xi1>, vector<256x1xi32>
    %select_n3A_519 = arith.select %ge3A_517, %select_n3A_502, %add3A_507 : vector<256x1xi1>, vector<256x1xi32>
    %sub3A_520 = arith.subi %select_n3A_519, %select_n3A_518 : vector<256x1xi32>
    %shift_right_arithmetic3A_521 = arith.constant 1 : i32
    %shift_right_arithmetic3A_522 = vector.broadcast %shift_right_arithmetic3A_521 : i32 to vector<256x1xi32>
    %shift_right_arithmetic3A_523 = arith.shrsi %sub3A_520, %shift_right_arithmetic3A_522 : vector<256x1xi32>
    %add3A_524 = arith.addi %select_n3A_518, %shift_right_arithmetic3A_523 : vector<256x1xi32>
    %ge3A_525 = vector.broadcast %add3A_524 : vector<256x1xi32> to vector<256x1024xi32>
    %ge3A_526 = arith.cmpi sge, %bitcast_convert_type3A, %ge3A_525 : vector<256x1024xi32>
    %convert_element_type3A_527 = arith.extui %ge3A_526 : vector<256x1024xi1> to vector<256x1024xi32>
    %convert_element_type3A_528 = arith.sitofp %convert_element_type3A_527 : vector<256x1024xi32> to vector<256x1024xf32>
    %reduce_sum3A_529 = arith.constant dense<0.000000e+00> : vector<256xf32>
    %reduce_sum3A_530 = vector.multi_reduction <add>, %convert_element_type3A_528, %reduce_sum3A_529 [1] : vector<256x1024xf32> to vector<256xf32>
    %broadcast_in_dim3A_531 = vector.shape_cast %reduce_sum3A_530 : vector<256xf32> to vector<256x1xf32>
    %ge3A_532 = arith.constant 3.200000e+01 : f32
    %ge3A_533 = vector.broadcast %ge3A_532 : f32 to vector<256x1xf32>
    %ge3A_534 = arith.cmpf oge, %broadcast_in_dim3A_531, %ge3A_533 : vector<256x1xf32>
    %select_n3A_535 = arith.select %ge3A_534, %add3A_524, %select_n3A_518 : vector<256x1xi1>, vector<256x1xi32>
    %select_n3A_536 = arith.select %ge3A_534, %select_n3A_519, %add3A_524 : vector<256x1xi1>, vector<256x1xi32>
    %sub3A_537 = arith.subi %select_n3A_536, %select_n3A_535 : vector<256x1xi32>
    %shift_right_arithmetic3A_538 = arith.constant 1 : i32
    %shift_right_arithmetic3A_539 = vector.broadcast %shift_right_arithmetic3A_538 : i32 to vector<256x1xi32>
    %shift_right_arithmetic3A_540 = arith.shrsi %sub3A_537, %shift_right_arithmetic3A_539 : vector<256x1xi32>
    %add3A_541 = arith.addi %select_n3A_535, %shift_right_arithmetic3A_540 : vector<256x1xi32>
    %ge3A_542 = vector.broadcast %add3A_541 : vector<256x1xi32> to vector<256x1024xi32>
    %ge3A_543 = arith.cmpi sge, %bitcast_convert_type3A, %ge3A_542 : vector<256x1024xi32>
    %convert_element_type3A_544 = arith.extui %ge3A_543 : vector<256x1024xi1> to vector<256x1024xi32>
    %convert_element_type3A_545 = arith.sitofp %convert_element_type3A_544 : vector<256x1024xi32> to vector<256x1024xf32>
    %reduce_sum3A_546 = arith.constant dense<0.000000e+00> : vector<256xf32>
    %reduce_sum3A_547 = vector.multi_reduction <add>, %convert_element_type3A_545, %reduce_sum3A_546 [1] : vector<256x1024xf32> to vector<256xf32>
    %broadcast_in_dim3A_548 = vector.shape_cast %reduce_sum3A_547 : vector<256xf32> to vector<256x1xf32>
    %ge3A_549 = arith.constant 3.200000e+01 : f32
    %ge3A_550 = vector.broadcast %ge3A_549 : f32 to vector<256x1xf32>
    %ge3A_551 = arith.cmpf oge, %broadcast_in_dim3A_548, %ge3A_550 : vector<256x1xf32>
    %select_n3A_552 = arith.select %ge3A_551, %add3A_541, %select_n3A_535 : vector<256x1xi1>, vector<256x1xi32>
    %select_n3A_553 = arith.select %ge3A_551, %select_n3A_536, %add3A_541 : vector<256x1xi1>, vector<256x1xi32>
    %sub3A_554 = arith.subi %select_n3A_553, %select_n3A_552 : vector<256x1xi32>
    %shift_right_arithmetic3A_555 = arith.constant 1 : i32
    %shift_right_arithmetic3A_556 = vector.broadcast %shift_right_arithmetic3A_555 : i32 to vector<256x1xi32>
    %shift_right_arithmetic3A_557 = arith.shrsi %sub3A_554, %shift_right_arithmetic3A_556 : vector<256x1xi32>
    %add3A_558 = arith.addi %select_n3A_552, %shift_right_arithmetic3A_557 : vector<256x1xi32>
    %ge3A_559 = vector.broadcast %add3A_558 : vector<256x1xi32> to vector<256x1024xi32>
    %ge3A_560 = arith.cmpi sge, %bitcast_convert_type3A, %ge3A_559 : vector<256x1024xi32>
    %convert_element_type3A_561 = arith.extui %ge3A_560 : vector<256x1024xi1> to vector<256x1024xi32>
    %convert_element_type3A_562 = arith.sitofp %convert_element_type3A_561 : vector<256x1024xi32> to vector<256x1024xf32>
    %reduce_sum3A_563 = arith.constant dense<0.000000e+00> : vector<256xf32>
    %reduce_sum3A_564 = vector.multi_reduction <add>, %convert_element_type3A_562, %reduce_sum3A_563 [1] : vector<256x1024xf32> to vector<256xf32>
    %broadcast_in_dim3A_565 = vector.shape_cast %reduce_sum3A_564 : vector<256xf32> to vector<256x1xf32>
    %ge3A_566 = arith.constant 3.200000e+01 : f32
    %ge3A_567 = vector.broadcast %ge3A_566 : f32 to vector<256x1xf32>
    %ge3A_568 = arith.cmpf oge, %broadcast_in_dim3A_565, %ge3A_567 : vector<256x1xf32>
    %select_n3A_569 = arith.select %ge3A_568, %add3A_558, %select_n3A_552 : vector<256x1xi1>, vector<256x1xi32>
    %select_n3A_570 = arith.select %ge3A_568, %select_n3A_553, %add3A_558 : vector<256x1xi1>, vector<256x1xi32>
    %sub3A_571 = arith.subi %select_n3A_570, %select_n3A_569 : vector<256x1xi32>
    %shift_right_arithmetic3A_572 = arith.constant 1 : i32
    %shift_right_arithmetic3A_573 = vector.broadcast %shift_right_arithmetic3A_572 : i32 to vector<256x1xi32>
    %shift_right_arithmetic3A_574 = arith.shrsi %sub3A_571, %shift_right_arithmetic3A_573 : vector<256x1xi32>
    %add3A_575 = arith.addi %select_n3A_569, %shift_right_arithmetic3A_574 : vector<256x1xi32>
    %ge3A_576 = vector.broadcast %add3A_575 : vector<256x1xi32> to vector<256x1024xi32>
    %ge3A_577 = arith.cmpi sge, %bitcast_convert_type3A, %ge3A_576 : vector<256x1024xi32>
    %convert_element_type3A_578 = arith.extui %ge3A_577 : vector<256x1024xi1> to vector<256x1024xi32>
    %convert_element_type3A_579 = arith.sitofp %convert_element_type3A_578 : vector<256x1024xi32> to vector<256x1024xf32>
    %reduce_sum3A_580 = arith.constant dense<0.000000e+00> : vector<256xf32>
    %reduce_sum3A_581 = vector.multi_reduction <add>, %convert_element_type3A_579, %reduce_sum3A_580 [1] : vector<256x1024xf32> to vector<256xf32>
    %broadcast_in_dim3A_582 = vector.shape_cast %reduce_sum3A_581 : vector<256xf32> to vector<256x1xf32>
    %ge3A_583 = arith.constant 3.200000e+01 : f32
    %ge3A_584 = vector.broadcast %ge3A_583 : f32 to vector<256x1xf32>
    %ge3A_585 = arith.cmpf oge, %broadcast_in_dim3A_582, %ge3A_584 : vector<256x1xf32>
    %select_n3A_586 = arith.select %ge3A_585, %add3A_575, %select_n3A_569 : vector<256x1xi1>, vector<256x1xi32>
    %select_n3A_587 = arith.select %ge3A_585, %select_n3A_570, %add3A_575 : vector<256x1xi1>, vector<256x1xi32>
    %sub3A_588 = arith.subi %select_n3A_587, %select_n3A_586 : vector<256x1xi32>
    %shift_right_arithmetic3A_589 = arith.constant 1 : i32
    %shift_right_arithmetic3A_590 = vector.broadcast %shift_right_arithmetic3A_589 : i32 to vector<256x1xi32>
    %shift_right_arithmetic3A_591 = arith.shrsi %sub3A_588, %shift_right_arithmetic3A_590 : vector<256x1xi32>
    %add3A_592 = arith.addi %select_n3A_586, %shift_right_arithmetic3A_591 : vector<256x1xi32>
    %ge3A_593 = vector.broadcast %add3A_592 : vector<256x1xi32> to vector<256x1024xi32>
    %ge3A_594 = arith.cmpi sge, %bitcast_convert_type3A, %ge3A_593 : vector<256x1024xi32>
    %convert_element_type3A_595 = arith.extui %ge3A_594 : vector<256x1024xi1> to vector<256x1024xi32>
    %convert_element_type3A_596 = arith.sitofp %convert_element_type3A_595 : vector<256x1024xi32> to vector<256x1024xf32>
    %reduce_sum3A_597 = arith.constant dense<0.000000e+00> : vector<256xf32>
    %reduce_sum3A_598 = vector.multi_reduction <add>, %convert_element_type3A_596, %reduce_sum3A_597 [1] : vector<256x1024xf32> to vector<256xf32>
    %broadcast_in_dim3A_599 = vector.shape_cast %reduce_sum3A_598 : vector<256xf32> to vector<256x1xf32>
    %ge3A_600 = arith.constant 3.200000e+01 : f32
    %ge3A_601 = vector.broadcast %ge3A_600 : f32 to vector<256x1xf32>
    %ge3A_602 = arith.cmpf oge, %broadcast_in_dim3A_599, %ge3A_601 : vector<256x1xf32>
    %select_n3A_603 = arith.select %ge3A_602, %add3A_592, %select_n3A_586 : vector<256x1xi1>, vector<256x1xi32>
    %ge3A_604 = vector.broadcast %select_n3A_603 : vector<256x1xi32> to vector<256x1024xi32>
    %ge3A_605 = arith.cmpi sge, %bitcast_convert_type3A, %ge3A_604 : vector<256x1024xi32>
    %jit3A_606 = arith.constant 0.000000e+00 : f32
    %broadcast_in_dim3A_607 = vector.broadcast %jit3A_606 : f32 to vector<256x1024xf32>
    %select_n3A_608 = arith.select %ge3A_605, %concatenate3A, %broadcast_in_dim3A_607 : vector<256x1024xi1>, vector<256x1024xf32>
    %reduce_sum3A_609 = arith.constant dense<0.000000e+00> : vector<256xf32>
    %reduce_sum3A_610 = vector.multi_reduction <add>, %select_n3A_608, %reduce_sum3A_609 [1] : vector<256x1024xf32> to vector<256xf32>
    %broadcast_in_dim3A_611 = vector.shape_cast %reduce_sum3A_610 : vector<256xf32> to vector<256x1xf32>
    %add3A_612 = arith.constant 9.99999993E-9 : f32
    %add3A_613 = vector.broadcast %add3A_612 : f32 to vector<256x1xf32>
    %add3A_614 = arith.addf %broadcast_in_dim3A_611, %add3A_613 : vector<256x1xf32>
    %tanh3A = math.tanh %broadcast_in_dim3A_75 : vector<256x1xf32>
    %div3A = arith.divf %tanh3A, %add3A_614 : vector<256x1xf32>
    %get3A_615 = arith.constant 0 : index
    %get3A_616 = arith.constant 0 : index
    %get3A_617 = vector.load %arg1[%get3A_615, %get3A_616] : memref<256x2048xf32, #tpu.memory_space<vmem>>, vector<256x2048xf32>
    %bitcast_convert_type3A_618 = tpu.bitcast %get3A_617 : vector<256x2048xf32> -> vector<256x2048xi32>
    %ge3A_619 = vector.broadcast %select_n3A_603 : vector<256x1xi32> to vector<256x2048xi32>
    %ge3A_620 = arith.cmpi sge, %bitcast_convert_type3A_618, %ge3A_619 : vector<256x2048xi32>
    %jit3A_621 = arith.constant 0.000000e+00 : f32
    %broadcast_in_dim3A_622 = vector.broadcast %jit3A_621 : f32 to vector<256x2048xf32>
    %select_n3A_623 = arith.select %ge3A_620, %get3A_617, %broadcast_in_dim3A_622 : vector<256x2048xi1>, vector<256x2048xf32>
    %mul3A = vector.broadcast %div3A : vector<256x1xf32> to vector<256x2048xf32>
    %mul3A_624 = arith.mulf %select_n3A_623, %mul3A : vector<256x2048xf32>
    %swap3A = arith.constant 0 : index
    %swap3A_625 = arith.constant 0 : index
    %swap3A_626 = vector.load %arg4[%swap3A, %swap3A_625] : memref<256x2048xf32, #tpu.memory_space<vmem>>, vector<256x2048xf32>
    tpu.vector_store %arg4[%swap3A, %swap3A_625], %mul3A_624 {strides = array<i32>} : memref<256x2048xf32, #tpu.memory_space<vmem>>, vector<256x2048xf32>,
    %get3A_627 = arith.constant 0 : index
    %get3A_628 = arith.constant 0 : index
    %get3A_629 = vector.load %arg5[%get3A_627, %get3A_628] : memref<8x2048xf32, #tpu.memory_space<vmem>>, vector<8x2048xf32>
    %reduce_sum3A_630 = arith.constant dense<0.000000e+00> : vector<2048xf32>
    %reduce_sum3A_631 = vector.multi_reduction <add>, %mul3A_624, %reduce_sum3A_630 [0] : vector<256x2048xf32> to vector<2048xf32>
    %broadcast_in_dim3A_632 = vector.shape_cast %reduce_sum3A_631 : vector<2048xf32> to vector<1x2048xf32>
    %broadcast_in_dim3A_633 = vector.shape_cast %broadcast_in_dim3A_632 : vector<1x2048xf32> to vector<1x2048xf32>
    %broadcast_in_dim3A_634 = vector.broadcast %broadcast_in_dim3A_633 : vector<1x2048xf32> to vector<8x2048xf32>
    %add3A_635 = arith.addf %get3A_629, %broadcast_in_dim3A_634 : vector<8x2048xf32>
    %swap3A_636 = arith.constant 0 : index
    %swap3A_637 = arith.constant 0 : index
    %swap3A_638 = vector.load %arg5[%swap3A_636, %swap3A_637] : memref<8x2048xf32, #tpu.memory_space<vmem>>, vector<8x2048xf32>
    tpu.vector_store %arg5[%swap3A_636, %swap3A_637], %add3A_635 {strides = array<i32>} : memref<8x2048xf32, #tpu.memory_space<vmem>>, vector<8x2048xf32>,
    return
  }
  func.func @transform_0(%arg0: i32) -> (i32, i32) {
    %c0_i32 = arith.constant 0 : i32
    %c0_i32_0 = arith.constant 0 : i32
    return %arg0, %c0_i32 : i32, i32
  }
  func.func @transform_1(%arg0: i32) -> (i32, i32) {
    %c0_i32 = arith.constant 0 : i32
    %c0_i32_0 = arith.constant 0 : i32
    return %arg0, %c0_i32 : i32, i32
  }
  func.func @transform_2(%arg0: i32) -> (i32, i32) {
    %c0_i32 = arith.constant 0 : i32
    %c0_i32_0 = arith.constant 0 : i32
    return %arg0, %c0_i32 : i32, i32
  }
  func.func @transform_3(%arg0: i32) -> (i32, i32) {
    %c0_i32 = arith.constant 0 : i32
    %c0_i32_0 = arith.constant 0 : i32
    return %arg0, %c0_i32 : i32, i32
  }
  func.func @transform_4(%arg0: i32) -> (i32, i32) {
    %c0_i32 = arith.constant 0 : i32
    %c0_i32_0 = arith.constant 0 : i32
    %c0_i32_1 = arith.constant 0 : i32
    return %c0_i32, %c0_i32_0 : i32, i32
  }
}

module attributes {stable_mosaic.version = 14 : i64} {
  func.func @_gate_post_kernel(%arg0: i32, %arg1: memref<256x4096xf32, #tpu.memory_space<vmem>>, %arg2: memref<256x1024xf32, #tpu.memory_space<vmem>>, %arg3: memref<256x8xi32, #tpu.memory_space<vmem>>, %arg4: memref<256x4096xf32, #tpu.memory_space<vmem>>, %arg5: memref<8x4096xf32, #tpu.memory_space<vmem>>) attributes {dimension_semantics = [#tpu.dimension_semantics<arbitrary>], iteration_bounds = array<i64: 16>, scalar_prefetch = 0 : i64, scratch_operands = 0 : i64, tpu.core_type = #tpu.core_type<tc>, window_params = [{transform_indices = @transform_0, window_bounds = array<i64: 256, 4096>}, {transform_indices = @transform_1, window_bounds = array<i64: 256, 1024>}, {transform_indices = @transform_2, window_bounds = array<i64: 256, 8>}, {transform_indices = @transform_3, window_bounds = array<i64: 256, 4096>}, {pipeline_mode = #tpu.pipeline_mode<synchronous>, transform_indices = @transform_4, window_bounds = array<i64: 8, 4096>}]} {
    %eq3A = arith.constant 0 : i32
    %eq3A_0 = arith.cmpi eq, %arg0, %eq3A : i32
    %convert_element_type3A = arith.extui %eq3A_0 : i1 to i32
    %cond3A = arith.constant 0 : i32
    %cond3A_1 = arith.cmpi ne, %convert_element_type3A, %cond3A : i32
    scf.if %cond3A_1 {
      %broadcast_in_dim3A_639 = arith.constant 0.000000e+00 : f32
      %broadcast_in_dim3A_640 = vector.broadcast %broadcast_in_dim3A_639 : f32 to vector<8x4096xf32>
      %swap3A_641 = arith.constant 0 : index
      %swap3A_642 = arith.constant 0 : index
      %swap3A_643 = vector.load %arg5[%swap3A_641, %swap3A_642] : memref<8x4096xf32, #tpu.memory_space<vmem>>, vector<8x4096xf32>
      tpu.vector_store %arg5[%swap3A_641, %swap3A_642], %broadcast_in_dim3A_640 {strides = array<i32>} : memref<8x4096xf32, #tpu.memory_space<vmem>>, vector<8x4096xf32>,
    } else {
    }
    %get3A = arith.constant 0 : index
    %get3A_2 = arith.constant 0 : index
    %get3A_3 = vector.load %arg3[%get3A, %get3A_2] : memref<256x8xi32, #tpu.memory_space<vmem>>, vector<256x8xi32>
    %iota3A = tpu.iota {dimensions = array<i32: 1>} : vector<256x128xi32>
    %shift_right_arithmetic3A = arith.constant 5 : i32
    %shift_right_arithmetic3A_4 = vector.broadcast %shift_right_arithmetic3A : i32 to vector<256x128xi32>
    %shift_right_arithmetic3A_5 = arith.shrsi %iota3A, %shift_right_arithmetic3A_4 : vector<256x128xi32>
    %slice3A = vector.extract_strided_slice %get3A_3 {offsets = [0, 0], sizes = [256, 1], strides = [1, 1]} : vector<256x8xi32> to vector<256x1xi32>
    %eq3A_6 = vector.broadcast %slice3A : vector<256x1xi32> to vector<256x128xi32>
    %eq3A_7 = arith.cmpi eq, %shift_right_arithmetic3A_5, %eq3A_6 : vector<256x128xi32>
    %get3A_8 = arith.constant 0 : index
    %get3A_9 = arith.constant 0 : index
    %get3A_10 = vector.load %arg2[%get3A_8, %get3A_9] : memref<256x1024xf32, #tpu.memory_space<vmem>>, vector<256x128xf32>
    %jit3A = arith.constant 0.000000e+00 : f32
    %broadcast_in_dim3A = vector.broadcast %jit3A : f32 to vector<256x128xf32>
    %select_n3A = arith.select %eq3A_7, %get3A_10, %broadcast_in_dim3A : vector<256x128xi1>, vector<256x128xf32>
    %slice3A_11 = vector.extract_strided_slice %get3A_3 {offsets = [0, 1], sizes = [256, 1], strides = [1, 1]} : vector<256x8xi32> to vector<256x1xi32>
    %eq3A_12 = vector.broadcast %slice3A_11 : vector<256x1xi32> to vector<256x128xi32>
    %eq3A_13 = arith.cmpi eq, %shift_right_arithmetic3A_5, %eq3A_12 : vector<256x128xi32>
    %get3A_14 = arith.constant 0 : index
    %get3A_15 = arith.constant 128 : index
    %get3A_16 = vector.load %arg2[%get3A_14, %get3A_15] : memref<256x1024xf32, #tpu.memory_space<vmem>>, vector<256x128xf32>
    %jit3A_17 = arith.constant 0.000000e+00 : f32
    %broadcast_in_dim3A_18 = vector.broadcast %jit3A_17 : f32 to vector<256x128xf32>
    %select_n3A_19 = arith.select %eq3A_13, %get3A_16, %broadcast_in_dim3A_18 : vector<256x128xi1>, vector<256x128xf32>
    %slice3A_20 = vector.extract_strided_slice %get3A_3 {offsets = [0, 2], sizes = [256, 1], strides = [1, 1]} : vector<256x8xi32> to vector<256x1xi32>
    %eq3A_21 = vector.broadcast %slice3A_20 : vector<256x1xi32> to vector<256x128xi32>
    %eq3A_22 = arith.cmpi eq, %shift_right_arithmetic3A_5, %eq3A_21 : vector<256x128xi32>
    %get3A_23 = arith.constant 0 : index
    %get3A_24 = arith.constant 256 : index
    %get3A_25 = vector.load %arg2[%get3A_23, %get3A_24] : memref<256x1024xf32, #tpu.memory_space<vmem>>, vector<256x128xf32>
    %jit3A_26 = arith.constant 0.000000e+00 : f32
    %broadcast_in_dim3A_27 = vector.broadcast %jit3A_26 : f32 to vector<256x128xf32>
    %select_n3A_28 = arith.select %eq3A_22, %get3A_25, %broadcast_in_dim3A_27 : vector<256x128xi1>, vector<256x128xf32>
    %slice3A_29 = vector.extract_strided_slice %get3A_3 {offsets = [0, 3], sizes = [256, 1], strides = [1, 1]} : vector<256x8xi32> to vector<256x1xi32>
    %eq3A_30 = vector.broadcast %slice3A_29 : vector<256x1xi32> to vector<256x128xi32>
    %eq3A_31 = arith.cmpi eq, %shift_right_arithmetic3A_5, %eq3A_30 : vector<256x128xi32>
    %get3A_32 = arith.constant 0 : index
    %get3A_33 = arith.constant 384 : index
    %get3A_34 = vector.load %arg2[%get3A_32, %get3A_33] : memref<256x1024xf32, #tpu.memory_space<vmem>>, vector<256x128xf32>
    %jit3A_35 = arith.constant 0.000000e+00 : f32
    %broadcast_in_dim3A_36 = vector.broadcast %jit3A_35 : f32 to vector<256x128xf32>
    %select_n3A_37 = arith.select %eq3A_31, %get3A_34, %broadcast_in_dim3A_36 : vector<256x128xi1>, vector<256x128xf32>
    %slice3A_38 = vector.extract_strided_slice %get3A_3 {offsets = [0, 4], sizes = [256, 1], strides = [1, 1]} : vector<256x8xi32> to vector<256x1xi32>
    %eq3A_39 = vector.broadcast %slice3A_38 : vector<256x1xi32> to vector<256x128xi32>
    %eq3A_40 = arith.cmpi eq, %shift_right_arithmetic3A_5, %eq3A_39 : vector<256x128xi32>
    %get3A_41 = arith.constant 0 : index
    %get3A_42 = arith.constant 512 : index
    %get3A_43 = vector.load %arg2[%get3A_41, %get3A_42] : memref<256x1024xf32, #tpu.memory_space<vmem>>, vector<256x128xf32>
    %jit3A_44 = arith.constant 0.000000e+00 : f32
    %broadcast_in_dim3A_45 = vector.broadcast %jit3A_44 : f32 to vector<256x128xf32>
    %select_n3A_46 = arith.select %eq3A_40, %get3A_43, %broadcast_in_dim3A_45 : vector<256x128xi1>, vector<256x128xf32>
    %slice3A_47 = vector.extract_strided_slice %get3A_3 {offsets = [0, 5], sizes = [256, 1], strides = [1, 1]} : vector<256x8xi32> to vector<256x1xi32>
    %eq3A_48 = vector.broadcast %slice3A_47 : vector<256x1xi32> to vector<256x128xi32>
    %eq3A_49 = arith.cmpi eq, %shift_right_arithmetic3A_5, %eq3A_48 : vector<256x128xi32>
    %get3A_50 = arith.constant 0 : index
    %get3A_51 = arith.constant 640 : index
    %get3A_52 = vector.load %arg2[%get3A_50, %get3A_51] : memref<256x1024xf32, #tpu.memory_space<vmem>>, vector<256x128xf32>
    %jit3A_53 = arith.constant 0.000000e+00 : f32
    %broadcast_in_dim3A_54 = vector.broadcast %jit3A_53 : f32 to vector<256x128xf32>
    %select_n3A_55 = arith.select %eq3A_49, %get3A_52, %broadcast_in_dim3A_54 : vector<256x128xi1>, vector<256x128xf32>
    %slice3A_56 = vector.extract_strided_slice %get3A_3 {offsets = [0, 6], sizes = [256, 1], strides = [1, 1]} : vector<256x8xi32> to vector<256x1xi32>
    %eq3A_57 = vector.broadcast %slice3A_56 : vector<256x1xi32> to vector<256x128xi32>
    %eq3A_58 = arith.cmpi eq, %shift_right_arithmetic3A_5, %eq3A_57 : vector<256x128xi32>
    %get3A_59 = arith.constant 0 : index
    %get3A_60 = arith.constant 768 : index
    %get3A_61 = vector.load %arg2[%get3A_59, %get3A_60] : memref<256x1024xf32, #tpu.memory_space<vmem>>, vector<256x128xf32>
    %jit3A_62 = arith.constant 0.000000e+00 : f32
    %broadcast_in_dim3A_63 = vector.broadcast %jit3A_62 : f32 to vector<256x128xf32>
    %select_n3A_64 = arith.select %eq3A_58, %get3A_61, %broadcast_in_dim3A_63 : vector<256x128xi1>, vector<256x128xf32>
    %slice3A_65 = vector.extract_strided_slice %get3A_3 {offsets = [0, 7], sizes = [256, 1], strides = [1, 1]} : vector<256x8xi32> to vector<256x1xi32>
    %eq3A_66 = vector.broadcast %slice3A_65 : vector<256x1xi32> to vector<256x128xi32>
    %eq3A_67 = arith.cmpi eq, %shift_right_arithmetic3A_5, %eq3A_66 : vector<256x128xi32>
    %get3A_68 = arith.constant 0 : index
    %get3A_69 = arith.constant 896 : index
    %get3A_70 = vector.load %arg2[%get3A_68, %get3A_69] : memref<256x1024xf32, #tpu.memory_space<vmem>>, vector<256x128xf32>
    %jit3A_71 = arith.constant 0.000000e+00 : f32
    %broadcast_in_dim3A_72 = vector.broadcast %jit3A_71 : f32 to vector<256x128xf32>
    %select_n3A_73 = arith.select %eq3A_67, %get3A_70, %broadcast_in_dim3A_72 : vector<256x128xi1>, vector<256x128xf32>
    %concatenate3A = tpu.concatenate %select_n3A, %select_n3A_19, %select_n3A_28, %select_n3A_37, %select_n3A_46, %select_n3A_55, %select_n3A_64, %select_n3A_73 in 1 : vector<256x128xf32>, vector<256x128xf32>, vector<256x128xf32>, vector<256x128xf32>, vector<256x128xf32>, vector<256x128xf32>, vector<256x128xf32>, vector<256x128xf32> -> vector<256x1024xf32>
    %reduce_max3A = arith.constant dense<0xFF800000> : vector<256xf32>
    %reduce_max3A_74 = vector.multi_reduction <maximumf>, %concatenate3A, %reduce_max3A [1] : vector<256x1024xf32> to vector<256xf32>
    %broadcast_in_dim3A_75 = vector.shape_cast %reduce_max3A_74 : vector<256xf32> to vector<256x1xf32>
    %bitcast_convert_type3A = tpu.bitcast %concatenate3A : vector<256x1024xf32> -> vector<256x1024xi32>
    %broadcast_in_dim3A_76 = arith.constant 0 : i32
    %broadcast_in_dim3A_77 = vector.broadcast %broadcast_in_dim3A_76 : i32 to vector<256x1xi32>
    %bitcast_convert_type3A_78 = tpu.bitcast %broadcast_in_dim3A_75 : vector<256x1xf32> -> vector<256x1xi32>
    %add3A = arith.constant 1 : i32
    %add3A_79 = vector.broadcast %add3A : i32 to vector<256x1xi32>
    %add3A_80 = arith.addi %bitcast_convert_type3A_78, %add3A_79 : vector<256x1xi32>
    %sub3A = arith.subi %add3A_80, %broadcast_in_dim3A_77 : vector<256x1xi32>
    %shift_right_arithmetic3A_81 = arith.constant 1 : i32
    %shift_right_arithmetic3A_82 = vector.broadcast %shift_right_arithmetic3A_81 : i32 to vector<256x1xi32>
    %shift_right_arithmetic3A_83 = arith.shrsi %sub3A, %shift_right_arithmetic3A_82 : vector<256x1xi32>
    %add3A_84 = arith.addi %broadcast_in_dim3A_77, %shift_right_arithmetic3A_83 : vector<256x1xi32>
    %ge3A = vector.broadcast %add3A_84 : vector<256x1xi32> to vector<256x1024xi32>
    %ge3A_85 = arith.cmpi sge, %bitcast_convert_type3A, %ge3A : vector<256x1024xi32>
    %convert_element_type3A_86 = arith.extui %ge3A_85 : vector<256x1024xi1> to vector<256x1024xi32>
    %convert_element_type3A_87 = arith.sitofp %convert_element_type3A_86 : vector<256x1024xi32> to vector<256x1024xf32>
    %reduce_sum3A = arith.constant dense<0.000000e+00> : vector<256xf32>
    %reduce_sum3A_88 = vector.multi_reduction <add>, %convert_element_type3A_87, %reduce_sum3A [1] : vector<256x1024xf32> to vector<256xf32>
    %broadcast_in_dim3A_89 = vector.shape_cast %reduce_sum3A_88 : vector<256xf32> to vector<256x1xf32>
    %ge3A_90 = arith.constant 3.200000e+01 : f32
    %ge3A_91 = vector.broadcast %ge3A_90 : f32 to vector<256x1xf32>
    %ge3A_92 = arith.cmpf oge, %broadcast_in_dim3A_89, %ge3A_91 : vector<256x1xf32>
    %select_n3A_93 = arith.select %ge3A_92, %add3A_84, %broadcast_in_dim3A_77 : vector<256x1xi1>, vector<256x1xi32>
    %select_n3A_94 = arith.select %ge3A_92, %add3A_80, %add3A_84 : vector<256x1xi1>, vector<256x1xi32>
    %sub3A_95 = arith.subi %select_n3A_94, %select_n3A_93 : vector<256x1xi32>
    %shift_right_arithmetic3A_96 = arith.constant 1 : i32
    %shift_right_arithmetic3A_97 = vector.broadcast %shift_right_arithmetic3A_96 : i32 to vector<256x1xi32>
    %shift_right_arithmetic3A_98 = arith.shrsi %sub3A_95, %shift_right_arithmetic3A_97 : vector<256x1xi32>
    %add3A_99 = arith.addi %select_n3A_93, %shift_right_arithmetic3A_98 : vector<256x1xi32>
    %ge3A_100 = vector.broadcast %add3A_99 : vector<256x1xi32> to vector<256x1024xi32>
    %ge3A_101 = arith.cmpi sge, %bitcast_convert_type3A, %ge3A_100 : vector<256x1024xi32>
    %convert_element_type3A_102 = arith.extui %ge3A_101 : vector<256x1024xi1> to vector<256x1024xi32>
    %convert_element_type3A_103 = arith.sitofp %convert_element_type3A_102 : vector<256x1024xi32> to vector<256x1024xf32>
    %reduce_sum3A_104 = arith.constant dense<0.000000e+00> : vector<256xf32>
    %reduce_sum3A_105 = vector.multi_reduction <add>, %convert_element_type3A_103, %reduce_sum3A_104 [1] : vector<256x1024xf32> to vector<256xf32>
    %broadcast_in_dim3A_106 = vector.shape_cast %reduce_sum3A_105 : vector<256xf32> to vector<256x1xf32>
    %ge3A_107 = arith.constant 3.200000e+01 : f32
    %ge3A_108 = vector.broadcast %ge3A_107 : f32 to vector<256x1xf32>
    %ge3A_109 = arith.cmpf oge, %broadcast_in_dim3A_106, %ge3A_108 : vector<256x1xf32>
    %select_n3A_110 = arith.select %ge3A_109, %add3A_99, %select_n3A_93 : vector<256x1xi1>, vector<256x1xi32>
    %select_n3A_111 = arith.select %ge3A_109, %select_n3A_94, %add3A_99 : vector<256x1xi1>, vector<256x1xi32>
    %sub3A_112 = arith.subi %select_n3A_111, %select_n3A_110 : vector<256x1xi32>
    %shift_right_arithmetic3A_113 = arith.constant 1 : i32
    %shift_right_arithmetic3A_114 = vector.broadcast %shift_right_arithmetic3A_113 : i32 to vector<256x1xi32>
    %shift_right_arithmetic3A_115 = arith.shrsi %sub3A_112, %shift_right_arithmetic3A_114 : vector<256x1xi32>
    %add3A_116 = arith.addi %select_n3A_110, %shift_right_arithmetic3A_115 : vector<256x1xi32>
    %ge3A_117 = vector.broadcast %add3A_116 : vector<256x1xi32> to vector<256x1024xi32>
    %ge3A_118 = arith.cmpi sge, %bitcast_convert_type3A, %ge3A_117 : vector<256x1024xi32>
    %convert_element_type3A_119 = arith.extui %ge3A_118 : vector<256x1024xi1> to vector<256x1024xi32>
    %convert_element_type3A_120 = arith.sitofp %convert_element_type3A_119 : vector<256x1024xi32> to vector<256x1024xf32>
    %reduce_sum3A_121 = arith.constant dense<0.000000e+00> : vector<256xf32>
    %reduce_sum3A_122 = vector.multi_reduction <add>, %convert_element_type3A_120, %reduce_sum3A_121 [1] : vector<256x1024xf32> to vector<256xf32>
    %broadcast_in_dim3A_123 = vector.shape_cast %reduce_sum3A_122 : vector<256xf32> to vector<256x1xf32>
    %ge3A_124 = arith.constant 3.200000e+01 : f32
    %ge3A_125 = vector.broadcast %ge3A_124 : f32 to vector<256x1xf32>
    %ge3A_126 = arith.cmpf oge, %broadcast_in_dim3A_123, %ge3A_125 : vector<256x1xf32>
    %select_n3A_127 = arith.select %ge3A_126, %add3A_116, %select_n3A_110 : vector<256x1xi1>, vector<256x1xi32>
    %select_n3A_128 = arith.select %ge3A_126, %select_n3A_111, %add3A_116 : vector<256x1xi1>, vector<256x1xi32>
    %sub3A_129 = arith.subi %select_n3A_128, %select_n3A_127 : vector<256x1xi32>
    %shift_right_arithmetic3A_130 = arith.constant 1 : i32
    %shift_right_arithmetic3A_131 = vector.broadcast %shift_right_arithmetic3A_130 : i32 to vector<256x1xi32>
    %shift_right_arithmetic3A_132 = arith.shrsi %sub3A_129, %shift_right_arithmetic3A_131 : vector<256x1xi32>
    %add3A_133 = arith.addi %select_n3A_127, %shift_right_arithmetic3A_132 : vector<256x1xi32>
    %ge3A_134 = vector.broadcast %add3A_133 : vector<256x1xi32> to vector<256x1024xi32>
    %ge3A_135 = arith.cmpi sge, %bitcast_convert_type3A, %ge3A_134 : vector<256x1024xi32>
    %convert_element_type3A_136 = arith.extui %ge3A_135 : vector<256x1024xi1> to vector<256x1024xi32>
    %convert_element_type3A_137 = arith.sitofp %convert_element_type3A_136 : vector<256x1024xi32> to vector<256x1024xf32>
    %reduce_sum3A_138 = arith.constant dense<0.000000e+00> : vector<256xf32>
    %reduce_sum3A_139 = vector.multi_reduction <add>, %convert_element_type3A_137, %reduce_sum3A_138 [1] : vector<256x1024xf32> to vector<256xf32>
    %broadcast_in_dim3A_140 = vector.shape_cast %reduce_sum3A_139 : vector<256xf32> to vector<256x1xf32>
    %ge3A_141 = arith.constant 3.200000e+01 : f32
    %ge3A_142 = vector.broadcast %ge3A_141 : f32 to vector<256x1xf32>
    %ge3A_143 = arith.cmpf oge, %broadcast_in_dim3A_140, %ge3A_142 : vector<256x1xf32>
    %select_n3A_144 = arith.select %ge3A_143, %add3A_133, %select_n3A_127 : vector<256x1xi1>, vector<256x1xi32>
    %select_n3A_145 = arith.select %ge3A_143, %select_n3A_128, %add3A_133 : vector<256x1xi1>, vector<256x1xi32>
    %sub3A_146 = arith.subi %select_n3A_145, %select_n3A_144 : vector<256x1xi32>
    %shift_right_arithmetic3A_147 = arith.constant 1 : i32
    %shift_right_arithmetic3A_148 = vector.broadcast %shift_right_arithmetic3A_147 : i32 to vector<256x1xi32>
    %shift_right_arithmetic3A_149 = arith.shrsi %sub3A_146, %shift_right_arithmetic3A_148 : vector<256x1xi32>
    %add3A_150 = arith.addi %select_n3A_144, %shift_right_arithmetic3A_149 : vector<256x1xi32>
    %ge3A_151 = vector.broadcast %add3A_150 : vector<256x1xi32> to vector<256x1024xi32>
    %ge3A_152 = arith.cmpi sge, %bitcast_convert_type3A, %ge3A_151 : vector<256x1024xi32>
    %convert_element_type3A_153 = arith.extui %ge3A_152 : vector<256x1024xi1> to vector<256x1024xi32>
    %convert_element_type3A_154 = arith.sitofp %convert_element_type3A_153 : vector<256x1024xi32> to vector<256x1024xf32>
    %reduce_sum3A_155 = arith.constant dense<0.000000e+00> : vector<256xf32>
    %reduce_sum3A_156 = vector.multi_reduction <add>, %convert_element_type3A_154, %reduce_sum3A_155 [1] : vector<256x1024xf32> to vector<256xf32>
    %broadcast_in_dim3A_157 = vector.shape_cast %reduce_sum3A_156 : vector<256xf32> to vector<256x1xf32>
    %ge3A_158 = arith.constant 3.200000e+01 : f32
    %ge3A_159 = vector.broadcast %ge3A_158 : f32 to vector<256x1xf32>
    %ge3A_160 = arith.cmpf oge, %broadcast_in_dim3A_157, %ge3A_159 : vector<256x1xf32>
    %select_n3A_161 = arith.select %ge3A_160, %add3A_150, %select_n3A_144 : vector<256x1xi1>, vector<256x1xi32>
    %select_n3A_162 = arith.select %ge3A_160, %select_n3A_145, %add3A_150 : vector<256x1xi1>, vector<256x1xi32>
    %sub3A_163 = arith.subi %select_n3A_162, %select_n3A_161 : vector<256x1xi32>
    %shift_right_arithmetic3A_164 = arith.constant 1 : i32
    %shift_right_arithmetic3A_165 = vector.broadcast %shift_right_arithmetic3A_164 : i32 to vector<256x1xi32>
    %shift_right_arithmetic3A_166 = arith.shrsi %sub3A_163, %shift_right_arithmetic3A_165 : vector<256x1xi32>
    %add3A_167 = arith.addi %select_n3A_161, %shift_right_arithmetic3A_166 : vector<256x1xi32>
    %ge3A_168 = vector.broadcast %add3A_167 : vector<256x1xi32> to vector<256x1024xi32>
    %ge3A_169 = arith.cmpi sge, %bitcast_convert_type3A, %ge3A_168 : vector<256x1024xi32>
    %convert_element_type3A_170 = arith.extui %ge3A_169 : vector<256x1024xi1> to vector<256x1024xi32>
    %convert_element_type3A_171 = arith.sitofp %convert_element_type3A_170 : vector<256x1024xi32> to vector<256x1024xf32>
    %reduce_sum3A_172 = arith.constant dense<0.000000e+00> : vector<256xf32>
    %reduce_sum3A_173 = vector.multi_reduction <add>, %convert_element_type3A_171, %reduce_sum3A_172 [1] : vector<256x1024xf32> to vector<256xf32>
    %broadcast_in_dim3A_174 = vector.shape_cast %reduce_sum3A_173 : vector<256xf32> to vector<256x1xf32>
    %ge3A_175 = arith.constant 3.200000e+01 : f32
    %ge3A_176 = vector.broadcast %ge3A_175 : f32 to vector<256x1xf32>
    %ge3A_177 = arith.cmpf oge, %broadcast_in_dim3A_174, %ge3A_176 : vector<256x1xf32>
    %select_n3A_178 = arith.select %ge3A_177, %add3A_167, %select_n3A_161 : vector<256x1xi1>, vector<256x1xi32>
    %select_n3A_179 = arith.select %ge3A_177, %select_n3A_162, %add3A_167 : vector<256x1xi1>, vector<256x1xi32>
    %sub3A_180 = arith.subi %select_n3A_179, %select_n3A_178 : vector<256x1xi32>
    %shift_right_arithmetic3A_181 = arith.constant 1 : i32
    %shift_right_arithmetic3A_182 = vector.broadcast %shift_right_arithmetic3A_181 : i32 to vector<256x1xi32>
    %shift_right_arithmetic3A_183 = arith.shrsi %sub3A_180, %shift_right_arithmetic3A_182 : vector<256x1xi32>
    %add3A_184 = arith.addi %select_n3A_178, %shift_right_arithmetic3A_183 : vector<256x1xi32>
    %ge3A_185 = vector.broadcast %add3A_184 : vector<256x1xi32> to vector<256x1024xi32>
    %ge3A_186 = arith.cmpi sge, %bitcast_convert_type3A, %ge3A_185 : vector<256x1024xi32>
    %convert_element_type3A_187 = arith.extui %ge3A_186 : vector<256x1024xi1> to vector<256x1024xi32>
    %convert_element_type3A_188 = arith.sitofp %convert_element_type3A_187 : vector<256x1024xi32> to vector<256x1024xf32>
    %reduce_sum3A_189 = arith.constant dense<0.000000e+00> : vector<256xf32>
    %reduce_sum3A_190 = vector.multi_reduction <add>, %convert_element_type3A_188, %reduce_sum3A_189 [1] : vector<256x1024xf32> to vector<256xf32>
    %broadcast_in_dim3A_191 = vector.shape_cast %reduce_sum3A_190 : vector<256xf32> to vector<256x1xf32>
    %ge3A_192 = arith.constant 3.200000e+01 : f32
    %ge3A_193 = vector.broadcast %ge3A_192 : f32 to vector<256x1xf32>
    %ge3A_194 = arith.cmpf oge, %broadcast_in_dim3A_191, %ge3A_193 : vector<256x1xf32>
    %select_n3A_195 = arith.select %ge3A_194, %add3A_184, %select_n3A_178 : vector<256x1xi1>, vector<256x1xi32>
    %select_n3A_196 = arith.select %ge3A_194, %select_n3A_179, %add3A_184 : vector<256x1xi1>, vector<256x1xi32>
    %sub3A_197 = arith.subi %select_n3A_196, %select_n3A_195 : vector<256x1xi32>
    %shift_right_arithmetic3A_198 = arith.constant 1 : i32
    %shift_right_arithmetic3A_199 = vector.broadcast %shift_right_arithmetic3A_198 : i32 to vector<256x1xi32>
    %shift_right_arithmetic3A_200 = arith.shrsi %sub3A_197, %shift_right_arithmetic3A_199 : vector<256x1xi32>
    %add3A_201 = arith.addi %select_n3A_195, %shift_right_arithmetic3A_200 : vector<256x1xi32>
    %ge3A_202 = vector.broadcast %add3A_201 : vector<256x1xi32> to vector<256x1024xi32>
    %ge3A_203 = arith.cmpi sge, %bitcast_convert_type3A, %ge3A_202 : vector<256x1024xi32>
    %convert_element_type3A_204 = arith.extui %ge3A_203 : vector<256x1024xi1> to vector<256x1024xi32>
    %convert_element_type3A_205 = arith.sitofp %convert_element_type3A_204 : vector<256x1024xi32> to vector<256x1024xf32>
    %reduce_sum3A_206 = arith.constant dense<0.000000e+00> : vector<256xf32>
    %reduce_sum3A_207 = vector.multi_reduction <add>, %convert_element_type3A_205, %reduce_sum3A_206 [1] : vector<256x1024xf32> to vector<256xf32>
    %broadcast_in_dim3A_208 = vector.shape_cast %reduce_sum3A_207 : vector<256xf32> to vector<256x1xf32>
    %ge3A_209 = arith.constant 3.200000e+01 : f32
    %ge3A_210 = vector.broadcast %ge3A_209 : f32 to vector<256x1xf32>
    %ge3A_211 = arith.cmpf oge, %broadcast_in_dim3A_208, %ge3A_210 : vector<256x1xf32>
    %select_n3A_212 = arith.select %ge3A_211, %add3A_201, %select_n3A_195 : vector<256x1xi1>, vector<256x1xi32>
    %select_n3A_213 = arith.select %ge3A_211, %select_n3A_196, %add3A_201 : vector<256x1xi1>, vector<256x1xi32>
    %sub3A_214 = arith.subi %select_n3A_213, %select_n3A_212 : vector<256x1xi32>
    %shift_right_arithmetic3A_215 = arith.constant 1 : i32
    %shift_right_arithmetic3A_216 = vector.broadcast %shift_right_arithmetic3A_215 : i32 to vector<256x1xi32>
    %shift_right_arithmetic3A_217 = arith.shrsi %sub3A_214, %shift_right_arithmetic3A_216 : vector<256x1xi32>
    %add3A_218 = arith.addi %select_n3A_212, %shift_right_arithmetic3A_217 : vector<256x1xi32>
    %ge3A_219 = vector.broadcast %add3A_218 : vector<256x1xi32> to vector<256x1024xi32>
    %ge3A_220 = arith.cmpi sge, %bitcast_convert_type3A, %ge3A_219 : vector<256x1024xi32>
    %convert_element_type3A_221 = arith.extui %ge3A_220 : vector<256x1024xi1> to vector<256x1024xi32>
    %convert_element_type3A_222 = arith.sitofp %convert_element_type3A_221 : vector<256x1024xi32> to vector<256x1024xf32>
    %reduce_sum3A_223 = arith.constant dense<0.000000e+00> : vector<256xf32>
    %reduce_sum3A_224 = vector.multi_reduction <add>, %convert_element_type3A_222, %reduce_sum3A_223 [1] : vector<256x1024xf32> to vector<256xf32>
    %broadcast_in_dim3A_225 = vector.shape_cast %reduce_sum3A_224 : vector<256xf32> to vector<256x1xf32>
    %ge3A_226 = arith.constant 3.200000e+01 : f32
    %ge3A_227 = vector.broadcast %ge3A_226 : f32 to vector<256x1xf32>
    %ge3A_228 = arith.cmpf oge, %broadcast_in_dim3A_225, %ge3A_227 : vector<256x1xf32>
    %select_n3A_229 = arith.select %ge3A_228, %add3A_218, %select_n3A_212 : vector<256x1xi1>, vector<256x1xi32>
    %select_n3A_230 = arith.select %ge3A_228, %select_n3A_213, %add3A_218 : vector<256x1xi1>, vector<256x1xi32>
    %sub3A_231 = arith.subi %select_n3A_230, %select_n3A_229 : vector<256x1xi32>
    %shift_right_arithmetic3A_232 = arith.constant 1 : i32
    %shift_right_arithmetic3A_233 = vector.broadcast %shift_right_arithmetic3A_232 : i32 to vector<256x1xi32>
    %shift_right_arithmetic3A_234 = arith.shrsi %sub3A_231, %shift_right_arithmetic3A_233 : vector<256x1xi32>
    %add3A_235 = arith.addi %select_n3A_229, %shift_right_arithmetic3A_234 : vector<256x1xi32>
    %ge3A_236 = vector.broadcast %add3A_235 : vector<256x1xi32> to vector<256x1024xi32>
    %ge3A_237 = arith.cmpi sge, %bitcast_convert_type3A, %ge3A_236 : vector<256x1024xi32>
    %convert_element_type3A_238 = arith.extui %ge3A_237 : vector<256x1024xi1> to vector<256x1024xi32>
    %convert_element_type3A_239 = arith.sitofp %convert_element_type3A_238 : vector<256x1024xi32> to vector<256x1024xf32>
    %reduce_sum3A_240 = arith.constant dense<0.000000e+00> : vector<256xf32>
    %reduce_sum3A_241 = vector.multi_reduction <add>, %convert_element_type3A_239, %reduce_sum3A_240 [1] : vector<256x1024xf32> to vector<256xf32>
    %broadcast_in_dim3A_242 = vector.shape_cast %reduce_sum3A_241 : vector<256xf32> to vector<256x1xf32>
    %ge3A_243 = arith.constant 3.200000e+01 : f32
    %ge3A_244 = vector.broadcast %ge3A_243 : f32 to vector<256x1xf32>
    %ge3A_245 = arith.cmpf oge, %broadcast_in_dim3A_242, %ge3A_244 : vector<256x1xf32>
    %select_n3A_246 = arith.select %ge3A_245, %add3A_235, %select_n3A_229 : vector<256x1xi1>, vector<256x1xi32>
    %select_n3A_247 = arith.select %ge3A_245, %select_n3A_230, %add3A_235 : vector<256x1xi1>, vector<256x1xi32>
    %sub3A_248 = arith.subi %select_n3A_247, %select_n3A_246 : vector<256x1xi32>
    %shift_right_arithmetic3A_249 = arith.constant 1 : i32
    %shift_right_arithmetic3A_250 = vector.broadcast %shift_right_arithmetic3A_249 : i32 to vector<256x1xi32>
    %shift_right_arithmetic3A_251 = arith.shrsi %sub3A_248, %shift_right_arithmetic3A_250 : vector<256x1xi32>
    %add3A_252 = arith.addi %select_n3A_246, %shift_right_arithmetic3A_251 : vector<256x1xi32>
    %ge3A_253 = vector.broadcast %add3A_252 : vector<256x1xi32> to vector<256x1024xi32>
    %ge3A_254 = arith.cmpi sge, %bitcast_convert_type3A, %ge3A_253 : vector<256x1024xi32>
    %convert_element_type3A_255 = arith.extui %ge3A_254 : vector<256x1024xi1> to vector<256x1024xi32>
    %convert_element_type3A_256 = arith.sitofp %convert_element_type3A_255 : vector<256x1024xi32> to vector<256x1024xf32>
    %reduce_sum3A_257 = arith.constant dense<0.000000e+00> : vector<256xf32>
    %reduce_sum3A_258 = vector.multi_reduction <add>, %convert_element_type3A_256, %reduce_sum3A_257 [1] : vector<256x1024xf32> to vector<256xf32>
    %broadcast_in_dim3A_259 = vector.shape_cast %reduce_sum3A_258 : vector<256xf32> to vector<256x1xf32>
    %ge3A_260 = arith.constant 3.200000e+01 : f32
    %ge3A_261 = vector.broadcast %ge3A_260 : f32 to vector<256x1xf32>
    %ge3A_262 = arith.cmpf oge, %broadcast_in_dim3A_259, %ge3A_261 : vector<256x1xf32>
    %select_n3A_263 = arith.select %ge3A_262, %add3A_252, %select_n3A_246 : vector<256x1xi1>, vector<256x1xi32>
    %select_n3A_264 = arith.select %ge3A_262, %select_n3A_247, %add3A_252 : vector<256x1xi1>, vector<256x1xi32>
    %sub3A_265 = arith.subi %select_n3A_264, %select_n3A_263 : vector<256x1xi32>
    %shift_right_arithmetic3A_266 = arith.constant 1 : i32
    %shift_right_arithmetic3A_267 = vector.broadcast %shift_right_arithmetic3A_266 : i32 to vector<256x1xi32>
    %shift_right_arithmetic3A_268 = arith.shrsi %sub3A_265, %shift_right_arithmetic3A_267 : vector<256x1xi32>
    %add3A_269 = arith.addi %select_n3A_263, %shift_right_arithmetic3A_268 : vector<256x1xi32>
    %ge3A_270 = vector.broadcast %add3A_269 : vector<256x1xi32> to vector<256x1024xi32>
    %ge3A_271 = arith.cmpi sge, %bitcast_convert_type3A, %ge3A_270 : vector<256x1024xi32>
    %convert_element_type3A_272 = arith.extui %ge3A_271 : vector<256x1024xi1> to vector<256x1024xi32>
    %convert_element_type3A_273 = arith.sitofp %convert_element_type3A_272 : vector<256x1024xi32> to vector<256x1024xf32>
    %reduce_sum3A_274 = arith.constant dense<0.000000e+00> : vector<256xf32>
    %reduce_sum3A_275 = vector.multi_reduction <add>, %convert_element_type3A_273, %reduce_sum3A_274 [1] : vector<256x1024xf32> to vector<256xf32>
    %broadcast_in_dim3A_276 = vector.shape_cast %reduce_sum3A_275 : vector<256xf32> to vector<256x1xf32>
    %ge3A_277 = arith.constant 3.200000e+01 : f32
    %ge3A_278 = vector.broadcast %ge3A_277 : f32 to vector<256x1xf32>
    %ge3A_279 = arith.cmpf oge, %broadcast_in_dim3A_276, %ge3A_278 : vector<256x1xf32>
    %select_n3A_280 = arith.select %ge3A_279, %add3A_269, %select_n3A_263 : vector<256x1xi1>, vector<256x1xi32>
    %select_n3A_281 = arith.select %ge3A_279, %select_n3A_264, %add3A_269 : vector<256x1xi1>, vector<256x1xi32>
    %sub3A_282 = arith.subi %select_n3A_281, %select_n3A_280 : vector<256x1xi32>
    %shift_right_arithmetic3A_283 = arith.constant 1 : i32
    %shift_right_arithmetic3A_284 = vector.broadcast %shift_right_arithmetic3A_283 : i32 to vector<256x1xi32>
    %shift_right_arithmetic3A_285 = arith.shrsi %sub3A_282, %shift_right_arithmetic3A_284 : vector<256x1xi32>
    %add3A_286 = arith.addi %select_n3A_280, %shift_right_arithmetic3A_285 : vector<256x1xi32>
    %ge3A_287 = vector.broadcast %add3A_286 : vector<256x1xi32> to vector<256x1024xi32>
    %ge3A_288 = arith.cmpi sge, %bitcast_convert_type3A, %ge3A_287 : vector<256x1024xi32>
    %convert_element_type3A_289 = arith.extui %ge3A_288 : vector<256x1024xi1> to vector<256x1024xi32>
    %convert_element_type3A_290 = arith.sitofp %convert_element_type3A_289 : vector<256x1024xi32> to vector<256x1024xf32>
    %reduce_sum3A_291 = arith.constant dense<0.000000e+00> : vector<256xf32>
    %reduce_sum3A_292 = vector.multi_reduction <add>, %convert_element_type3A_290, %reduce_sum3A_291 [1] : vector<256x1024xf32> to vector<256xf32>
    %broadcast_in_dim3A_293 = vector.shape_cast %reduce_sum3A_292 : vector<256xf32> to vector<256x1xf32>
    %ge3A_294 = arith.constant 3.200000e+01 : f32
    %ge3A_295 = vector.broadcast %ge3A_294 : f32 to vector<256x1xf32>
    %ge3A_296 = arith.cmpf oge, %broadcast_in_dim3A_293, %ge3A_295 : vector<256x1xf32>
    %select_n3A_297 = arith.select %ge3A_296, %add3A_286, %select_n3A_280 : vector<256x1xi1>, vector<256x1xi32>
    %select_n3A_298 = arith.select %ge3A_296, %select_n3A_281, %add3A_286 : vector<256x1xi1>, vector<256x1xi32>
    %sub3A_299 = arith.subi %select_n3A_298, %select_n3A_297 : vector<256x1xi32>
    %shift_right_arithmetic3A_300 = arith.constant 1 : i32
    %shift_right_arithmetic3A_301 = vector.broadcast %shift_right_arithmetic3A_300 : i32 to vector<256x1xi32>
    %shift_right_arithmetic3A_302 = arith.shrsi %sub3A_299, %shift_right_arithmetic3A_301 : vector<256x1xi32>
    %add3A_303 = arith.addi %select_n3A_297, %shift_right_arithmetic3A_302 : vector<256x1xi32>
    %ge3A_304 = vector.broadcast %add3A_303 : vector<256x1xi32> to vector<256x1024xi32>
    %ge3A_305 = arith.cmpi sge, %bitcast_convert_type3A, %ge3A_304 : vector<256x1024xi32>
    %convert_element_type3A_306 = arith.extui %ge3A_305 : vector<256x1024xi1> to vector<256x1024xi32>
    %convert_element_type3A_307 = arith.sitofp %convert_element_type3A_306 : vector<256x1024xi32> to vector<256x1024xf32>
    %reduce_sum3A_308 = arith.constant dense<0.000000e+00> : vector<256xf32>
    %reduce_sum3A_309 = vector.multi_reduction <add>, %convert_element_type3A_307, %reduce_sum3A_308 [1] : vector<256x1024xf32> to vector<256xf32>
    %broadcast_in_dim3A_310 = vector.shape_cast %reduce_sum3A_309 : vector<256xf32> to vector<256x1xf32>
    %ge3A_311 = arith.constant 3.200000e+01 : f32
    %ge3A_312 = vector.broadcast %ge3A_311 : f32 to vector<256x1xf32>
    %ge3A_313 = arith.cmpf oge, %broadcast_in_dim3A_310, %ge3A_312 : vector<256x1xf32>
    %select_n3A_314 = arith.select %ge3A_313, %add3A_303, %select_n3A_297 : vector<256x1xi1>, vector<256x1xi32>
    %select_n3A_315 = arith.select %ge3A_313, %select_n3A_298, %add3A_303 : vector<256x1xi1>, vector<256x1xi32>
    %sub3A_316 = arith.subi %select_n3A_315, %select_n3A_314 : vector<256x1xi32>
    %shift_right_arithmetic3A_317 = arith.constant 1 : i32
    %shift_right_arithmetic3A_318 = vector.broadcast %shift_right_arithmetic3A_317 : i32 to vector<256x1xi32>
    %shift_right_arithmetic3A_319 = arith.shrsi %sub3A_316, %shift_right_arithmetic3A_318 : vector<256x1xi32>
    %add3A_320 = arith.addi %select_n3A_314, %shift_right_arithmetic3A_319 : vector<256x1xi32>
    %ge3A_321 = vector.broadcast %add3A_320 : vector<256x1xi32> to vector<256x1024xi32>
    %ge3A_322 = arith.cmpi sge, %bitcast_convert_type3A, %ge3A_321 : vector<256x1024xi32>
    %convert_element_type3A_323 = arith.extui %ge3A_322 : vector<256x1024xi1> to vector<256x1024xi32>
    %convert_element_type3A_324 = arith.sitofp %convert_element_type3A_323 : vector<256x1024xi32> to vector<256x1024xf32>
    %reduce_sum3A_325 = arith.constant dense<0.000000e+00> : vector<256xf32>
    %reduce_sum3A_326 = vector.multi_reduction <add>, %convert_element_type3A_324, %reduce_sum3A_325 [1] : vector<256x1024xf32> to vector<256xf32>
    %broadcast_in_dim3A_327 = vector.shape_cast %reduce_sum3A_326 : vector<256xf32> to vector<256x1xf32>
    %ge3A_328 = arith.constant 3.200000e+01 : f32
    %ge3A_329 = vector.broadcast %ge3A_328 : f32 to vector<256x1xf32>
    %ge3A_330 = arith.cmpf oge, %broadcast_in_dim3A_327, %ge3A_329 : vector<256x1xf32>
    %select_n3A_331 = arith.select %ge3A_330, %add3A_320, %select_n3A_314 : vector<256x1xi1>, vector<256x1xi32>
    %select_n3A_332 = arith.select %ge3A_330, %select_n3A_315, %add3A_320 : vector<256x1xi1>, vector<256x1xi32>
    %sub3A_333 = arith.subi %select_n3A_332, %select_n3A_331 : vector<256x1xi32>
    %shift_right_arithmetic3A_334 = arith.constant 1 : i32
    %shift_right_arithmetic3A_335 = vector.broadcast %shift_right_arithmetic3A_334 : i32 to vector<256x1xi32>
    %shift_right_arithmetic3A_336 = arith.shrsi %sub3A_333, %shift_right_arithmetic3A_335 : vector<256x1xi32>
    %add3A_337 = arith.addi %select_n3A_331, %shift_right_arithmetic3A_336 : vector<256x1xi32>
    %ge3A_338 = vector.broadcast %add3A_337 : vector<256x1xi32> to vector<256x1024xi32>
    %ge3A_339 = arith.cmpi sge, %bitcast_convert_type3A, %ge3A_338 : vector<256x1024xi32>
    %convert_element_type3A_340 = arith.extui %ge3A_339 : vector<256x1024xi1> to vector<256x1024xi32>
    %convert_element_type3A_341 = arith.sitofp %convert_element_type3A_340 : vector<256x1024xi32> to vector<256x1024xf32>
    %reduce_sum3A_342 = arith.constant dense<0.000000e+00> : vector<256xf32>
    %reduce_sum3A_343 = vector.multi_reduction <add>, %convert_element_type3A_341, %reduce_sum3A_342 [1] : vector<256x1024xf32> to vector<256xf32>
    %broadcast_in_dim3A_344 = vector.shape_cast %reduce_sum3A_343 : vector<256xf32> to vector<256x1xf32>
    %ge3A_345 = arith.constant 3.200000e+01 : f32
    %ge3A_346 = vector.broadcast %ge3A_345 : f32 to vector<256x1xf32>
    %ge3A_347 = arith.cmpf oge, %broadcast_in_dim3A_344, %ge3A_346 : vector<256x1xf32>
    %select_n3A_348 = arith.select %ge3A_347, %add3A_337, %select_n3A_331 : vector<256x1xi1>, vector<256x1xi32>
    %select_n3A_349 = arith.select %ge3A_347, %select_n3A_332, %add3A_337 : vector<256x1xi1>, vector<256x1xi32>
    %sub3A_350 = arith.subi %select_n3A_349, %select_n3A_348 : vector<256x1xi32>
    %shift_right_arithmetic3A_351 = arith.constant 1 : i32
    %shift_right_arithmetic3A_352 = vector.broadcast %shift_right_arithmetic3A_351 : i32 to vector<256x1xi32>
    %shift_right_arithmetic3A_353 = arith.shrsi %sub3A_350, %shift_right_arithmetic3A_352 : vector<256x1xi32>
    %add3A_354 = arith.addi %select_n3A_348, %shift_right_arithmetic3A_353 : vector<256x1xi32>
    %ge3A_355 = vector.broadcast %add3A_354 : vector<256x1xi32> to vector<256x1024xi32>
    %ge3A_356 = arith.cmpi sge, %bitcast_convert_type3A, %ge3A_355 : vector<256x1024xi32>
    %convert_element_type3A_357 = arith.extui %ge3A_356 : vector<256x1024xi1> to vector<256x1024xi32>
    %convert_element_type3A_358 = arith.sitofp %convert_element_type3A_357 : vector<256x1024xi32> to vector<256x1024xf32>
    %reduce_sum3A_359 = arith.constant dense<0.000000e+00> : vector<256xf32>
    %reduce_sum3A_360 = vector.multi_reduction <add>, %convert_element_type3A_358, %reduce_sum3A_359 [1] : vector<256x1024xf32> to vector<256xf32>
    %broadcast_in_dim3A_361 = vector.shape_cast %reduce_sum3A_360 : vector<256xf32> to vector<256x1xf32>
    %ge3A_362 = arith.constant 3.200000e+01 : f32
    %ge3A_363 = vector.broadcast %ge3A_362 : f32 to vector<256x1xf32>
    %ge3A_364 = arith.cmpf oge, %broadcast_in_dim3A_361, %ge3A_363 : vector<256x1xf32>
    %select_n3A_365 = arith.select %ge3A_364, %add3A_354, %select_n3A_348 : vector<256x1xi1>, vector<256x1xi32>
    %select_n3A_366 = arith.select %ge3A_364, %select_n3A_349, %add3A_354 : vector<256x1xi1>, vector<256x1xi32>
    %sub3A_367 = arith.subi %select_n3A_366, %select_n3A_365 : vector<256x1xi32>
    %shift_right_arithmetic3A_368 = arith.constant 1 : i32
    %shift_right_arithmetic3A_369 = vector.broadcast %shift_right_arithmetic3A_368 : i32 to vector<256x1xi32>
    %shift_right_arithmetic3A_370 = arith.shrsi %sub3A_367, %shift_right_arithmetic3A_369 : vector<256x1xi32>
    %add3A_371 = arith.addi %select_n3A_365, %shift_right_arithmetic3A_370 : vector<256x1xi32>
    %ge3A_372 = vector.broadcast %add3A_371 : vector<256x1xi32> to vector<256x1024xi32>
    %ge3A_373 = arith.cmpi sge, %bitcast_convert_type3A, %ge3A_372 : vector<256x1024xi32>
    %convert_element_type3A_374 = arith.extui %ge3A_373 : vector<256x1024xi1> to vector<256x1024xi32>
    %convert_element_type3A_375 = arith.sitofp %convert_element_type3A_374 : vector<256x1024xi32> to vector<256x1024xf32>
    %reduce_sum3A_376 = arith.constant dense<0.000000e+00> : vector<256xf32>
    %reduce_sum3A_377 = vector.multi_reduction <add>, %convert_element_type3A_375, %reduce_sum3A_376 [1] : vector<256x1024xf32> to vector<256xf32>
    %broadcast_in_dim3A_378 = vector.shape_cast %reduce_sum3A_377 : vector<256xf32> to vector<256x1xf32>
    %ge3A_379 = arith.constant 3.200000e+01 : f32
    %ge3A_380 = vector.broadcast %ge3A_379 : f32 to vector<256x1xf32>
    %ge3A_381 = arith.cmpf oge, %broadcast_in_dim3A_378, %ge3A_380 : vector<256x1xf32>
    %select_n3A_382 = arith.select %ge3A_381, %add3A_371, %select_n3A_365 : vector<256x1xi1>, vector<256x1xi32>
    %select_n3A_383 = arith.select %ge3A_381, %select_n3A_366, %add3A_371 : vector<256x1xi1>, vector<256x1xi32>
    %sub3A_384 = arith.subi %select_n3A_383, %select_n3A_382 : vector<256x1xi32>
    %shift_right_arithmetic3A_385 = arith.constant 1 : i32
    %shift_right_arithmetic3A_386 = vector.broadcast %shift_right_arithmetic3A_385 : i32 to vector<256x1xi32>
    %shift_right_arithmetic3A_387 = arith.shrsi %sub3A_384, %shift_right_arithmetic3A_386 : vector<256x1xi32>
    %add3A_388 = arith.addi %select_n3A_382, %shift_right_arithmetic3A_387 : vector<256x1xi32>
    %ge3A_389 = vector.broadcast %add3A_388 : vector<256x1xi32> to vector<256x1024xi32>
    %ge3A_390 = arith.cmpi sge, %bitcast_convert_type3A, %ge3A_389 : vector<256x1024xi32>
    %convert_element_type3A_391 = arith.extui %ge3A_390 : vector<256x1024xi1> to vector<256x1024xi32>
    %convert_element_type3A_392 = arith.sitofp %convert_element_type3A_391 : vector<256x1024xi32> to vector<256x1024xf32>
    %reduce_sum3A_393 = arith.constant dense<0.000000e+00> : vector<256xf32>
    %reduce_sum3A_394 = vector.multi_reduction <add>, %convert_element_type3A_392, %reduce_sum3A_393 [1] : vector<256x1024xf32> to vector<256xf32>
    %broadcast_in_dim3A_395 = vector.shape_cast %reduce_sum3A_394 : vector<256xf32> to vector<256x1xf32>
    %ge3A_396 = arith.constant 3.200000e+01 : f32
    %ge3A_397 = vector.broadcast %ge3A_396 : f32 to vector<256x1xf32>
    %ge3A_398 = arith.cmpf oge, %broadcast_in_dim3A_395, %ge3A_397 : vector<256x1xf32>
    %select_n3A_399 = arith.select %ge3A_398, %add3A_388, %select_n3A_382 : vector<256x1xi1>, vector<256x1xi32>
    %select_n3A_400 = arith.select %ge3A_398, %select_n3A_383, %add3A_388 : vector<256x1xi1>, vector<256x1xi32>
    %sub3A_401 = arith.subi %select_n3A_400, %select_n3A_399 : vector<256x1xi32>
    %shift_right_arithmetic3A_402 = arith.constant 1 : i32
    %shift_right_arithmetic3A_403 = vector.broadcast %shift_right_arithmetic3A_402 : i32 to vector<256x1xi32>
    %shift_right_arithmetic3A_404 = arith.shrsi %sub3A_401, %shift_right_arithmetic3A_403 : vector<256x1xi32>
    %add3A_405 = arith.addi %select_n3A_399, %shift_right_arithmetic3A_404 : vector<256x1xi32>
    %ge3A_406 = vector.broadcast %add3A_405 : vector<256x1xi32> to vector<256x1024xi32>
    %ge3A_407 = arith.cmpi sge, %bitcast_convert_type3A, %ge3A_406 : vector<256x1024xi32>
    %convert_element_type3A_408 = arith.extui %ge3A_407 : vector<256x1024xi1> to vector<256x1024xi32>
    %convert_element_type3A_409 = arith.sitofp %convert_element_type3A_408 : vector<256x1024xi32> to vector<256x1024xf32>
    %reduce_sum3A_410 = arith.constant dense<0.000000e+00> : vector<256xf32>
    %reduce_sum3A_411 = vector.multi_reduction <add>, %convert_element_type3A_409, %reduce_sum3A_410 [1] : vector<256x1024xf32> to vector<256xf32>
    %broadcast_in_dim3A_412 = vector.shape_cast %reduce_sum3A_411 : vector<256xf32> to vector<256x1xf32>
    %ge3A_413 = arith.constant 3.200000e+01 : f32
    %ge3A_414 = vector.broadcast %ge3A_413 : f32 to vector<256x1xf32>
    %ge3A_415 = arith.cmpf oge, %broadcast_in_dim3A_412, %ge3A_414 : vector<256x1xf32>
    %select_n3A_416 = arith.select %ge3A_415, %add3A_405, %select_n3A_399 : vector<256x1xi1>, vector<256x1xi32>
    %select_n3A_417 = arith.select %ge3A_415, %select_n3A_400, %add3A_405 : vector<256x1xi1>, vector<256x1xi32>
    %sub3A_418 = arith.subi %select_n3A_417, %select_n3A_416 : vector<256x1xi32>
    %shift_right_arithmetic3A_419 = arith.constant 1 : i32
    %shift_right_arithmetic3A_420 = vector.broadcast %shift_right_arithmetic3A_419 : i32 to vector<256x1xi32>
    %shift_right_arithmetic3A_421 = arith.shrsi %sub3A_418, %shift_right_arithmetic3A_420 : vector<256x1xi32>
    %add3A_422 = arith.addi %select_n3A_416, %shift_right_arithmetic3A_421 : vector<256x1xi32>
    %ge3A_423 = vector.broadcast %add3A_422 : vector<256x1xi32> to vector<256x1024xi32>
    %ge3A_424 = arith.cmpi sge, %bitcast_convert_type3A, %ge3A_423 : vector<256x1024xi32>
    %convert_element_type3A_425 = arith.extui %ge3A_424 : vector<256x1024xi1> to vector<256x1024xi32>
    %convert_element_type3A_426 = arith.sitofp %convert_element_type3A_425 : vector<256x1024xi32> to vector<256x1024xf32>
    %reduce_sum3A_427 = arith.constant dense<0.000000e+00> : vector<256xf32>
    %reduce_sum3A_428 = vector.multi_reduction <add>, %convert_element_type3A_426, %reduce_sum3A_427 [1] : vector<256x1024xf32> to vector<256xf32>
    %broadcast_in_dim3A_429 = vector.shape_cast %reduce_sum3A_428 : vector<256xf32> to vector<256x1xf32>
    %ge3A_430 = arith.constant 3.200000e+01 : f32
    %ge3A_431 = vector.broadcast %ge3A_430 : f32 to vector<256x1xf32>
    %ge3A_432 = arith.cmpf oge, %broadcast_in_dim3A_429, %ge3A_431 : vector<256x1xf32>
    %select_n3A_433 = arith.select %ge3A_432, %add3A_422, %select_n3A_416 : vector<256x1xi1>, vector<256x1xi32>
    %select_n3A_434 = arith.select %ge3A_432, %select_n3A_417, %add3A_422 : vector<256x1xi1>, vector<256x1xi32>
    %sub3A_435 = arith.subi %select_n3A_434, %select_n3A_433 : vector<256x1xi32>
    %shift_right_arithmetic3A_436 = arith.constant 1 : i32
    %shift_right_arithmetic3A_437 = vector.broadcast %shift_right_arithmetic3A_436 : i32 to vector<256x1xi32>
    %shift_right_arithmetic3A_438 = arith.shrsi %sub3A_435, %shift_right_arithmetic3A_437 : vector<256x1xi32>
    %add3A_439 = arith.addi %select_n3A_433, %shift_right_arithmetic3A_438 : vector<256x1xi32>
    %ge3A_440 = vector.broadcast %add3A_439 : vector<256x1xi32> to vector<256x1024xi32>
    %ge3A_441 = arith.cmpi sge, %bitcast_convert_type3A, %ge3A_440 : vector<256x1024xi32>
    %convert_element_type3A_442 = arith.extui %ge3A_441 : vector<256x1024xi1> to vector<256x1024xi32>
    %convert_element_type3A_443 = arith.sitofp %convert_element_type3A_442 : vector<256x1024xi32> to vector<256x1024xf32>
    %reduce_sum3A_444 = arith.constant dense<0.000000e+00> : vector<256xf32>
    %reduce_sum3A_445 = vector.multi_reduction <add>, %convert_element_type3A_443, %reduce_sum3A_444 [1] : vector<256x1024xf32> to vector<256xf32>
    %broadcast_in_dim3A_446 = vector.shape_cast %reduce_sum3A_445 : vector<256xf32> to vector<256x1xf32>
    %ge3A_447 = arith.constant 3.200000e+01 : f32
    %ge3A_448 = vector.broadcast %ge3A_447 : f32 to vector<256x1xf32>
    %ge3A_449 = arith.cmpf oge, %broadcast_in_dim3A_446, %ge3A_448 : vector<256x1xf32>
    %select_n3A_450 = arith.select %ge3A_449, %add3A_439, %select_n3A_433 : vector<256x1xi1>, vector<256x1xi32>
    %select_n3A_451 = arith.select %ge3A_449, %select_n3A_434, %add3A_439 : vector<256x1xi1>, vector<256x1xi32>
    %sub3A_452 = arith.subi %select_n3A_451, %select_n3A_450 : vector<256x1xi32>
    %shift_right_arithmetic3A_453 = arith.constant 1 : i32
    %shift_right_arithmetic3A_454 = vector.broadcast %shift_right_arithmetic3A_453 : i32 to vector<256x1xi32>
    %shift_right_arithmetic3A_455 = arith.shrsi %sub3A_452, %shift_right_arithmetic3A_454 : vector<256x1xi32>
    %add3A_456 = arith.addi %select_n3A_450, %shift_right_arithmetic3A_455 : vector<256x1xi32>
    %ge3A_457 = vector.broadcast %add3A_456 : vector<256x1xi32> to vector<256x1024xi32>
    %ge3A_458 = arith.cmpi sge, %bitcast_convert_type3A, %ge3A_457 : vector<256x1024xi32>
    %convert_element_type3A_459 = arith.extui %ge3A_458 : vector<256x1024xi1> to vector<256x1024xi32>
    %convert_element_type3A_460 = arith.sitofp %convert_element_type3A_459 : vector<256x1024xi32> to vector<256x1024xf32>
    %reduce_sum3A_461 = arith.constant dense<0.000000e+00> : vector<256xf32>
    %reduce_sum3A_462 = vector.multi_reduction <add>, %convert_element_type3A_460, %reduce_sum3A_461 [1] : vector<256x1024xf32> to vector<256xf32>
    %broadcast_in_dim3A_463 = vector.shape_cast %reduce_sum3A_462 : vector<256xf32> to vector<256x1xf32>
    %ge3A_464 = arith.constant 3.200000e+01 : f32
    %ge3A_465 = vector.broadcast %ge3A_464 : f32 to vector<256x1xf32>
    %ge3A_466 = arith.cmpf oge, %broadcast_in_dim3A_463, %ge3A_465 : vector<256x1xf32>
    %select_n3A_467 = arith.select %ge3A_466, %add3A_456, %select_n3A_450 : vector<256x1xi1>, vector<256x1xi32>
    %select_n3A_468 = arith.select %ge3A_466, %select_n3A_451, %add3A_456 : vector<256x1xi1>, vector<256x1xi32>
    %sub3A_469 = arith.subi %select_n3A_468, %select_n3A_467 : vector<256x1xi32>
    %shift_right_arithmetic3A_470 = arith.constant 1 : i32
    %shift_right_arithmetic3A_471 = vector.broadcast %shift_right_arithmetic3A_470 : i32 to vector<256x1xi32>
    %shift_right_arithmetic3A_472 = arith.shrsi %sub3A_469, %shift_right_arithmetic3A_471 : vector<256x1xi32>
    %add3A_473 = arith.addi %select_n3A_467, %shift_right_arithmetic3A_472 : vector<256x1xi32>
    %ge3A_474 = vector.broadcast %add3A_473 : vector<256x1xi32> to vector<256x1024xi32>
    %ge3A_475 = arith.cmpi sge, %bitcast_convert_type3A, %ge3A_474 : vector<256x1024xi32>
    %convert_element_type3A_476 = arith.extui %ge3A_475 : vector<256x1024xi1> to vector<256x1024xi32>
    %convert_element_type3A_477 = arith.sitofp %convert_element_type3A_476 : vector<256x1024xi32> to vector<256x1024xf32>
    %reduce_sum3A_478 = arith.constant dense<0.000000e+00> : vector<256xf32>
    %reduce_sum3A_479 = vector.multi_reduction <add>, %convert_element_type3A_477, %reduce_sum3A_478 [1] : vector<256x1024xf32> to vector<256xf32>
    %broadcast_in_dim3A_480 = vector.shape_cast %reduce_sum3A_479 : vector<256xf32> to vector<256x1xf32>
    %ge3A_481 = arith.constant 3.200000e+01 : f32
    %ge3A_482 = vector.broadcast %ge3A_481 : f32 to vector<256x1xf32>
    %ge3A_483 = arith.cmpf oge, %broadcast_in_dim3A_480, %ge3A_482 : vector<256x1xf32>
    %select_n3A_484 = arith.select %ge3A_483, %add3A_473, %select_n3A_467 : vector<256x1xi1>, vector<256x1xi32>
    %select_n3A_485 = arith.select %ge3A_483, %select_n3A_468, %add3A_473 : vector<256x1xi1>, vector<256x1xi32>
    %sub3A_486 = arith.subi %select_n3A_485, %select_n3A_484 : vector<256x1xi32>
    %shift_right_arithmetic3A_487 = arith.constant 1 : i32
    %shift_right_arithmetic3A_488 = vector.broadcast %shift_right_arithmetic3A_487 : i32 to vector<256x1xi32>
    %shift_right_arithmetic3A_489 = arith.shrsi %sub3A_486, %shift_right_arithmetic3A_488 : vector<256x1xi32>
    %add3A_490 = arith.addi %select_n3A_484, %shift_right_arithmetic3A_489 : vector<256x1xi32>
    %ge3A_491 = vector.broadcast %add3A_490 : vector<256x1xi32> to vector<256x1024xi32>
    %ge3A_492 = arith.cmpi sge, %bitcast_convert_type3A, %ge3A_491 : vector<256x1024xi32>
    %convert_element_type3A_493 = arith.extui %ge3A_492 : vector<256x1024xi1> to vector<256x1024xi32>
    %convert_element_type3A_494 = arith.sitofp %convert_element_type3A_493 : vector<256x1024xi32> to vector<256x1024xf32>
    %reduce_sum3A_495 = arith.constant dense<0.000000e+00> : vector<256xf32>
    %reduce_sum3A_496 = vector.multi_reduction <add>, %convert_element_type3A_494, %reduce_sum3A_495 [1] : vector<256x1024xf32> to vector<256xf32>
    %broadcast_in_dim3A_497 = vector.shape_cast %reduce_sum3A_496 : vector<256xf32> to vector<256x1xf32>
    %ge3A_498 = arith.constant 3.200000e+01 : f32
    %ge3A_499 = vector.broadcast %ge3A_498 : f32 to vector<256x1xf32>
    %ge3A_500 = arith.cmpf oge, %broadcast_in_dim3A_497, %ge3A_499 : vector<256x1xf32>
    %select_n3A_501 = arith.select %ge3A_500, %add3A_490, %select_n3A_484 : vector<256x1xi1>, vector<256x1xi32>
    %select_n3A_502 = arith.select %ge3A_500, %select_n3A_485, %add3A_490 : vector<256x1xi1>, vector<256x1xi32>
    %sub3A_503 = arith.subi %select_n3A_502, %select_n3A_501 : vector<256x1xi32>
    %shift_right_arithmetic3A_504 = arith.constant 1 : i32
    %shift_right_arithmetic3A_505 = vector.broadcast %shift_right_arithmetic3A_504 : i32 to vector<256x1xi32>
    %shift_right_arithmetic3A_506 = arith.shrsi %sub3A_503, %shift_right_arithmetic3A_505 : vector<256x1xi32>
    %add3A_507 = arith.addi %select_n3A_501, %shift_right_arithmetic3A_506 : vector<256x1xi32>
    %ge3A_508 = vector.broadcast %add3A_507 : vector<256x1xi32> to vector<256x1024xi32>
    %ge3A_509 = arith.cmpi sge, %bitcast_convert_type3A, %ge3A_508 : vector<256x1024xi32>
    %convert_element_type3A_510 = arith.extui %ge3A_509 : vector<256x1024xi1> to vector<256x1024xi32>
    %convert_element_type3A_511 = arith.sitofp %convert_element_type3A_510 : vector<256x1024xi32> to vector<256x1024xf32>
    %reduce_sum3A_512 = arith.constant dense<0.000000e+00> : vector<256xf32>
    %reduce_sum3A_513 = vector.multi_reduction <add>, %convert_element_type3A_511, %reduce_sum3A_512 [1] : vector<256x1024xf32> to vector<256xf32>
    %broadcast_in_dim3A_514 = vector.shape_cast %reduce_sum3A_513 : vector<256xf32> to vector<256x1xf32>
    %ge3A_515 = arith.constant 3.200000e+01 : f32
    %ge3A_516 = vector.broadcast %ge3A_515 : f32 to vector<256x1xf32>
    %ge3A_517 = arith.cmpf oge, %broadcast_in_dim3A_514, %ge3A_516 : vector<256x1xf32>
    %select_n3A_518 = arith.select %ge3A_517, %add3A_507, %select_n3A_501 : vector<256x1xi1>, vector<256x1xi32>
    %select_n3A_519 = arith.select %ge3A_517, %select_n3A_502, %add3A_507 : vector<256x1xi1>, vector<256x1xi32>
    %sub3A_520 = arith.subi %select_n3A_519, %select_n3A_518 : vector<256x1xi32>
    %shift_right_arithmetic3A_521 = arith.constant 1 : i32
    %shift_right_arithmetic3A_522 = vector.broadcast %shift_right_arithmetic3A_521 : i32 to vector<256x1xi32>
    %shift_right_arithmetic3A_523 = arith.shrsi %sub3A_520, %shift_right_arithmetic3A_522 : vector<256x1xi32>
    %add3A_524 = arith.addi %select_n3A_518, %shift_right_arithmetic3A_523 : vector<256x1xi32>
    %ge3A_525 = vector.broadcast %add3A_524 : vector<256x1xi32> to vector<256x1024xi32>
    %ge3A_526 = arith.cmpi sge, %bitcast_convert_type3A, %ge3A_525 : vector<256x1024xi32>
    %convert_element_type3A_527 = arith.extui %ge3A_526 : vector<256x1024xi1> to vector<256x1024xi32>
    %convert_element_type3A_528 = arith.sitofp %convert_element_type3A_527 : vector<256x1024xi32> to vector<256x1024xf32>
    %reduce_sum3A_529 = arith.constant dense<0.000000e+00> : vector<256xf32>
    %reduce_sum3A_530 = vector.multi_reduction <add>, %convert_element_type3A_528, %reduce_sum3A_529 [1] : vector<256x1024xf32> to vector<256xf32>
    %broadcast_in_dim3A_531 = vector.shape_cast %reduce_sum3A_530 : vector<256xf32> to vector<256x1xf32>
    %ge3A_532 = arith.constant 3.200000e+01 : f32
    %ge3A_533 = vector.broadcast %ge3A_532 : f32 to vector<256x1xf32>
    %ge3A_534 = arith.cmpf oge, %broadcast_in_dim3A_531, %ge3A_533 : vector<256x1xf32>
    %select_n3A_535 = arith.select %ge3A_534, %add3A_524, %select_n3A_518 : vector<256x1xi1>, vector<256x1xi32>
    %select_n3A_536 = arith.select %ge3A_534, %select_n3A_519, %add3A_524 : vector<256x1xi1>, vector<256x1xi32>
    %sub3A_537 = arith.subi %select_n3A_536, %select_n3A_535 : vector<256x1xi32>
    %shift_right_arithmetic3A_538 = arith.constant 1 : i32
    %shift_right_arithmetic3A_539 = vector.broadcast %shift_right_arithmetic3A_538 : i32 to vector<256x1xi32>
    %shift_right_arithmetic3A_540 = arith.shrsi %sub3A_537, %shift_right_arithmetic3A_539 : vector<256x1xi32>
    %add3A_541 = arith.addi %select_n3A_535, %shift_right_arithmetic3A_540 : vector<256x1xi32>
    %ge3A_542 = vector.broadcast %add3A_541 : vector<256x1xi32> to vector<256x1024xi32>
    %ge3A_543 = arith.cmpi sge, %bitcast_convert_type3A, %ge3A_542 : vector<256x1024xi32>
    %convert_element_type3A_544 = arith.extui %ge3A_543 : vector<256x1024xi1> to vector<256x1024xi32>
    %convert_element_type3A_545 = arith.sitofp %convert_element_type3A_544 : vector<256x1024xi32> to vector<256x1024xf32>
    %reduce_sum3A_546 = arith.constant dense<0.000000e+00> : vector<256xf32>
    %reduce_sum3A_547 = vector.multi_reduction <add>, %convert_element_type3A_545, %reduce_sum3A_546 [1] : vector<256x1024xf32> to vector<256xf32>
    %broadcast_in_dim3A_548 = vector.shape_cast %reduce_sum3A_547 : vector<256xf32> to vector<256x1xf32>
    %ge3A_549 = arith.constant 3.200000e+01 : f32
    %ge3A_550 = vector.broadcast %ge3A_549 : f32 to vector<256x1xf32>
    %ge3A_551 = arith.cmpf oge, %broadcast_in_dim3A_548, %ge3A_550 : vector<256x1xf32>
    %select_n3A_552 = arith.select %ge3A_551, %add3A_541, %select_n3A_535 : vector<256x1xi1>, vector<256x1xi32>
    %select_n3A_553 = arith.select %ge3A_551, %select_n3A_536, %add3A_541 : vector<256x1xi1>, vector<256x1xi32>
    %sub3A_554 = arith.subi %select_n3A_553, %select_n3A_552 : vector<256x1xi32>
    %shift_right_arithmetic3A_555 = arith.constant 1 : i32
    %shift_right_arithmetic3A_556 = vector.broadcast %shift_right_arithmetic3A_555 : i32 to vector<256x1xi32>
    %shift_right_arithmetic3A_557 = arith.shrsi %sub3A_554, %shift_right_arithmetic3A_556 : vector<256x1xi32>
    %add3A_558 = arith.addi %select_n3A_552, %shift_right_arithmetic3A_557 : vector<256x1xi32>
    %ge3A_559 = vector.broadcast %add3A_558 : vector<256x1xi32> to vector<256x1024xi32>
    %ge3A_560 = arith.cmpi sge, %bitcast_convert_type3A, %ge3A_559 : vector<256x1024xi32>
    %convert_element_type3A_561 = arith.extui %ge3A_560 : vector<256x1024xi1> to vector<256x1024xi32>
    %convert_element_type3A_562 = arith.sitofp %convert_element_type3A_561 : vector<256x1024xi32> to vector<256x1024xf32>
    %reduce_sum3A_563 = arith.constant dense<0.000000e+00> : vector<256xf32>
    %reduce_sum3A_564 = vector.multi_reduction <add>, %convert_element_type3A_562, %reduce_sum3A_563 [1] : vector<256x1024xf32> to vector<256xf32>
    %broadcast_in_dim3A_565 = vector.shape_cast %reduce_sum3A_564 : vector<256xf32> to vector<256x1xf32>
    %ge3A_566 = arith.constant 3.200000e+01 : f32
    %ge3A_567 = vector.broadcast %ge3A_566 : f32 to vector<256x1xf32>
    %ge3A_568 = arith.cmpf oge, %broadcast_in_dim3A_565, %ge3A_567 : vector<256x1xf32>
    %select_n3A_569 = arith.select %ge3A_568, %add3A_558, %select_n3A_552 : vector<256x1xi1>, vector<256x1xi32>
    %select_n3A_570 = arith.select %ge3A_568, %select_n3A_553, %add3A_558 : vector<256x1xi1>, vector<256x1xi32>
    %sub3A_571 = arith.subi %select_n3A_570, %select_n3A_569 : vector<256x1xi32>
    %shift_right_arithmetic3A_572 = arith.constant 1 : i32
    %shift_right_arithmetic3A_573 = vector.broadcast %shift_right_arithmetic3A_572 : i32 to vector<256x1xi32>
    %shift_right_arithmetic3A_574 = arith.shrsi %sub3A_571, %shift_right_arithmetic3A_573 : vector<256x1xi32>
    %add3A_575 = arith.addi %select_n3A_569, %shift_right_arithmetic3A_574 : vector<256x1xi32>
    %ge3A_576 = vector.broadcast %add3A_575 : vector<256x1xi32> to vector<256x1024xi32>
    %ge3A_577 = arith.cmpi sge, %bitcast_convert_type3A, %ge3A_576 : vector<256x1024xi32>
    %convert_element_type3A_578 = arith.extui %ge3A_577 : vector<256x1024xi1> to vector<256x1024xi32>
    %convert_element_type3A_579 = arith.sitofp %convert_element_type3A_578 : vector<256x1024xi32> to vector<256x1024xf32>
    %reduce_sum3A_580 = arith.constant dense<0.000000e+00> : vector<256xf32>
    %reduce_sum3A_581 = vector.multi_reduction <add>, %convert_element_type3A_579, %reduce_sum3A_580 [1] : vector<256x1024xf32> to vector<256xf32>
    %broadcast_in_dim3A_582 = vector.shape_cast %reduce_sum3A_581 : vector<256xf32> to vector<256x1xf32>
    %ge3A_583 = arith.constant 3.200000e+01 : f32
    %ge3A_584 = vector.broadcast %ge3A_583 : f32 to vector<256x1xf32>
    %ge3A_585 = arith.cmpf oge, %broadcast_in_dim3A_582, %ge3A_584 : vector<256x1xf32>
    %select_n3A_586 = arith.select %ge3A_585, %add3A_575, %select_n3A_569 : vector<256x1xi1>, vector<256x1xi32>
    %select_n3A_587 = arith.select %ge3A_585, %select_n3A_570, %add3A_575 : vector<256x1xi1>, vector<256x1xi32>
    %sub3A_588 = arith.subi %select_n3A_587, %select_n3A_586 : vector<256x1xi32>
    %shift_right_arithmetic3A_589 = arith.constant 1 : i32
    %shift_right_arithmetic3A_590 = vector.broadcast %shift_right_arithmetic3A_589 : i32 to vector<256x1xi32>
    %shift_right_arithmetic3A_591 = arith.shrsi %sub3A_588, %shift_right_arithmetic3A_590 : vector<256x1xi32>
    %add3A_592 = arith.addi %select_n3A_586, %shift_right_arithmetic3A_591 : vector<256x1xi32>
    %ge3A_593 = vector.broadcast %add3A_592 : vector<256x1xi32> to vector<256x1024xi32>
    %ge3A_594 = arith.cmpi sge, %bitcast_convert_type3A, %ge3A_593 : vector<256x1024xi32>
    %convert_element_type3A_595 = arith.extui %ge3A_594 : vector<256x1024xi1> to vector<256x1024xi32>
    %convert_element_type3A_596 = arith.sitofp %convert_element_type3A_595 : vector<256x1024xi32> to vector<256x1024xf32>
    %reduce_sum3A_597 = arith.constant dense<0.000000e+00> : vector<256xf32>
    %reduce_sum3A_598 = vector.multi_reduction <add>, %convert_element_type3A_596, %reduce_sum3A_597 [1] : vector<256x1024xf32> to vector<256xf32>
    %broadcast_in_dim3A_599 = vector.shape_cast %reduce_sum3A_598 : vector<256xf32> to vector<256x1xf32>
    %ge3A_600 = arith.constant 3.200000e+01 : f32
    %ge3A_601 = vector.broadcast %ge3A_600 : f32 to vector<256x1xf32>
    %ge3A_602 = arith.cmpf oge, %broadcast_in_dim3A_599, %ge3A_601 : vector<256x1xf32>
    %select_n3A_603 = arith.select %ge3A_602, %add3A_592, %select_n3A_586 : vector<256x1xi1>, vector<256x1xi32>
    %ge3A_604 = vector.broadcast %select_n3A_603 : vector<256x1xi32> to vector<256x1024xi32>
    %ge3A_605 = arith.cmpi sge, %bitcast_convert_type3A, %ge3A_604 : vector<256x1024xi32>
    %jit3A_606 = arith.constant 0.000000e+00 : f32
    %broadcast_in_dim3A_607 = vector.broadcast %jit3A_606 : f32 to vector<256x1024xf32>
    %select_n3A_608 = arith.select %ge3A_605, %concatenate3A, %broadcast_in_dim3A_607 : vector<256x1024xi1>, vector<256x1024xf32>
    %reduce_sum3A_609 = arith.constant dense<0.000000e+00> : vector<256xf32>
    %reduce_sum3A_610 = vector.multi_reduction <add>, %select_n3A_608, %reduce_sum3A_609 [1] : vector<256x1024xf32> to vector<256xf32>
    %broadcast_in_dim3A_611 = vector.shape_cast %reduce_sum3A_610 : vector<256xf32> to vector<256x1xf32>
    %add3A_612 = arith.constant 9.99999993E-9 : f32
    %add3A_613 = vector.broadcast %add3A_612 : f32 to vector<256x1xf32>
    %add3A_614 = arith.addf %broadcast_in_dim3A_611, %add3A_613 : vector<256x1xf32>
    %tanh3A = math.tanh %broadcast_in_dim3A_75 : vector<256x1xf32>
    %div3A = arith.divf %tanh3A, %add3A_614 : vector<256x1xf32>
    %get3A_615 = arith.constant 0 : index
    %get3A_616 = arith.constant 0 : index
    %get3A_617 = vector.load %arg1[%get3A_615, %get3A_616] : memref<256x4096xf32, #tpu.memory_space<vmem>>, vector<256x4096xf32>
    %bitcast_convert_type3A_618 = tpu.bitcast %get3A_617 : vector<256x4096xf32> -> vector<256x4096xi32>
    %ge3A_619 = vector.broadcast %select_n3A_603 : vector<256x1xi32> to vector<256x4096xi32>
    %ge3A_620 = arith.cmpi sge, %bitcast_convert_type3A_618, %ge3A_619 : vector<256x4096xi32>
    %jit3A_621 = arith.constant 0.000000e+00 : f32
    %broadcast_in_dim3A_622 = vector.broadcast %jit3A_621 : f32 to vector<256x4096xf32>
    %select_n3A_623 = arith.select %ge3A_620, %get3A_617, %broadcast_in_dim3A_622 : vector<256x4096xi1>, vector<256x4096xf32>
    %mul3A = vector.broadcast %div3A : vector<256x1xf32> to vector<256x4096xf32>
    %mul3A_624 = arith.mulf %select_n3A_623, %mul3A : vector<256x4096xf32>
    %swap3A = arith.constant 0 : index
    %swap3A_625 = arith.constant 0 : index
    %swap3A_626 = vector.load %arg4[%swap3A, %swap3A_625] : memref<256x4096xf32, #tpu.memory_space<vmem>>, vector<256x4096xf32>
    tpu.vector_store %arg4[%swap3A, %swap3A_625], %mul3A_624 {strides = array<i32>} : memref<256x4096xf32, #tpu.memory_space<vmem>>, vector<256x4096xf32>,
    %get3A_627 = arith.constant 0 : index
    %get3A_628 = arith.constant 0 : index
    %get3A_629 = vector.load %arg5[%get3A_627, %get3A_628] : memref<8x4096xf32, #tpu.memory_space<vmem>>, vector<8x4096xf32>
    %reduce_sum3A_630 = arith.constant dense<0.000000e+00> : vector<4096xf32>
    %reduce_sum3A_631 = vector.multi_reduction <add>, %mul3A_624, %reduce_sum3A_630 [0] : vector<256x4096xf32> to vector<4096xf32>
    %broadcast_in_dim3A_632 = vector.shape_cast %reduce_sum3A_631 : vector<4096xf32> to vector<1x4096xf32>
    %broadcast_in_dim3A_633 = vector.shape_cast %broadcast_in_dim3A_632 : vector<1x4096xf32> to vector<1x4096xf32>
    %broadcast_in_dim3A_634 = vector.broadcast %broadcast_in_dim3A_633 : vector<1x4096xf32> to vector<8x4096xf32>
    %add3A_635 = arith.addf %get3A_629, %broadcast_in_dim3A_634 : vector<8x4096xf32>
    %swap3A_636 = arith.constant 0 : index
    %swap3A_637 = arith.constant 0 : index
    %swap3A_638 = vector.load %arg5[%swap3A_636, %swap3A_637] : memref<8x4096xf32, #tpu.memory_space<vmem>>, vector<8x4096xf32>
    tpu.vector_store %arg5[%swap3A_636, %swap3A_637], %add3A_635 {strides = array<i32>} : memref<8x4096xf32, #tpu.memory_space<vmem>>, vector<8x4096xf32>,
    return
  }
  func.func @transform_0(%arg0: i32) -> (i32, i32) {
    %c0_i32 = arith.constant 0 : i32
    %c0_i32_0 = arith.constant 0 : i32
    return %arg0, %c0_i32 : i32, i32
  }
  func.func @transform_1(%arg0: i32) -> (i32, i32) {
    %c0_i32 = arith.constant 0 : i32
    %c0_i32_0 = arith.constant 0 : i32
    return %arg0, %c0_i32 : i32, i32
  }
  func.func @transform_2(%arg0: i32) -> (i32, i32) {
    %c0_i32 = arith.constant 0 : i32
    %c0_i32_0 = arith.constant 0 : i32
    return %arg0, %c0_i32 : i32, i32
  }
  func.func @transform_3(%arg0: i32) -> (i32, i32) {
    %c0_i32 = arith.constant 0 : i32
    %c0_i32_0 = arith.constant 0 : i32
    return %arg0, %c0_i32 : i32, i32
  }
  func.func @transform_4(%arg0: i32) -> (i32, i32) {
    %c0_i32 = arith.constant 0 : i32
    %c0_i32_0 = arith.constant 0 : i32
    %c0_i32_1 = arith.constant 0 : i32
    return %c0_i32, %c0_i32_0 : i32, i32
  }
}

</mosaic_0001>

<sc_bundles>
// kernel: kernel.14.cloned.1.call-start
scs
__scs_entry_jumppad:
0x0: {  	(pc) =	sbr.rel $0x88, $3  }
0x1: {  	(tag) =	ssettag $0x0;
	lr =	simm.s32 $0x1  }
0x2: {  	[smem:$0x3F94] =	sst lr;
	_ =	strace $0xD0000000  }
0x3: {  	_ = 	snop  }
0x4: {  	_ = 	snop  }
0x5: {  	_ = 	snop  }
0x6: {  	_ = 	snop  }
0x7: {  	_ = 	snop  }
__scs_overlays_trampoline_lowered:
0x8: {  	[smem:$0x3FA3] =	sst s0  }
0x9: {  	[smem:$0x3FA4] =	sst s1  }
0xa: {  	[smem:$0x3FA5] =	sst s2  }
0xb: {  	[smem:$0x3FA6] =	sst s3  }
0xc: {  	[smem:$0x3FA7] =	sst s4  }
0xd: {  	[smem:$0x3FA8] =	sst s5  }
0xe: {  	[smem:$0x3FA9] =	sst s6  }
0xf: {  	[smem:$0x3FAA] =	sst s7  }
0x10: {  	[smem:$0x3FAB] =	sst s8  }
0x11: {  	[smem:$0x3FAC] =	sst s9;
	s0 =	simm.s32 @!p0 $0x0  }
0x12: {  	s1 =	sld [smem:$0x3F92];
	s0 =	simm.s32 @p0 $0x1  }
0x13: {  	[smem:$0x3FAD] =	sst s0;
	s0 =	simm.s32 @!p1 $0x0  }
0x14: {  	s2 =	sld [smem:$0x3F91];
	s0 =	simm.s32 @p1 $0x1  }
0x15: {  	[smem:$0x3FAE] =	sst s0;
	s0 =	simm.s32 @!p2 $0x0  }
0x16: {  	s3 =	sld [smem:$0x3FDB];
	s0 =	simm.s32 @p2 $0x1  }
0x17: {  	s4 =	simm.s32 $0x1BF5;
	[smem:$0x3FB0] =	sst s0  }
0x18: {  	s0 =	sld [smem:$0x3F93];
	_ =	swait.ge [sflag:s4], $0x0  }
0x19: {  	s7 =	sld [smem:$0x3F94]  }
0x1a: {  	s8 =	sadd.s32 $0xFFFFE003, lr  }
0x1b: {  	s9 =	sadd.s32 $0xFFFFFEF7, lr;
	s5 =	simm.s32 $0xFFFFFFFF;
	p2 =	slt.u32 s8, $0xFFFFF086  }
0x1c: {  	p1 =	slt.u32 s9, $0xF7A;
	s5 =	simm.s32 @!p2 $0x0  }
0x1d: {  	s5 =	simm.s32 @p1 $0x1;
	p0 =	seq.s32 s7, s2  }
0x1e: {  	s7 =	smul.u32 @!p0 $0xF7A, s2;
	p2 =	seq.s32 @!p0 s5, $0x0  }
0x1f: {  	s9 =	smul.u32 $0xF7A, s1;
	s8 =	simm.s32 @!p0 $0x1BF5;
	p2 =	por !p2, p0  }
0x20: {  	[sflag:s8] =	ssyncset.s32 @!p0 $0xFFFFF086;
	s6 =	sadd.s32 @!p0 s3, s7;
	s7 =	simm.s32 @!p0 $0x108  }
0x21: {  	s3 =	sadd.s32 s3, s9;
	s6 =	sadd.s32 @!p0 $0x88, s6;
	s7 =	simm.s32 @p2 $0x1082  }
0x22: {  	[simem:s7], [sflag:s8] =	dma.local @!p0 [hbm:s6], $0xF7A  }
0x23: {  	s9 =	sor.u32 $0xD0000000, s2;
	s6 =	simm.s32 $0x108;
	_ =	swait.ge @!p0 [sflag:s8], $0x0  }
0x24: {  	s3 =	sadd.s32 $0x88, s3;
	s6 =	simm.s32 @!p1 $0x1082;
	[sflag:s4] =	ssyncset.s32 $0xFFFFF086  }
0x25: {  	[simem:s6], [sflag:s4] =	dma.local [hbm:s3], $0xF7A  }
0x26: {  	[smem:$0x3F94] =	sst s1;
	(tag) =	ssettag s2;
	_ =	strace s9  }
0x27: {  	s1 =	sld [smem:$0x3FA4]  }
0x28: {  	s2 =	sld [smem:$0x3FA5]  }
0x29: {  	s4 =	sld [smem:$0x3FA7]  }
0x2a: {  	p0 =	seq.s32 s5, $0x0;
	s5 =	sld [smem:$0x3FA8]  }
0x2b: {  	s6 =	sld [smem:$0x3FA9]  }
0x2c: {  	s7 =	sld [smem:$0x3FAA]  }
0x2d: {  	s3 =	simm.s32 $0x108;
	s8 =	sld [smem:$0x3FAB]  }
0x2e: {  	s3 =	simm.s32 @!p0 $0x1082;
	s9 =	sld [smem:$0x3FAC]  }
0x2f: {  	lr =	sadd.s32 s0, s3;
	s0 =	sld [smem:$0x3FA3]  }
0x30: {  	s3 =	sld [smem:$0x3FA6]  }
0x31: {  	[smem:$0x3FAF] =	sst s10  }
0x32: {  	s10 =	sld [smem:$0x3FAD];
	_ =	sdelay $0x3  }
0x33: {  	p0 =	seq.s32 s10, $0x1;
	s10 =	sld [smem:$0x3FAF];
	_ =	sdelay $0x3  }
0x34: {  	[smem:$0x3FAF] =	sst s10  }
0x35: {  	s10 =	sld [smem:$0x3FAE];
	_ =	sdelay $0x3  }
0x36: {  	p1 =	seq.s32 s10, $0x1;
	s10 =	sld [smem:$0x3FAF];
	_ =	sdelay $0x3  }
0x37: {  	[smem:$0x3FAF] =	sst s10  }
0x38: {  	s10 =	sld [smem:$0x3FB0]  }
0x39: {  	_ = 	snop;
	(pc) =	sbr.ind lr, $3  }
0x3a: {  	_ = 	snop  }
0x3b: {  	_ = 	snop  }
0x3c: {  	p2 =	seq.s32 s10, $0x1;
	s10 =	sld [smem:$0x3FAF]  }
0x3d: {  	_ =	shalt  }
0x3e: {  	_ =	shalt  }
0x3f: {  	_ =	shalt  }
0x40: {  	_ =	shalt  }
0x41: {  	_ =	shalt  }
0x42: {  	_ =	shalt  }
0x43: {  	_ =	shalt  }
0x44: {  	_ =	shalt  }
0x45: {  	_ =	shalt  }
0x46: {  	_ =	shalt  }
0x47: {  	_ =	shalt  }
0x48: {  	_ =	shalt  }
0x49: {  	_ =	shalt  }
0x4a: {  	_ =	shalt  }
0x4b: {  	_ =	shalt  }
0x4c: {  	_ =	shalt  }
0x4d: {  	_ =	shalt  }
0x4e: {  	_ =	shalt  }
0x4f: {  	_ =	shalt  }
0x50: {  	_ =	shalt  }
0x51: {  	_ =	shalt  }
0x52: {  	_ =	shalt  }
0x53: {  	_ =	shalt  }
0x54: {  	_ =	shalt  }
0x55: {  	_ =	shalt  }
0x56: {  	_ =	shalt  }
0x57: {  	_ =	shalt  }
0x58: {  	_ =	shalt  }
0x59: {  	_ =	shalt  }
0x5a: {  	_ =	shalt  }
0x5b: {  	_ =	shalt  }
0x5c: {  	_ =	shalt  }
0x5d: {  	_ =	shalt  }
0x5e: {  	_ =	shalt  }
0x5f: {  	_ =	shalt  }
0x60: {  	_ =	shalt  }
0x61: {  	_ =	shalt  }
0x62: {  	_ =	shalt  }
0x63: {  	_ =	shalt  }
0x64: {  	_ =	shalt  }
0x65: {  	_ =	shalt  }
0x66: {  	_ =	shalt  }
0x67: {  	_ =	shalt  }
0x68: {  	_ =	shalt  }
0x69: {  	_ =	shalt  }
0x6a: {  	_ =	shalt  }
0x6b: {  	_ =	shalt  }
0x6c: {  	_ =	shalt  }
0x6d: {  	_ =	shalt  }
0x6e: {  	_ =	shalt  }
0x6f: {  	_ =	shalt  }
0x70: {  	_ =	shalt  }
0x71: {  	_ =	shalt  }
0x72: {  	_ =	shalt  }
0x73: {  	_ =	shalt  }
0x74: {  	_ =	shalt  }
0x75: {  	_ =	shalt  }
0x76: {  	_ =	shalt  }
0x77: {  	_ =	shalt  }
0x78: {  	_ =	shalt  }
0x79: {  	_ =	shalt  }
0x7a: {  	_ =	shalt  }
0x7b: {  	_ =	shalt  }
0x7c: {  	_ =	shalt  }
0x7d: {  	_ =	shalt  }
0x7e: {  	_ =	shalt  }
0x7f: {  	_ =	shalt  }
0x80: {  	_ =	shalt  }
0x81: {  	_ =	shalt  }
0x82: {  	_ =	shalt  }
0x83: {  	_ =	shalt  }
0x84: {  	_ =	shalt  }
0x85: {  	_ =	shalt  }
0x86: {  	_ =	shalt  }
0x87: {  	_ =	shalt  }
.Lfunc_end0:
.L_simem_size_0:
called_computation_lowered:
.L_overlay_start_0:
0x88: {  	s2 =	sld [smem:$0x3FD9]  }
0x89: {  	s3 =	sld [smem:$0x3FFE];
	_ =	sdelay $0x1  }
0x8a: {  	s1 =	srdreg.scid  }
0x8b: {  	s0 =	sand.u32 $0x1, s1  }
0x8c: {  	s15 =	sshll.u32 s0, $0xA;
	s2 =	sadd.s32 s3, s2  }
0x8d: {  	s2 =	sadd.s32 s2, s15  }
0x8e: {  	[smem:$0x3FBB] =	sst s2  }
0x8f: {  	_ = 	snop  }
0x90: {  	s2 =	sld [smem:$0x3FD0];
	_ =	sdelay $0x2  }
0x91: {  	s16 =	simm.s32 $0xD;
	s4 =	simm.s32 $0x10  }
0x92: {  	[smem:s4], [sflag:s16] =	dma.local [hbm:s2], $0x1  }
0x93: {  	_ =	swait.eq [sflag:s16], $0x1  }
0x94: {  	[sflag:s16] =	ssyncset.done $0x0  }
0x95: {  	[sflag:s16] =	ssyncadd.s32 $0xFFFFFFFF  }
0x96: {  	s17 =	sld [smem:$0x10];
	(tm) =	ssettm $0x1  }
0x97: {  	s18 =	sld [smem:$0x3FFB];
	_ =	sdelay $0x3  }
0x98: {  	_ =	strace s18  }
0x99: {  	s2 =	sld [smem:$0x3FFC];
	_ =	sdelay $0x3  }
0x9a: {  	_ =	strace s2  }
0x9b: {  	s2 =	sld [smem:$0x3FFD];
	_ =	sdelay $0x3  }
0x9c: {  	_ =	strace s2  }
0x9d: {  	_ =	strace $0x8FFFFFFF  }
0x9e: {  	s19 =	sld [smem:$0x3FDB];
	_ =	sdelay $0x1  }
0x9f: {  	s20 =	simm.s32 $_scs_section_size  }
0xa0: {  	s5 =	simm.s32 $_size__tile_overlayer_lowered;
	s6 =	simm.s32 $_tile_overlayer_lowered  }
0xa1: {  	s7 =	simm.s32 $0x1BFF;
	s21 =	sshll.u32 s6, $0x1;
	s4 =	sadd.s32 s20, s19  }
0xa2: {  	s22 =	simm.s32 $0x0;
	s5 =	sshll.u32 s5, $0x1;
	s6 =	sadd.s32 s21, s4  }
0xa3: {  	[timem:s22], [sflag:s7] =	dma.local [hbm:s6], s5  }
0xa4: {  	_ =	swait.ge [sflag:s7], s5  }
0xa5: {  	s5 =	ssub.s32 $0x0, s5;
	[sflag:s7] =	ssyncset.done $0x0  }
0xa6: {  	[sflag:s7] =	ssyncadd.s32 s5;
	_ =	sdelay $0x1  }
0xa7: {  	s23 =	simm.s32 $0x1B8B  }
0xa8: {  	_ =	swait.ge [sflag:s23], $0x1  }
0xa9: {  	[sflag:s23] =	ssyncset.done $0x0  }
0xaa: {  	[sflag:s23] =	ssyncadd.s32 $0xFFFFFFFF  }
0xab: {  	s5 =	sld [smem:$0x0]  }
0xac: {  	s6 =	sand.u32 $0xFFFFFFFE, s1  }
0xad: {  	p0 =	sne.s32 s1, s6  }
0xae: {  	s6 =	sshll.u32 @p0 s6, $0xE  }
0xaf: {  	s6 =	sadd.s32 @p0 $0x11B8D, s6;
	s7 =	sshll.u32 @p0 s5, $0x11  }
0xb0: {  	s6 =	sor.u32 @p0 s7, s6  }
0xb1: {  	[sflag:s6] =	ssyncadd.remote.s32 @p0 $0x1;
	_ =	sdelay $0x1  }
0xb2: {  	s6 =	simm.s32 @p0 $0x1B8D  }
0xb3: {  	_ =	swait.eq @p0 [sflag:s6], $0x1  }
0xb4: {  	[sflag:s6] =	ssyncadd.s32 @p0 $0xFFFFFFFF  }
0xb5: {  	s7 =	sshll.u32 @!p0 s1, $0xE  }
0xb6: {  	s7 =	sor.u32 @!p0 $0x4000, s7;
	s6 =	simm.s32 @!p0 $0x1B8D  }
0xb7: {  	s5 =	sshll.u32 @!p0 s5, $0x11;
	s7 =	sadd.s32 @!p0 $0x11B8D, s7;
	_ =	swait.eq @!p0 [sflag:s6], $0x1  }
0xb8: {  	s5 =	sor.u32 @!p0 s5, s7;
	[sflag:s6] =	ssyncadd.s32 @!p0 $0xFFFFFFFF  }
0xb9: {  	s25 =	simm.s32 $0x1B8E;
	s24 =	sld [smem:$0x3FFE];
	[sflag:s5] =	ssyncadd.remote.s32 @!p0 $0x1  }
0xba: {  	s26 =	simm.s32 $execute0_lowered;
	[smem:$0x3FD2] =	sst s25  }
0xbb: {  	s6 =	sshll.u32 s26, $0x1;
	_ =	strace $0x8000004C;
	[dreg:$0x1] =	wrdreg $0xFFFFFFFF  }
0xbc: {  	s28 =	simm.s32 $_size_execute0_lowered;
	s4 =	sadd.s32 s4, s6;
	[dreg:$0x0] =	wrdreg $0x0  }
0xbd: {  	s6 =	sshll.u32 s28, $0x1;
	[dreg:$0x2] =	wrdreg s4  }
0xbe: {  	[dreg:$0x3] =	wrdreg s6  }
0xbf: {  	[dreg:$0x4] =	wrdreg $0xC0  }
0xc0: {  	_ =	task [dreg:s22], $0x5FFFF  }
0xc1: {  	[dreg:$0x1] =	wrdreg $0xFFFFFFFF  }
0xc2: {  	[dreg:$0x0] =	wrdreg $0x60  }
0xc3: {  	[dreg:$0x2] =	wrdreg s17  }
0xc4: {  	[dreg:$0x3] =	wrdreg s24  }
0xc5: {  	[dreg:$0x4] =	wrdreg $0x9  }
0xc6: {  	_ =	task.clear_ibuf [dreg:s22], $0x5FFFF;
	_ =	strace $0x9000004C  }
0xc7: {  	s29 =	simm.s32 $0x9;
	_ =	strace $0x8000004E  }
0xc8: {  	_ =	swait.ge [sflag:s29], $0x1  }
0xc9: {  	[sflag:s29] =	ssyncadd.s32 $0xFFFFFFFF  }
0xca: {  	_ =	strace $0x9000004E  }
0xcb: {  	_ =	sfence  }
0xcc: {  	s30 =	sld [smem:$0x0];
	_ =	sdelay $0x2  }
0xcd: {  	s31 =	sshll.u32 s1, $0xD;
	s1 =	sshrl.u32 s1, $0x2  }
0xce: {  	s4 =	sand.u32 $0x4000, s31;
	s1 =	sadd.s32 s1, s30  }
0xcf: {  	s0 =	sor.u32 s4, s0;
	s1 =	sshll.u32 s1, $0x11  }
0xd0: {  	s0 =	sor.u32 s1, s0  }
0xd1: {  	s0 =	sadd.s32 $0x8F2B, s0  }
0xd2: {  	[sflag:s0] =	ssyncadd.remote.s32 $0x1  }
0xd3: {  	_ =	sfence.sel $0xFFFF  }
0xd4: {  	[dreg:$0x0] =	wrdreg $0xFFFFFFFF;
	(pc) =	sbr.abs _section_cstart, $3  }
0xd5: {  	[dreg:$0x1] =	wrdreg $0xFFFFFFFF  }
0xd6: {  	_ =	task.clear_ibuf [dreg:s22], $0x2FFFF;
	_ =	strace $0x9FFFFFFF  }
0xd7: {  	(tm) =	ssettm $0x7FFFFFFF  }
tec
execute0_lowered:
.L_overlay_start_1:
0x0: {  	(tag) =	ssettag $0x1  }
0x1: {  	s1 =	rddreg [dreg:$0x0]  }
0x2: {  	s4 =	rddreg [dreg:$0x1]  }
0x3: {  	s0 =	rddreg [dreg:$0x2];
	s5 =	srdreg.scid  }
0x4: {  	s3 =	simm.s32 $0x0;
	s2 =	stileid.u32;
	s10 =	simm.s32 $0x0  }
0x5: {  	s5 =	sand.u32 $0x1, s5;
	[smem:$0x7FF] =	sst s3;
	s6 =	sshll.u32 s2, $0xB  }
0x6: {  	s8 =	sshll.u32 s2, $0xF;
	s7 =	sshll.u32 s5, $0xA;
	_ =	strace $0x8000004D  }
0x7: {  	s31 =	ssub.s32 $0x2, s5;
	s8 =	sadd.s32 s8, s4;
	s5 =	sshll.u32 s5, $0xE  }
0x8: {  	s6 =	sor.u32 s7, s6;
	s9 =	sshrl.u32 s31, $0x1;
	s5 =	sadd.s32 s5, s8  }
0x9: {  	s8 =	simm.s32 $0x80;
	s6 =	sshrl.u32 s6, $0x3;
	s7 =	ssub.s32 s31, s9  }
0xa: {  	s5 =	sadd.s32 $0x435A00, s5;
	s9 =	simm.s32 $0x1;
	s6 =	sadd.s32 s6, s4  }
0xb: {  	s4 =	smax.u32 s7, $0x1;
	s7 =	simm.s32 $0x2;
	s6 =	sadd.s32 $0x434A00, s6  }
.LBB2_1:
0xc: {  	s11 =	sadd.s32 $0x0, s6  }
0xd: {  	[tilespmem:s3], [sflag:$0x2] =	stream.linear.gather [hbm4b:s11+s3], $0x80, $0x38;
	[tilespmem:$0x4080] =	vst v63  }
0xe: {  	_ =	swait.ge [sflag:s7], $0x80  }
0xf: {  	[sflag:s7] =	ssyncset.done $0x0  }
0x10: {  	[sflag:s7] =	ssyncadd.s32 $0xFFFFFF80  }
0x11: {  	[tilespmem:s8], [sflag:$0x1] =	stream.indirect.gather [hbm4b:s1+s8], $0x80, s3, s8, $0xb8;
	[tilespmem:$0x4080] =	vst v63  }
0x12: {  	_ =	swait.ge [sflag:s9], $0x4000  }
0x13: {  	[sflag:s9] =	ssyncset.done $0x0  }
0x14: {  	[sflag:s9] =	ssyncadd.s32 $0xFFFFC000  }
0x15: {  	[hbm4b:s5+s3] =	stream.linear.scatter [tilespmem:s8], [sflag:$0x2], $0x4000, $0x38;
	[tilespmem:$0x4080] =	vst v63  }
0x16: {  	s12 =	simm.s32 $0x10;
	_ =	swait.ge [sflag:s7], $0x4000  }
0x17: {  	s13 =	simm.s32 $0x20;
	s11 =	sadd.s32 $0x800, s5;
	[sflag:s7] =	ssyncset.done $0x0  }
.LBB2_2:
0x18: {  	s14 =	sadd.s32 s12, s6  }
0x19: {  	[sflag:s7] =	ssyncadd.s32 $0xFFFFC000;
	s12 =	smov.u32 s13;
	s15 =	sadd.s32 $0x10, s13  }
0x1a: {  	[tilespmem:s3], [sflag:$0x2] =	stream.linear.gather [hbm4b:s14+s3], $0x80, $0x38;
	[tilespmem:$0x4080] =	vst v63  }
0x1b: {  	p0 =	sne.s32 s13, $0x70;
	_ =	swait.ge [sflag:s7], $0x80  }
0x1c: {  	[sflag:s7] =	ssyncset.done $0x0  }
0x1d: {  	[sflag:s7] =	ssyncadd.s32 $0xFFFFFF80  }
0x1e: {  	[tilespmem:s8], [sflag:$0x1] =	stream.indirect.gather [hbm4b:s1+s8], $0x80, s3, s8, $0xb8;
	[tilespmem:$0x4080] =	vst v63  }
0x1f: {  	_ =	swait.ge [sflag:s9], $0x4000  }
.Ltmp0:
0x20: {  	[sflag:s9] =	ssyncset.done $0x0;
	(pc) =	sbr.rel @p0 .LBB2_2-.Ltmp0, $4  }
0x21: {  	[sflag:s9] =	ssyncadd.s32 $0xFFFFC000  }
0x22: {  	[hbm4b:s11+s3] =	stream.linear.scatter [tilespmem:s8], [sflag:$0x2], $0x4000, $0x38;
	[tilespmem:$0x4080] =	vst v63  }
0x23: {  	_ =	swait.ge [sflag:s7], $0x4000  }
0x24: {  	s13 =	smov.u32 s15;
	s11 =	sadd.s32 $0x800, s11;
	[sflag:s7] =	ssyncset.done $0x0  }
0x25: {  	s12 =	sadd.s32 s12, s6;
	[sflag:s7] =	ssyncadd.s32 $0xFFFFC000  }
0x26: {  	[tilespmem:s3], [sflag:$0x2] =	stream.linear.gather [hbm4b:s12+s3], $0x80, $0x38;
	[tilespmem:$0x4080] =	vst v63  }
0x27: {  	_ =	swait.ge [sflag:s7], $0x80  }
0x28: {  	[sflag:s7] =	ssyncset.done $0x0  }
0x29: {  	[sflag:s7] =	ssyncadd.s32 $0xFFFFFF80  }
0x2a: {  	[tilespmem:s8], [sflag:$0x1] =	stream.indirect.gather [hbm4b:s1+s8], $0x80, s3, s8, $0xb8;
	[tilespmem:$0x4080] =	vst v63  }
0x2b: {  	s10 =	sadd.s32 $0x1, s10;
	_ =	swait.ge [sflag:s9], $0x4000  }
0x2c: {  	p0 =	sne.s32 s10, s4;
	[sflag:s9] =	ssyncset.done $0x0  }
.Ltmp1:
0x2d: {  	[sflag:s9] =	ssyncadd.s32 $0xFFFFC000;
	(pc) =	sbr.rel @p0 .LBB2_1-.Ltmp1, $4  }
0x2e: {  	[hbm4b:s11+s3] =	stream.linear.scatter [tilespmem:s8], [sflag:$0x2], $0x4000, $0x38;
	[tilespmem:$0x4080] =	vst v63  }
0x2f: {  	_ =	swait.ge [sflag:s7], $0x4000  }
0x30: {  	[sflag:s7] =	ssyncset.done $0x0  }
0x31: {  	[sflag:s7] =	ssyncadd.s32 $0xFFFFC000  }
0x32: {  	_ =	sfence.sel $0x180000  }
0x33: {  	[bflag:$0x0] =	sbarrier.arrive $0xFFFF  }
0x34: {  	p0 =	sne.s32 s2, $0x0;
	_ =	strace $0x9000004D  }
0x35: {  	s0 =	sadd.s32 @!p0 $0x100000, s0;
	[bflag:$0x2] =	sbarrier.arrive $0xFFFF  }
0x36: {  	[sflag:s0] =	ssyncadd.tile.s32 @!p0 $0x1;
	_ =	shalt  }
.Lfunc_end2:
_tile_overlayer_lowered:
.L_overlay_start_2:
0x37: {  	(tag) =	ssettag $0x2  }
0x38: {  	s0 =	rddreg [dreg:$0x0];
	s2 =	stileid.u32  }
0x39: {  	s1 =	rddreg [dreg:$0x1];
	p0 =	sne.s32 s2, $0x0  }
0x3a: {  	s3 =	rddreg [dreg:$0x2];
	[bflag:$0x3] =	sbarrier.arrive $0xFFFF;
	s2 =	simm.s32 @!p0 $0x1C02  }
0x3b: {  	[timem:s3], [sflag:s2] =	dma.local @!p0 [hbm:s0], s1  }
0x3c: {  	s0 =	simm.s32 @!p0 $0x2  }
0x3d: {  	_ =	swait.ge @!p0 [sflag:s0], s1  }
0x3e: {  	s1 =	ssub.s32 @!p0 $0x0, s1;
	[sflag:s0] =	ssyncset.done @!p0 $0x0  }
0x3f: {  	[sflag:s0] =	ssyncadd.s32 @!p0 s1  }
0x40: {  	[bflag:$0x3] =	sbarrier.arrive $0xFFFF  }
0x41: {  	_ =	shalt  }

// kernel: kernel.17.cloned.1.call-start
scs
__scs_entry_jumppad:
0x0: {  	(pc) =	sbr.rel $0x88, $3  }
0x1: {  	(tag) =	ssettag $0x0;
	lr =	simm.s32 $0x1  }
0x2: {  	[smem:$0x3F94] =	sst lr;
	_ =	strace $0xD0000000  }
0x3: {  	_ = 	snop  }
0x4: {  	_ = 	snop  }
0x5: {  	_ = 	snop  }
0x6: {  	_ = 	snop  }
0x7: {  	_ = 	snop  }
__scs_overlays_trampoline_lowered:
0x8: {  	[smem:$0x3FA3] =	sst s0  }
0x9: {  	[smem:$0x3FA4] =	sst s1  }
0xa: {  	[smem:$0x3FA5] =	sst s2  }
0xb: {  	[smem:$0x3FA6] =	sst s3  }
0xc: {  	[smem:$0x3FA7] =	sst s4  }
0xd: {  	[smem:$0x3FA8] =	sst s5  }
0xe: {  	[smem:$0x3FA9] =	sst s6  }
0xf: {  	[smem:$0x3FAA] =	sst s7  }
0x10: {  	[smem:$0x3FAB] =	sst s8  }
0x11: {  	[smem:$0x3FAC] =	sst s9;
	s0 =	simm.s32 @!p0 $0x0  }
0x12: {  	s1 =	sld [smem:$0x3F92];
	s0 =	simm.s32 @p0 $0x1  }
0x13: {  	[smem:$0x3FAD] =	sst s0;
	s0 =	simm.s32 @!p1 $0x0  }
0x14: {  	s2 =	sld [smem:$0x3F91];
	s0 =	simm.s32 @p1 $0x1  }
0x15: {  	[smem:$0x3FAE] =	sst s0;
	s0 =	simm.s32 @!p2 $0x0  }
0x16: {  	s3 =	sld [smem:$0x3FDB];
	s0 =	simm.s32 @p2 $0x1  }
0x17: {  	s4 =	simm.s32 $0x1BF5;
	[smem:$0x3FB0] =	sst s0  }
0x18: {  	s0 =	sld [smem:$0x3F93];
	_ =	swait.ge [sflag:s4], $0x0  }
0x19: {  	s7 =	sld [smem:$0x3F94]  }
0x1a: {  	s8 =	sadd.s32 $0xFFFFE003, lr  }
0x1b: {  	s9 =	sadd.s32 $0xFFFFFEF7, lr;
	s5 =	simm.s32 $0xFFFFFFFF;
	p2 =	slt.u32 s8, $0xFFFFF086  }
0x1c: {  	p1 =	slt.u32 s9, $0xF7A;
	s5 =	simm.s32 @!p2 $0x0  }
0x1d: {  	s5 =	simm.s32 @p1 $0x1;
	p0 =	seq.s32 s7, s2  }
0x1e: {  	s7 =	smul.u32 @!p0 $0xF7A, s2;
	p2 =	seq.s32 @!p0 s5, $0x0  }
0x1f: {  	s9 =	smul.u32 $0xF7A, s1;
	s8 =	simm.s32 @!p0 $0x1BF5;
	p2 =	por !p2, p0  }
0x20: {  	[sflag:s8] =	ssyncset.s32 @!p0 $0xFFFFF086;
	s6 =	sadd.s32 @!p0 s3, s7;
	s7 =	simm.s32 @!p0 $0x108  }
0x21: {  	s3 =	sadd.s32 s3, s9;
	s6 =	sadd.s32 @!p0 $0x88, s6;
	s7 =	simm.s32 @p2 $0x1082  }
0x22: {  	[simem:s7], [sflag:s8] =	dma.local @!p0 [hbm:s6], $0xF7A  }
0x23: {  	s9 =	sor.u32 $0xD0000000, s2;
	s6 =	simm.s32 $0x108;
	_ =	swait.ge @!p0 [sflag:s8], $0x0  }
0x24: {  	s3 =	sadd.s32 $0x88, s3;
	s6 =	simm.s32 @!p1 $0x1082;
	[sflag:s4] =	ssyncset.s32 $0xFFFFF086  }
0x25: {  	[simem:s6], [sflag:s4] =	dma.local [hbm:s3], $0xF7A  }
0x26: {  	[smem:$0x3F94] =	sst s1;
	(tag) =	ssettag s2;
	_ =	strace s9  }
0x27: {  	s1 =	sld [smem:$0x3FA4]  }
0x28: {  	s2 =	sld [smem:$0x3FA5]  }
0x29: {  	s4 =	sld [smem:$0x3FA7]  }
0x2a: {  	p0 =	seq.s32 s5, $0x0;
	s5 =	sld [smem:$0x3FA8]  }
0x2b: {  	s6 =	sld [smem:$0x3FA9]  }
0x2c: {  	s7 =	sld [smem:$0x3FAA]  }
0x2d: {  	s3 =	simm.s32 $0x108;
	s8 =	sld [smem:$0x3FAB]  }
0x2e: {  	s3 =	simm.s32 @!p0 $0x1082;
	s9 =	sld [smem:$0x3FAC]  }
0x2f: {  	lr =	sadd.s32 s0, s3;
	s0 =	sld [smem:$0x3FA3]  }
0x30: {  	s3 =	sld [smem:$0x3FA6]  }
0x31: {  	[smem:$0x3FAF] =	sst s10  }
0x32: {  	s10 =	sld [smem:$0x3FAD];
	_ =	sdelay $0x3  }
0x33: {  	p0 =	seq.s32 s10, $0x1;
	s10 =	sld [smem:$0x3FAF];
	_ =	sdelay $0x3  }
0x34: {  	[smem:$0x3FAF] =	sst s10  }
0x35: {  	s10 =	sld [smem:$0x3FAE];
	_ =	sdelay $0x3  }
0x36: {  	p1 =	seq.s32 s10, $0x1;
	s10 =	sld [smem:$0x3FAF];
	_ =	sdelay $0x3  }
0x37: {  	[smem:$0x3FAF] =	sst s10  }
0x38: {  	s10 =	sld [smem:$0x3FB0]  }
0x39: {  	_ = 	snop;
	(pc) =	sbr.ind lr, $3  }
0x3a: {  	_ = 	snop  }
0x3b: {  	_ = 	snop  }
0x3c: {  	p2 =	seq.s32 s10, $0x1;
	s10 =	sld [smem:$0x3FAF]  }
0x3d: {  	_ =	shalt  }
0x3e: {  	_ =	shalt  }
0x3f: {  	_ =	shalt  }
0x40: {  	_ =	shalt  }
0x41: {  	_ =	shalt  }
0x42: {  	_ =	shalt  }
0x43: {  	_ =	shalt  }
0x44: {  	_ =	shalt  }
0x45: {  	_ =	shalt  }
0x46: {  	_ =	shalt  }
0x47: {  	_ =	shalt  }
0x48: {  	_ =	shalt  }
0x49: {  	_ =	shalt  }
0x4a: {  	_ =	shalt  }
0x4b: {  	_ =	shalt  }
0x4c: {  	_ =	shalt  }
0x4d: {  	_ =	shalt  }
0x4e: {  	_ =	shalt  }
0x4f: {  	_ =	shalt  }
0x50: {  	_ =	shalt  }
0x51: {  	_ =	shalt  }
0x52: {  	_ =	shalt  }
0x53: {  	_ =	shalt  }
0x54: {  	_ =	shalt  }
0x55: {  	_ =	shalt  }
0x56: {  	_ =	shalt  }
0x57: {  	_ =	shalt  }
0x58: {  	_ =	shalt  }
0x59: {  	_ =	shalt  }
0x5a: {  	_ =	shalt  }
0x5b: {  	_ =	shalt  }
0x5c: {  	_ =	shalt  }
0x5d: {  	_ =	shalt  }
0x5e: {  	_ =	shalt  }
0x5f: {  	_ =	shalt  }
0x60: {  	_ =	shalt  }
0x61: {  	_ =	shalt  }
0x62: {  	_ =	shalt  }
0x63: {  	_ =	shalt  }
0x64: {  	_ =	shalt  }
0x65: {  	_ =	shalt  }
0x66: {  	_ =	shalt  }
0x67: {  	_ =	shalt  }
0x68: {  	_ =	shalt  }
0x69: {  	_ =	shalt  }
0x6a: {  	_ =	shalt  }
0x6b: {  	_ =	shalt  }
0x6c: {  	_ =	shalt  }
0x6d: {  	_ =	shalt  }
0x6e: {  	_ =	shalt  }
0x6f: {  	_ =	shalt  }
0x70: {  	_ =	shalt  }
0x71: {  	_ =	shalt  }
0x72: {  	_ =	shalt  }
0x73: {  	_ =	shalt  }
0x74: {  	_ =	shalt  }
0x75: {  	_ =	shalt  }
0x76: {  	_ =	shalt  }
0x77: {  	_ =	shalt  }
0x78: {  	_ =	shalt  }
0x79: {  	_ =	shalt  }
0x7a: {  	_ =	shalt  }
0x7b: {  	_ =	shalt  }
0x7c: {  	_ =	shalt  }
0x7d: {  	_ =	shalt  }
0x7e: {  	_ =	shalt  }
0x7f: {  	_ =	shalt  }
0x80: {  	_ =	shalt  }
0x81: {  	_ =	shalt  }
0x82: {  	_ =	shalt  }
0x83: {  	_ =	shalt  }
0x84: {  	_ =	shalt  }
0x85: {  	_ =	shalt  }
0x86: {  	_ =	shalt  }
0x87: {  	_ =	shalt  }
.Lfunc_end0:
.L_simem_size_0:
called_computation.1_lowered:
.L_overlay_start_0:
0x88: {  	s2 =	sld [smem:$0x3FD9]  }
0x89: {  	s3 =	sld [smem:$0x3FFE];
	_ =	sdelay $0x1  }
0x8a: {  	s1 =	srdreg.scid  }
0x8b: {  	s0 =	sand.u32 $0x1, s1  }
0x8c: {  	s15 =	sshll.u32 s0, $0xA;
	s2 =	sadd.s32 s3, s2  }
0x8d: {  	s2 =	sadd.s32 s2, s15  }
0x8e: {  	[smem:$0x3FBB] =	sst s2  }
0x8f: {  	_ = 	snop  }
0x90: {  	s2 =	sld [smem:$0x3FD0];
	_ =	sdelay $0x2  }
0x91: {  	s16 =	simm.s32 $0xD;
	s4 =	simm.s32 $0x10  }
0x92: {  	[smem:s4], [sflag:s16] =	dma.local [hbm:s2], $0x1  }
0x93: {  	_ =	swait.eq [sflag:s16], $0x1  }
0x94: {  	[sflag:s16] =	ssyncset.done $0x0  }
0x95: {  	[sflag:s16] =	ssyncadd.s32 $0xFFFFFFFF  }
0x96: {  	s17 =	sld [smem:$0x11];
	(tm) =	ssettm $0x1  }
0x97: {  	s18 =	sld [smem:$0x3FFB];
	_ =	sdelay $0x3  }
0x98: {  	_ =	strace s18  }
0x99: {  	s2 =	sld [smem:$0x3FFC];
	_ =	sdelay $0x3  }
0x9a: {  	_ =	strace s2  }
0x9b: {  	s2 =	sld [smem:$0x3FFD];
	_ =	sdelay $0x3  }
0x9c: {  	_ =	strace s2  }
0x9d: {  	_ =	strace $0x8FFFFFFF  }
0x9e: {  	s19 =	sld [smem:$0x3FDB];
	_ =	sdelay $0x1  }
0x9f: {  	s20 =	simm.s32 $_scs_section_size  }
0xa0: {  	s5 =	simm.s32 $_size__tile_overlayer_lowered;
	s6 =	simm.s32 $_tile_overlayer_lowered  }
0xa1: {  	s7 =	simm.s32 $0x1BFF;
	s21 =	sshll.u32 s6, $0x1;
	s4 =	sadd.s32 s20, s19  }
0xa2: {  	s22 =	simm.s32 $0x0;
	s5 =	sshll.u32 s5, $0x1;
	s6 =	sadd.s32 s21, s4  }
0xa3: {  	[timem:s22], [sflag:s7] =	dma.local [hbm:s6], s5  }
0xa4: {  	_ =	swait.ge [sflag:s7], s5  }
0xa5: {  	s5 =	ssub.s32 $0x0, s5;
	[sflag:s7] =	ssyncset.done $0x0  }
0xa6: {  	[sflag:s7] =	ssyncadd.s32 s5;
	_ =	sdelay $0x1  }
0xa7: {  	s23 =	simm.s32 $0x1B8B  }
0xa8: {  	_ =	swait.ge [sflag:s23], $0x1  }
0xa9: {  	[sflag:s23] =	ssyncset.done $0x0  }
0xaa: {  	[sflag:s23] =	ssyncadd.s32 $0xFFFFFFFF  }
0xab: {  	s5 =	sld [smem:$0x0]  }
0xac: {  	s6 =	sand.u32 $0xFFFFFFFE, s1  }
0xad: {  	p0 =	sne.s32 s1, s6  }
0xae: {  	s6 =	sshll.u32 @p0 s6, $0xE  }
0xaf: {  	s6 =	sadd.s32 @p0 $0x11B8D, s6;
	s7 =	sshll.u32 @p0 s5, $0x11  }
0xb0: {  	s6 =	sor.u32 @p0 s7, s6  }
0xb1: {  	[sflag:s6] =	ssyncadd.remote.s32 @p0 $0x1;
	_ =	sdelay $0x1  }
0xb2: {  	s6 =	simm.s32 @p0 $0x1B8D  }
0xb3: {  	_ =	swait.eq @p0 [sflag:s6], $0x1  }
0xb4: {  	[sflag:s6] =	ssyncadd.s32 @p0 $0xFFFFFFFF  }
0xb5: {  	s7 =	sshll.u32 @!p0 s1, $0xE  }
0xb6: {  	s7 =	sor.u32 @!p0 $0x4000, s7;
	s6 =	simm.s32 @!p0 $0x1B8D  }
0xb7: {  	s5 =	sshll.u32 @!p0 s5, $0x11;
	s7 =	sadd.s32 @!p0 $0x11B8D, s7;
	_ =	swait.eq @!p0 [sflag:s6], $0x1  }
0xb8: {  	s5 =	sor.u32 @!p0 s5, s7;
	[sflag:s6] =	ssyncadd.s32 @!p0 $0xFFFFFFFF  }
0xb9: {  	s25 =	simm.s32 $0x1B8E;
	s24 =	sld [smem:$0x3FFE];
	[sflag:s5] =	ssyncadd.remote.s32 @!p0 $0x1  }
0xba: {  	s26 =	simm.s32 $execute0_lowered;
	[smem:$0x3FD2] =	sst s25  }
0xbb: {  	s6 =	sshll.u32 s26, $0x1;
	_ =	strace $0x80000049;
	[dreg:$0x1] =	wrdreg $0xFFFFFFFF  }
0xbc: {  	s28 =	simm.s32 $_size_execute0_lowered;
	s4 =	sadd.s32 s4, s6;
	[dreg:$0x0] =	wrdreg $0x0  }
0xbd: {  	s6 =	sshll.u32 s28, $0x1;
	[dreg:$0x2] =	wrdreg s4  }
0xbe: {  	[dreg:$0x3] =	wrdreg s6  }
0xbf: {  	[dreg:$0x4] =	wrdreg $0xC0  }
0xc0: {  	_ =	task [dreg:s22], $0x5FFFF  }
0xc1: {  	[dreg:$0x1] =	wrdreg $0xFFFFFFFF  }
0xc2: {  	[dreg:$0x0] =	wrdreg $0x60  }
0xc3: {  	[dreg:$0x2] =	wrdreg s17  }
0xc4: {  	[dreg:$0x3] =	wrdreg s24  }
0xc5: {  	[dreg:$0x4] =	wrdreg $0xA  }
0xc6: {  	_ =	task.clear_ibuf [dreg:s22], $0x5FFFF;
	_ =	strace $0x90000049  }
0xc7: {  	s29 =	simm.s32 $0xA;
	_ =	strace $0x8000004B  }
0xc8: {  	_ =	swait.ge [sflag:s29], $0x1  }
0xc9: {  	[sflag:s29] =	ssyncadd.s32 $0xFFFFFFFF  }
0xca: {  	_ =	strace $0x9000004B  }
0xcb: {  	_ =	sfence  }
0xcc: {  	s30 =	sld [smem:$0x0];
	_ =	sdelay $0x2  }
0xcd: {  	s31 =	sshll.u32 s1, $0xD;
	s1 =	sshrl.u32 s1, $0x2  }
0xce: {  	s4 =	sand.u32 $0x4000, s31;
	s1 =	sadd.s32 s1, s30  }
0xcf: {  	s0 =	sor.u32 s4, s0;
	s1 =	sshll.u32 s1, $0x11  }
0xd0: {  	s0 =	sor.u32 s1, s0  }
0xd1: {  	s0 =	sadd.s32 $0x8F2B, s0  }
0xd2: {  	[sflag:s0] =	ssyncadd.remote.s32 $0x1  }
0xd3: {  	_ =	sfence.sel $0xFFFF  }
0xd4: {  	[dreg:$0x0] =	wrdreg $0xFFFFFFFF;
	(pc) =	sbr.abs _section_cstart, $3  }
0xd5: {  	[dreg:$0x1] =	wrdreg $0xFFFFFFFF  }
0xd6: {  	_ =	task.clear_ibuf [dreg:s22], $0x2FFFF;
	_ =	strace $0x9FFFFFFF  }
0xd7: {  	(tm) =	ssettm $0x7FFFFFFF  }
tec
execute0_lowered:
.L_overlay_start_1:
0x0: {  	(tag) =	ssettag $0x1  }
0x1: {  	s1 =	rddreg [dreg:$0x0]  }
0x2: {  	s4 =	rddreg [dreg:$0x1]  }
0x3: {  	s0 =	rddreg [dreg:$0x2];
	s5 =	srdreg.scid  }
0x4: {  	s3 =	simm.s32 $0x0;
	s2 =	stileid.u32;
	s10 =	simm.s32 $0x0  }
0x5: {  	s5 =	sand.u32 $0x1, s5;
	[smem:$0x7FF] =	sst s3;
	s6 =	sshll.u32 s2, $0xB  }
0x6: {  	s8 =	sshll.u32 s2, $0xF;
	s7 =	sshll.u32 s5, $0xA;
	_ =	strace $0x8000004A  }
0x7: {  	s31 =	ssub.s32 $0x2, s5;
	s8 =	sadd.s32 s8, s4;
	s5 =	sshll.u32 s5, $0xE  }
0x8: {  	s6 =	sor.u32 s7, s6;
	s9 =	sshrl.u32 s31, $0x1;
	s5 =	sadd.s32 s5, s8  }
0x9: {  	s8 =	simm.s32 $0x80;
	s6 =	sshrl.u32 s6, $0x3;
	s7 =	ssub.s32 s31, s9  }
0xa: {  	s5 =	sadd.s32 $0x2A4800, s5;
	s9 =	simm.s32 $0x1;
	s6 =	sadd.s32 s6, s4  }
0xb: {  	s4 =	smax.u32 s7, $0x1;
	s7 =	simm.s32 $0x2;
	s6 =	sadd.s32 $0x2A3800, s6  }
.LBB2_1:
0xc: {  	s11 =	sadd.s32 $0x0, s6  }
0xd: {  	[tilespmem:s3], [sflag:$0x2] =	stream.linear.gather [hbm4b:s11+s3], $0x80, $0x38;
	[tilespmem:$0x4080] =	vst v63  }
0xe: {  	_ =	swait.ge [sflag:s7], $0x80  }
0xf: {  	[sflag:s7] =	ssyncset.done $0x0  }
0x10: {  	[sflag:s7] =	ssyncadd.s32 $0xFFFFFF80  }
0x11: {  	[tilespmem:s8], [sflag:$0x1] =	stream.indirect.gather [hbm4b:s1+s8], $0x80, s3, s8, $0xb8;
	[tilespmem:$0x4080] =	vst v63  }
0x12: {  	_ =	swait.ge [sflag:s9], $0x4000  }
0x13: {  	[sflag:s9] =	ssyncset.done $0x0  }
0x14: {  	[sflag:s9] =	ssyncadd.s32 $0xFFFFC000  }
0x15: {  	[hbm4b:s5+s3] =	stream.linear.scatter [tilespmem:s8], [sflag:$0x2], $0x4000, $0x38;
	[tilespmem:$0x4080] =	vst v63  }
0x16: {  	s12 =	simm.s32 $0x10;
	_ =	swait.ge [sflag:s7], $0x4000  }
0x17: {  	s13 =	simm.s32 $0x20;
	s11 =	sadd.s32 $0x800, s5;
	[sflag:s7] =	ssyncset.done $0x0  }
.LBB2_2:
0x18: {  	s14 =	sadd.s32 s12, s6  }
0x19: {  	[sflag:s7] =	ssyncadd.s32 $0xFFFFC000;
	s12 =	smov.u32 s13;
	s15 =	sadd.s32 $0x10, s13  }
0x1a: {  	[tilespmem:s3], [sflag:$0x2] =	stream.linear.gather [hbm4b:s14+s3], $0x80, $0x38;
	[tilespmem:$0x4080] =	vst v63  }
0x1b: {  	p0 =	sne.s32 s13, $0x70;
	_ =	swait.ge [sflag:s7], $0x80  }
0x1c: {  	[sflag:s7] =	ssyncset.done $0x0  }
0x1d: {  	[sflag:s7] =	ssyncadd.s32 $0xFFFFFF80  }
0x1e: {  	[tilespmem:s8], [sflag:$0x1] =	stream.indirect.gather [hbm4b:s1+s8], $0x80, s3, s8, $0xb8;
	[tilespmem:$0x4080] =	vst v63  }
0x1f: {  	_ =	swait.ge [sflag:s9], $0x4000  }
.Ltmp0:
0x20: {  	[sflag:s9] =	ssyncset.done $0x0;
	(pc) =	sbr.rel @p0 .LBB2_2-.Ltmp0, $4  }
0x21: {  	[sflag:s9] =	ssyncadd.s32 $0xFFFFC000  }
0x22: {  	[hbm4b:s11+s3] =	stream.linear.scatter [tilespmem:s8], [sflag:$0x2], $0x4000, $0x38;
	[tilespmem:$0x4080] =	vst v63  }
0x23: {  	_ =	swait.ge [sflag:s7], $0x4000  }
0x24: {  	s13 =	smov.u32 s15;
	s11 =	sadd.s32 $0x800, s11;
	[sflag:s7] =	ssyncset.done $0x0  }
0x25: {  	s12 =	sadd.s32 s12, s6;
	[sflag:s7] =	ssyncadd.s32 $0xFFFFC000  }
0x26: {  	[tilespmem:s3], [sflag:$0x2] =	stream.linear.gather [hbm4b:s12+s3], $0x80, $0x38;
	[tilespmem:$0x4080] =	vst v63  }
0x27: {  	_ =	swait.ge [sflag:s7], $0x80  }
0x28: {  	[sflag:s7] =	ssyncset.done $0x0  }
0x29: {  	[sflag:s7] =	ssyncadd.s32 $0xFFFFFF80  }
0x2a: {  	[tilespmem:s8], [sflag:$0x1] =	stream.indirect.gather [hbm4b:s1+s8], $0x80, s3, s8, $0xb8;
	[tilespmem:$0x4080] =	vst v63  }
0x2b: {  	s10 =	sadd.s32 $0x1, s10;
	_ =	swait.ge [sflag:s9], $0x4000  }
0x2c: {  	p0 =	sne.s32 s10, s4;
	[sflag:s9] =	ssyncset.done $0x0  }
.Ltmp1:
0x2d: {  	[sflag:s9] =	ssyncadd.s32 $0xFFFFC000;
	(pc) =	sbr.rel @p0 .LBB2_1-.Ltmp1, $4  }
0x2e: {  	[hbm4b:s11+s3] =	stream.linear.scatter [tilespmem:s8], [sflag:$0x2], $0x4000, $0x38;
	[tilespmem:$0x4080] =	vst v63  }
0x2f: {  	_ =	swait.ge [sflag:s7], $0x4000  }
0x30: {  	[sflag:s7] =	ssyncset.done $0x0  }
0x31: {  	[sflag:s7] =	ssyncadd.s32 $0xFFFFC000  }
0x32: {  	_ =	sfence.sel $0x180000  }
0x33: {  	[bflag:$0x0] =	sbarrier.arrive $0xFFFF  }
0x34: {  	p0 =	sne.s32 s2, $0x0;
	_ =	strace $0x9000004A  }
0x35: {  	s0 =	sadd.s32 @!p0 $0x100000, s0;
	[bflag:$0x2] =	sbarrier.arrive $0xFFFF  }
0x36: {  	[sflag:s0] =	ssyncadd.tile.s32 @!p0 $0x1;
	_ =	shalt  }
.Lfunc_end2:
_tile_overlayer_lowered:
.L_overlay_start_2:
0x37: {  	(tag) =	ssettag $0x2  }
0x38: {  	s0 =	rddreg [dreg:$0x0];
	s2 =	stileid.u32  }
0x39: {  	s1 =	rddreg [dreg:$0x1];
	p0 =	sne.s32 s2, $0x0  }
0x3a: {  	s3 =	rddreg [dreg:$0x2];
	[bflag:$0x3] =	sbarrier.arrive $0xFFFF;
	s2 =	simm.s32 @!p0 $0x1C02  }
0x3b: {  	[timem:s3], [sflag:s2] =	dma.local @!p0 [hbm:s0], s1  }
0x3c: {  	s0 =	simm.s32 @!p0 $0x2  }
0x3d: {  	_ =	swait.ge @!p0 [sflag:s0], s1  }
0x3e: {  	s1 =	ssub.s32 @!p0 $0x0, s1;
	[sflag:s0] =	ssyncset.done @!p0 $0x0  }
0x3f: {  	[sflag:s0] =	ssyncadd.s32 @!p0 s1  }
0x40: {  	[bflag:$0x3] =	sbarrier.arrive $0xFFFF  }
0x41: {  	_ =	shalt  }

// kernel: kernel.20.cloned.1.call-start
scs
__scs_entry_jumppad:
0x0: {  	(pc) =	sbr.rel $0x88, $3  }
0x1: {  	(tag) =	ssettag $0x0;
	lr =	simm.s32 $0x1  }
0x2: {  	[smem:$0x3F94] =	sst lr;
	_ =	strace $0xD0000000  }
0x3: {  	_ = 	snop  }
0x4: {  	_ = 	snop  }
0x5: {  	_ = 	snop  }
0x6: {  	_ = 	snop  }
0x7: {  	_ = 	snop  }
__scs_overlays_trampoline_lowered:
0x8: {  	[smem:$0x3FA3] =	sst s0  }
0x9: {  	[smem:$0x3FA4] =	sst s1  }
0xa: {  	[smem:$0x3FA5] =	sst s2  }
0xb: {  	[smem:$0x3FA6] =	sst s3  }
0xc: {  	[smem:$0x3FA7] =	sst s4  }
0xd: {  	[smem:$0x3FA8] =	sst s5  }
0xe: {  	[smem:$0x3FA9] =	sst s6  }
0xf: {  	[smem:$0x3FAA] =	sst s7  }
0x10: {  	[smem:$0x3FAB] =	sst s8  }
0x11: {  	[smem:$0x3FAC] =	sst s9;
	s0 =	simm.s32 @!p0 $0x0  }
0x12: {  	s1 =	sld [smem:$0x3F92];
	s0 =	simm.s32 @p0 $0x1  }
0x13: {  	[smem:$0x3FAD] =	sst s0;
	s0 =	simm.s32 @!p1 $0x0  }
0x14: {  	s2 =	sld [smem:$0x3F91];
	s0 =	simm.s32 @p1 $0x1  }
0x15: {  	[smem:$0x3FAE] =	sst s0;
	s0 =	simm.s32 @!p2 $0x0  }
0x16: {  	s3 =	sld [smem:$0x3FDB];
	s0 =	simm.s32 @p2 $0x1  }
0x17: {  	s4 =	simm.s32 $0x1BF5;
	[smem:$0x3FB0] =	sst s0  }
0x18: {  	s0 =	sld [smem:$0x3F93];
	_ =	swait.ge [sflag:s4], $0x0  }
0x19: {  	s7 =	sld [smem:$0x3F94]  }
0x1a: {  	s8 =	sadd.s32 $0xFFFFE003, lr  }
0x1b: {  	s9 =	sadd.s32 $0xFFFFFEF7, lr;
	s5 =	simm.s32 $0xFFFFFFFF;
	p2 =	slt.u32 s8, $0xFFFFF086  }
0x1c: {  	p1 =	slt.u32 s9, $0xF7A;
	s5 =	simm.s32 @!p2 $0x0  }
0x1d: {  	s5 =	simm.s32 @p1 $0x1;
	p0 =	seq.s32 s7, s2  }
0x1e: {  	s7 =	smul.u32 @!p0 $0xF7A, s2;
	p2 =	seq.s32 @!p0 s5, $0x0  }
0x1f: {  	s9 =	smul.u32 $0xF7A, s1;
	s8 =	simm.s32 @!p0 $0x1BF5;
	p2 =	por !p2, p0  }
0x20: {  	[sflag:s8] =	ssyncset.s32 @!p0 $0xFFFFF086;
	s6 =	sadd.s32 @!p0 s3, s7;
	s7 =	simm.s32 @!p0 $0x108  }
0x21: {  	s3 =	sadd.s32 s3, s9;
	s6 =	sadd.s32 @!p0 $0x88, s6;
	s7 =	simm.s32 @p2 $0x1082  }
0x22: {  	[simem:s7], [sflag:s8] =	dma.local @!p0 [hbm:s6], $0xF7A  }
0x23: {  	s9 =	sor.u32 $0xD0000000, s2;
	s6 =	simm.s32 $0x108;
	_ =	swait.ge @!p0 [sflag:s8], $0x0  }
0x24: {  	s3 =	sadd.s32 $0x88, s3;
	s6 =	simm.s32 @!p1 $0x1082;
	[sflag:s4] =	ssyncset.s32 $0xFFFFF086  }
0x25: {  	[simem:s6], [sflag:s4] =	dma.local [hbm:s3], $0xF7A  }
0x26: {  	[smem:$0x3F94] =	sst s1;
	(tag) =	ssettag s2;
	_ =	strace s9  }
0x27: {  	s1 =	sld [smem:$0x3FA4]  }
0x28: {  	s2 =	sld [smem:$0x3FA5]  }
0x29: {  	s4 =	sld [smem:$0x3FA7]  }
0x2a: {  	p0 =	seq.s32 s5, $0x0;
	s5 =	sld [smem:$0x3FA8]  }
0x2b: {  	s6 =	sld [smem:$0x3FA9]  }
0x2c: {  	s7 =	sld [smem:$0x3FAA]  }
0x2d: {  	s3 =	simm.s32 $0x108;
	s8 =	sld [smem:$0x3FAB]  }
0x2e: {  	s3 =	simm.s32 @!p0 $0x1082;
	s9 =	sld [smem:$0x3FAC]  }
0x2f: {  	lr =	sadd.s32 s0, s3;
	s0 =	sld [smem:$0x3FA3]  }
0x30: {  	s3 =	sld [smem:$0x3FA6]  }
0x31: {  	[smem:$0x3FAF] =	sst s10  }
0x32: {  	s10 =	sld [smem:$0x3FAD];
	_ =	sdelay $0x3  }
0x33: {  	p0 =	seq.s32 s10, $0x1;
	s10 =	sld [smem:$0x3FAF];
	_ =	sdelay $0x3  }
0x34: {  	[smem:$0x3FAF] =	sst s10  }
0x35: {  	s10 =	sld [smem:$0x3FAE];
	_ =	sdelay $0x3  }
0x36: {  	p1 =	seq.s32 s10, $0x1;
	s10 =	sld [smem:$0x3FAF];
	_ =	sdelay $0x3  }
0x37: {  	[smem:$0x3FAF] =	sst s10  }
0x38: {  	s10 =	sld [smem:$0x3FB0]  }
0x39: {  	_ = 	snop;
	(pc) =	sbr.ind lr, $3  }
0x3a: {  	_ = 	snop  }
0x3b: {  	_ = 	snop  }
0x3c: {  	p2 =	seq.s32 s10, $0x1;
	s10 =	sld [smem:$0x3FAF]  }
0x3d: {  	_ =	shalt  }
0x3e: {  	_ =	shalt  }
0x3f: {  	_ =	shalt  }
0x40: {  	_ =	shalt  }
0x41: {  	_ =	shalt  }
0x42: {  	_ =	shalt  }
0x43: {  	_ =	shalt  }
0x44: {  	_ =	shalt  }
0x45: {  	_ =	shalt  }
0x46: {  	_ =	shalt  }
0x47: {  	_ =	shalt  }
0x48: {  	_ =	shalt  }
0x49: {  	_ =	shalt  }
0x4a: {  	_ =	shalt  }
0x4b: {  	_ =	shalt  }
0x4c: {  	_ =	shalt  }
0x4d: {  	_ =	shalt  }
0x4e: {  	_ =	shalt  }
0x4f: {  	_ =	shalt  }
0x50: {  	_ =	shalt  }
0x51: {  	_ =	shalt  }
0x52: {  	_ =	shalt  }
0x53: {  	_ =	shalt  }
0x54: {  	_ =	shalt  }
0x55: {  	_ =	shalt  }
0x56: {  	_ =	shalt  }
0x57: {  	_ =	shalt  }
0x58: {  	_ =	shalt  }
0x59: {  	_ =	shalt  }
0x5a: {  	_ =	shalt  }
0x5b: {  	_ =	shalt  }
0x5c: {  	_ =	shalt  }
0x5d: {  	_ =	shalt  }
0x5e: {  	_ =	shalt  }
0x5f: {  	_ =	shalt  }
0x60: {  	_ =	shalt  }
0x61: {  	_ =	shalt  }
0x62: {  	_ =	shalt  }
0x63: {  	_ =	shalt  }
0x64: {  	_ =	shalt  }
0x65: {  	_ =	shalt  }
0x66: {  	_ =	shalt  }
0x67: {  	_ =	shalt  }
0x68: {  	_ =	shalt  }
0x69: {  	_ =	shalt  }
0x6a: {  	_ =	shalt  }
0x6b: {  	_ =	shalt  }
0x6c: {  	_ =	shalt  }
0x6d: {  	_ =	shalt  }
0x6e: {  	_ =	shalt  }
0x6f: {  	_ =	shalt  }
0x70: {  	_ =	shalt  }
0x71: {  	_ =	shalt  }
0x72: {  	_ =	shalt  }
0x73: {  	_ =	shalt  }
0x74: {  	_ =	shalt  }
0x75: {  	_ =	shalt  }
0x76: {  	_ =	shalt  }
0x77: {  	_ =	shalt  }
0x78: {  	_ =	shalt  }
0x79: {  	_ =	shalt  }
0x7a: {  	_ =	shalt  }
0x7b: {  	_ =	shalt  }
0x7c: {  	_ =	shalt  }
0x7d: {  	_ =	shalt  }
0x7e: {  	_ =	shalt  }
0x7f: {  	_ =	shalt  }
0x80: {  	_ =	shalt  }
0x81: {  	_ =	shalt  }
0x82: {  	_ =	shalt  }
0x83: {  	_ =	shalt  }
0x84: {  	_ =	shalt  }
0x85: {  	_ =	shalt  }
0x86: {  	_ =	shalt  }
0x87: {  	_ =	shalt  }
.Lfunc_end0:
.L_simem_size_0:
called_computation.2_lowered:
.L_overlay_start_0:
0x88: {  	s2 =	sld [smem:$0x3FD9]  }
0x89: {  	s3 =	sld [smem:$0x3FFE];
	_ =	sdelay $0x1  }
0x8a: {  	s1 =	srdreg.scid  }
0x8b: {  	s0 =	sand.u32 $0x1, s1  }
0x8c: {  	s14 =	sshll.u32 s0, $0xA;
	s2 =	sadd.s32 s3, s2  }
0x8d: {  	s2 =	sadd.s32 s2, s14  }
0x8e: {  	[smem:$0x3FBB] =	sst s2  }
0x8f: {  	_ = 	snop  }
0x90: {  	s2 =	sld [smem:$0x3FD0];
	_ =	sdelay $0x2  }
0x91: {  	s15 =	simm.s32 $0xD;
	s4 =	simm.s32 $0x10  }
0x92: {  	[smem:s4], [sflag:s15] =	dma.local [hbm:s2], $0x1  }
0x93: {  	_ =	swait.eq [sflag:s15], $0x1  }
0x94: {  	[sflag:s15] =	ssyncset.done $0x0  }
0x95: {  	[sflag:s15] =	ssyncadd.s32 $0xFFFFFFFF  }
0x96: {  	s16 =	sld [smem:$0x12];
	(tm) =	ssettm $0x1  }
0x97: {  	s17 =	sld [smem:$0x3FFB];
	_ =	sdelay $0x3  }
0x98: {  	_ =	strace s17  }
0x99: {  	s3 =	sld [smem:$0x3FFC];
	_ =	sdelay $0x3  }
0x9a: {  	_ =	strace s3  }
0x9b: {  	s3 =	sld [smem:$0x3FFD];
	_ =	sdelay $0x3  }
0x9c: {  	_ =	strace s3  }
0x9d: {  	_ =	strace $0x8FFFFFFF  }
0x9e: {  	s18 =	sld [smem:$0x3FDB];
	_ =	sdelay $0x1  }
0x9f: {  	s19 =	simm.s32 $_scs_section_size  }
0xa0: {  	s5 =	simm.s32 $_size__tile_overlayer_lowered;
	s6 =	simm.s32 $_tile_overlayer_lowered  }
0xa1: {  	s22 =	simm.s32 $0x1BFF;
	s21 =	sshll.u32 s6, $0x1;
	s3 =	sadd.s32 s19, s18  }
0xa2: {  	s7 =	simm.s32 $0x0;
	s20 =	sshll.u32 s5, $0x1;
	s5 =	sadd.s32 s21, s3  }
0xa3: {  	[timem:s7], [sflag:s22] =	dma.local [hbm:s5], s20  }
0xa4: {  	_ =	swait.ge [sflag:s22], s20  }
0xa5: {  	s4 =	ssub.s32 $0x0, s20;
	[sflag:s22] =	ssyncset.done $0x0  }
0xa6: {  	[sflag:s22] =	ssyncadd.s32 s4;
	_ =	sdelay $0x1  }
0xa7: {  	s23 =	simm.s32 $0x1B8B  }
0xa8: {  	_ =	swait.ge [sflag:s23], $0x1  }
0xa9: {  	[sflag:s23] =	ssyncset.done $0x0  }
0xaa: {  	s25 =	simm.s32 $0x1B8E;
	s24 =	sld [smem:$0x3FFE];
	[sflag:s23] =	ssyncadd.s32 $0xFFFFFFFF  }
0xab: {  	s26 =	simm.s32 $execute0_lowered;
	[smem:$0x3FD2] =	sst s25  }
0xac: {  	s5 =	sshll.u32 s26, $0x1;
	_ =	strace $0x80000046;
	[dreg:$0x1] =	wrdreg $0xFFFFFFFF  }
0xad: {  	s28 =	simm.s32 $_size_execute0_lowered;
	s3 =	sadd.s32 s3, s5;
	[dreg:$0x0] =	wrdreg $0x0  }
0xae: {  	s5 =	sshll.u32 s28, $0x1;
	[dreg:$0x2] =	wrdreg s3  }
0xaf: {  	[dreg:$0x3] =	wrdreg s5  }
0xb0: {  	[dreg:$0x4] =	wrdreg $0xC0  }
0xb1: {  	_ =	task [dreg:s7], $0x5FFFF  }
0xb2: {  	[dreg:$0x1] =	wrdreg $0xFFFFFFFF  }
0xb3: {  	[dreg:$0x0] =	wrdreg $0x60  }
0xb4: {  	[dreg:$0x2] =	wrdreg s16  }
0xb5: {  	[dreg:$0x3] =	wrdreg s24  }
0xb6: {  	[dreg:$0x4] =	wrdreg $0xB  }
0xb7: {  	_ =	task.clear_ibuf [dreg:s7], $0x5FFFF;
	_ =	strace $0x90000046  }
0xb8: {  	s29 =	simm.s32 $0xB;
	_ =	strace $0x80000048  }
0xb9: {  	_ =	swait.ge [sflag:s29], $0x1  }
0xba: {  	[sflag:s29] =	ssyncadd.s32 $0xFFFFFFFF  }
0xbb: {  	_ =	strace $0x90000048  }
0xbc: {  	_ =	sfence  }
0xbd: {  	s30 =	sld [smem:$0x0];
	_ =	sdelay $0x2  }
0xbe: {  	s31 =	sshll.u32 s1, $0xD;
	s1 =	sshrl.u32 s1, $0x2  }
0xbf: {  	s3 =	sand.u32 $0x4000, s31;
	s1 =	sadd.s32 s1, s30  }
0xc0: {  	s0 =	sor.u32 s3, s0;
	s1 =	sshll.u32 s1, $0x11  }
0xc1: {  	s0 =	sor.u32 s1, s0  }
0xc2: {  	s0 =	sadd.s32 $0x8F2B, s0  }
0xc3: {  	[sflag:s0] =	ssyncadd.remote.s32 $0x1  }
0xc4: {  	_ =	sfence.sel $0xFFFF  }
0xc5: {  	[dreg:$0x0] =	wrdreg $0xFFFFFFFF;
	(pc) =	sbr.abs _section_cstart, $3  }
0xc6: {  	[dreg:$0x1] =	wrdreg $0xFFFFFFFF  }
0xc7: {  	_ =	task.clear_ibuf [dreg:s7], $0x2FFFF;
	_ =	strace $0x9FFFFFFF  }
0xc8: {  	(tm) =	ssettm $0x7FFFFFFF  }
0xc9: {  	_ =	shalt  }
tec
execute0_lowered:
.L_overlay_start_1:
0x0: {  	(tag) =	ssettag $0x1  }
0x1: {  	s1 =	rddreg [dreg:$0x0]  }
0x2: {  	s4 =	rddreg [dreg:$0x1]  }
0x3: {  	s0 =	rddreg [dreg:$0x2];
	s5 =	srdreg.scid  }
0x4: {  	s3 =	simm.s32 $0x0;
	s2 =	stileid.u32;
	s10 =	simm.s32 $0x0  }
0x5: {  	s5 =	sand.u32 $0x1, s5;
	[smem:$0x7FF] =	sst s3;
	s6 =	sshll.u32 s2, $0xB  }
0x6: {  	s8 =	sshll.u32 s2, $0xF;
	s7 =	sshll.u32 s5, $0xA;
	_ =	strace $0x80000047  }
0x7: {  	s31 =	ssub.s32 $0x2, s5;
	s8 =	sadd.s32 s8, s4;
	s5 =	sshll.u32 s5, $0xE  }
0x8: {  	s6 =	sor.u32 s7, s6;
	s9 =	sshrl.u32 s31, $0x1;
	s5 =	sadd.s32 s5, s8  }
0x9: {  	s8 =	simm.s32 $0x80;
	s6 =	sshrl.u32 s6, $0x3;
	s7 =	ssub.s32 s31, s9  }
0xa: {  	s5 =	sadd.s32 $0x113600, s5;
	s9 =	simm.s32 $0x1;
	s6 =	sadd.s32 s6, s4  }
0xb: {  	s4 =	smax.u32 s7, $0x1;
	s7 =	simm.s32 $0x2;
	s6 =	sadd.s32 $0x112600, s6  }
.LBB2_1:
0xc: {  	s11 =	sadd.s32 $0x0, s6  }
0xd: {  	[tilespmem:s3], [sflag:$0x2] =	stream.linear.gather [hbm4b:s11+s3], $0x80, $0x38;
	[tilespmem:$0x4080] =	vst v63  }
0xe: {  	_ =	swait.ge [sflag:s7], $0x80  }
0xf: {  	[sflag:s7] =	ssyncset.done $0x0  }
0x10: {  	[sflag:s7] =	ssyncadd.s32 $0xFFFFFF80  }
0x11: {  	[tilespmem:s8], [sflag:$0x1] =	stream.indirect.gather [hbm4b:s1+s8], $0x80, s3, s8, $0xb8;
	[tilespmem:$0x4080] =	vst v63  }
0x12: {  	_ =	swait.ge [sflag:s9], $0x4000  }
0x13: {  	[sflag:s9] =	ssyncset.done $0x0  }
0x14: {  	[sflag:s9] =	ssyncadd.s32 $0xFFFFC000  }
0x15: {  	[hbm4b:s5+s3] =	stream.linear.scatter [tilespmem:s8], [sflag:$0x2], $0x4000, $0x38;
	[tilespmem:$0x4080] =	vst v63  }
0x16: {  	s12 =	simm.s32 $0x10;
	_ =	swait.ge [sflag:s7], $0x4000  }
0x17: {  	s13 =	simm.s32 $0x20;
	s11 =	sadd.s32 $0x800, s5;
	[sflag:s7] =	ssyncset.done $0x0  }
.LBB2_2:
0x18: {  	s14 =	sadd.s32 s12, s6  }
0x19: {  	[sflag:s7] =	ssyncadd.s32 $0xFFFFC000;
	s12 =	smov.u32 s13;
	s15 =	sadd.s32 $0x10, s13  }
0x1a: {  	[tilespmem:s3], [sflag:$0x2] =	stream.linear.gather [hbm4b:s14+s3], $0x80, $0x38;
	[tilespmem:$0x4080] =	vst v63  }
0x1b: {  	p0 =	sne.s32 s13, $0x70;
	_ =	swait.ge [sflag:s7], $0x80  }
0x1c: {  	[sflag:s7] =	ssyncset.done $0x0  }
0x1d: {  	[sflag:s7] =	ssyncadd.s32 $0xFFFFFF80  }
0x1e: {  	[tilespmem:s8], [sflag:$0x1] =	stream.indirect.gather [hbm4b:s1+s8], $0x80, s3, s8, $0xb8;
	[tilespmem:$0x4080] =	vst v63  }
0x1f: {  	_ =	swait.ge [sflag:s9], $0x4000  }
.Ltmp0:
0x20: {  	[sflag:s9] =	ssyncset.done $0x0;
	(pc) =	sbr.rel @p0 .LBB2_2-.Ltmp0, $4  }
0x21: {  	[sflag:s9] =	ssyncadd.s32 $0xFFFFC000  }
0x22: {  	[hbm4b:s11+s3] =	stream.linear.scatter [tilespmem:s8], [sflag:$0x2], $0x4000, $0x38;
	[tilespmem:$0x4080] =	vst v63  }
0x23: {  	_ =	swait.ge [sflag:s7], $0x4000  }
0x24: {  	s13 =	smov.u32 s15;
	s11 =	sadd.s32 $0x800, s11;
	[sflag:s7] =	ssyncset.done $0x0  }
0x25: {  	s12 =	sadd.s32 s12, s6;
	[sflag:s7] =	ssyncadd.s32 $0xFFFFC000  }
0x26: {  	[tilespmem:s3], [sflag:$0x2] =	stream.linear.gather [hbm4b:s12+s3], $0x80, $0x38;
	[tilespmem:$0x4080] =	vst v63  }
0x27: {  	_ =	swait.ge [sflag:s7], $0x80  }
0x28: {  	[sflag:s7] =	ssyncset.done $0x0  }
0x29: {  	[sflag:s7] =	ssyncadd.s32 $0xFFFFFF80  }
0x2a: {  	[tilespmem:s8], [sflag:$0x1] =	stream.indirect.gather [hbm4b:s1+s8], $0x80, s3, s8, $0xb8;
	[tilespmem:$0x4080] =	vst v63  }
0x2b: {  	s10 =	sadd.s32 $0x1, s10;
	_ =	swait.ge [sflag:s9], $0x4000  }
0x2c: {  	p0 =	sne.s32 s10, s4;
	[sflag:s9] =	ssyncset.done $0x0  }
.Ltmp1:
0x2d: {  	[sflag:s9] =	ssyncadd.s32 $0xFFFFC000;
	(pc) =	sbr.rel @p0 .LBB2_1-.Ltmp1, $4  }
0x2e: {  	[hbm4b:s11+s3] =	stream.linear.scatter [tilespmem:s8], [sflag:$0x2], $0x4000, $0x38;
	[tilespmem:$0x4080] =	vst v63  }
0x2f: {  	_ =	swait.ge [sflag:s7], $0x4000  }
0x30: {  	[sflag:s7] =	ssyncset.done $0x0  }
0x31: {  	[sflag:s7] =	ssyncadd.s32 $0xFFFFC000  }
0x32: {  	_ =	sfence.sel $0x180000  }
0x33: {  	[bflag:$0x0] =	sbarrier.arrive $0xFFFF  }
0x34: {  	p0 =	sne.s32 s2, $0x0;
	_ =	strace $0x90000047  }
0x35: {  	s0 =	sadd.s32 @!p0 $0x100000, s0;
	[bflag:$0x2] =	sbarrier.arrive $0xFFFF  }
0x36: {  	[sflag:s0] =	ssyncadd.tile.s32 @!p0 $0x1;
	_ =	shalt  }
.Lfunc_end2:
_tile_overlayer_lowered:
.L_overlay_start_2:
0x37: {  	(tag) =	ssettag $0x2  }
0x38: {  	s0 =	rddreg [dreg:$0x0];
	s2 =	stileid.u32  }
0x39: {  	s1 =	rddreg [dreg:$0x1];
	p0 =	sne.s32 s2, $0x0  }
0x3a: {  	s3 =	rddreg [dreg:$0x2];
	[bflag:$0x3] =	sbarrier.arrive $0xFFFF;
	s2 =	simm.s32 @!p0 $0x1C02  }
0x3b: {  	[timem:s3], [sflag:s2] =	dma.local @!p0 [hbm:s0], s1  }
0x3c: {  	s0 =	simm.s32 @!p0 $0x2  }
0x3d: {  	_ =	swait.ge @!p0 [sflag:s0], s1  }
0x3e: {  	s1 =	ssub.s32 @!p0 $0x0, s1;
	[sflag:s0] =	ssyncset.done @!p0 $0x0  }
0x3f: {  	[sflag:s0] =	ssyncadd.s32 @!p0 s1  }
0x40: {  	[bflag:$0x3] =	sbarrier.arrive $0xFFFF  }
0x41: {  	_ =	shalt  }

// kernel: kernel.23.cloned.1.call-start
scs
__scs_entry_jumppad:
0x0: {  	(pc) =	sbr.rel $0x88, $3  }
0x1: {  	(tag) =	ssettag $0x0;
	lr =	simm.s32 $0x1  }
0x2: {  	[smem:$0x3F94] =	sst lr;
	_ =	strace $0xD0000000  }
0x3: {  	_ = 	snop  }
0x4: {  	_ = 	snop  }
0x5: {  	_ = 	snop  }
0x6: {  	_ = 	snop  }
0x7: {  	_ = 	snop  }
__scs_overlays_trampoline_lowered:
0x8: {  	[smem:$0x3FA3] =	sst s0  }
0x9: {  	[smem:$0x3FA4] =	sst s1  }
0xa: {  	[smem:$0x3FA5] =	sst s2  }
0xb: {  	[smem:$0x3FA6] =	sst s3  }
0xc: {  	[smem:$0x3FA7] =	sst s4  }
0xd: {  	[smem:$0x3FA8] =	sst s5  }
0xe: {  	[smem:$0x3FA9] =	sst s6  }
0xf: {  	[smem:$0x3FAA] =	sst s7  }
0x10: {  	[smem:$0x3FAB] =	sst s8  }
0x11: {  	[smem:$0x3FAC] =	sst s9;
	s0 =	simm.s32 @!p0 $0x0  }
0x12: {  	s1 =	sld [smem:$0x3F92];
	s0 =	simm.s32 @p0 $0x1  }
0x13: {  	[smem:$0x3FAD] =	sst s0;
	s0 =	simm.s32 @!p1 $0x0  }
0x14: {  	s2 =	sld [smem:$0x3F91];
	s0 =	simm.s32 @p1 $0x1  }
0x15: {  	[smem:$0x3FAE] =	sst s0;
	s0 =	simm.s32 @!p2 $0x0  }
0x16: {  	s3 =	sld [smem:$0x3FDB];
	s0 =	simm.s32 @p2 $0x1  }
0x17: {  	s4 =	simm.s32 $0x1BF5;
	[smem:$0x3FB0] =	sst s0  }
0x18: {  	s0 =	sld [smem:$0x3F93];
	_ =	swait.ge [sflag:s4], $0x0  }
0x19: {  	s7 =	sld [smem:$0x3F94]  }
0x1a: {  	s8 =	sadd.s32 $0xFFFFE003, lr  }
0x1b: {  	s9 =	sadd.s32 $0xFFFFFEF7, lr;
	s5 =	simm.s32 $0xFFFFFFFF;
	p2 =	slt.u32 s8, $0xFFFFF086  }
0x1c: {  	p1 =	slt.u32 s9, $0xF7A;
	s5 =	simm.s32 @!p2 $0x0  }
0x1d: {  	s5 =	simm.s32 @p1 $0x1;
	p0 =	seq.s32 s7, s2  }
0x1e: {  	s7 =	smul.u32 @!p0 $0xF7A, s2;
	p2 =	seq.s32 @!p0 s5, $0x0  }
0x1f: {  	s9 =	smul.u32 $0xF7A, s1;
	s8 =	simm.s32 @!p0 $0x1BF5;
	p2 =	por !p2, p0  }
0x20: {  	[sflag:s8] =	ssyncset.s32 @!p0 $0xFFFFF086;
	s6 =	sadd.s32 @!p0 s3, s7;
	s7 =	simm.s32 @!p0 $0x108  }
0x21: {  	s3 =	sadd.s32 s3, s9;
	s6 =	sadd.s32 @!p0 $0x88, s6;
	s7 =	simm.s32 @p2 $0x1082  }
0x22: {  	[simem:s7], [sflag:s8] =	dma.local @!p0 [hbm:s6], $0xF7A  }
0x23: {  	s9 =	sor.u32 $0xD0000000, s2;
	s6 =	simm.s32 $0x108;
	_ =	swait.ge @!p0 [sflag:s8], $0x0  }
0x24: {  	s3 =	sadd.s32 $0x88, s3;
	s6 =	simm.s32 @!p1 $0x1082;
	[sflag:s4] =	ssyncset.s32 $0xFFFFF086  }
0x25: {  	[simem:s6], [sflag:s4] =	dma.local [hbm:s3], $0xF7A  }
0x26: {  	[smem:$0x3F94] =	sst s1;
	(tag) =	ssettag s2;
	_ =	strace s9  }
0x27: {  	s1 =	sld [smem:$0x3FA4]  }
0x28: {  	s2 =	sld [smem:$0x3FA5]  }
0x29: {  	s4 =	sld [smem:$0x3FA7]  }
0x2a: {  	p0 =	seq.s32 s5, $0x0;
	s5 =	sld [smem:$0x3FA8]  }
0x2b: {  	s6 =	sld [smem:$0x3FA9]  }
0x2c: {  	s7 =	sld [smem:$0x3FAA]  }
0x2d: {  	s3 =	simm.s32 $0x108;
	s8 =	sld [smem:$0x3FAB]  }
0x2e: {  	s3 =	simm.s32 @!p0 $0x1082;
	s9 =	sld [smem:$0x3FAC]  }
0x2f: {  	lr =	sadd.s32 s0, s3;
	s0 =	sld [smem:$0x3FA3]  }
0x30: {  	s3 =	sld [smem:$0x3FA6]  }
0x31: {  	[smem:$0x3FAF] =	sst s10  }
0x32: {  	s10 =	sld [smem:$0x3FAD];
	_ =	sdelay $0x3  }
0x33: {  	p0 =	seq.s32 s10, $0x1;
	s10 =	sld [smem:$0x3FAF];
	_ =	sdelay $0x3  }
0x34: {  	[smem:$0x3FAF] =	sst s10  }
0x35: {  	s10 =	sld [smem:$0x3FAE];
	_ =	sdelay $0x3  }
0x36: {  	p1 =	seq.s32 s10, $0x1;
	s10 =	sld [smem:$0x3FAF];
	_ =	sdelay $0x3  }
0x37: {  	[smem:$0x3FAF] =	sst s10  }
0x38: {  	s10 =	sld [smem:$0x3FB0]  }
0x39: {  	_ = 	snop;
	(pc) =	sbr.ind lr, $3  }
0x3a: {  	_ = 	snop  }
0x3b: {  	_ = 	snop  }
0x3c: {  	p2 =	seq.s32 s10, $0x1;
	s10 =	sld [smem:$0x3FAF]  }
0x3d: {  	_ =	shalt  }
0x3e: {  	_ =	shalt  }
0x3f: {  	_ =	shalt  }
0x40: {  	_ =	shalt  }
0x41: {  	_ =	shalt  }
0x42: {  	_ =	shalt  }
0x43: {  	_ =	shalt  }
0x44: {  	_ =	shalt  }
0x45: {  	_ =	shalt  }
0x46: {  	_ =	shalt  }
0x47: {  	_ =	shalt  }
0x48: {  	_ =	shalt  }
0x49: {  	_ =	shalt  }
0x4a: {  	_ =	shalt  }
0x4b: {  	_ =	shalt  }
0x4c: {  	_ =	shalt  }
0x4d: {  	_ =	shalt  }
0x4e: {  	_ =	shalt  }
0x4f: {  	_ =	shalt  }
0x50: {  	_ =	shalt  }
0x51: {  	_ =	shalt  }
0x52: {  	_ =	shalt  }
0x53: {  	_ =	shalt  }
0x54: {  	_ =	shalt  }
0x55: {  	_ =	shalt  }
0x56: {  	_ =	shalt  }
0x57: {  	_ =	shalt  }
0x58: {  	_ =	shalt  }
0x59: {  	_ =	shalt  }
0x5a: {  	_ =	shalt  }
0x5b: {  	_ =	shalt  }
0x5c: {  	_ =	shalt  }
0x5d: {  	_ =	shalt  }
0x5e: {  	_ =	shalt  }
0x5f: {  	_ =	shalt  }
0x60: {  	_ =	shalt  }
0x61: {  	_ =	shalt  }
0x62: {  	_ =	shalt  }
0x63: {  	_ =	shalt  }
0x64: {  	_ =	shalt  }
0x65: {  	_ =	shalt  }
0x66: {  	_ =	shalt  }
0x67: {  	_ =	shalt  }
0x68: {  	_ =	shalt  }
0x69: {  	_ =	shalt  }
0x6a: {  	_ =	shalt  }
0x6b: {  	_ =	shalt  }
0x6c: {  	_ =	shalt  }
0x6d: {  	_ =	shalt  }
0x6e: {  	_ =	shalt  }
0x6f: {  	_ =	shalt  }
0x70: {  	_ =	shalt  }
0x71: {  	_ =	shalt  }
0x72: {  	_ =	shalt  }
0x73: {  	_ =	shalt  }
0x74: {  	_ =	shalt  }
0x75: {  	_ =	shalt  }
0x76: {  	_ =	shalt  }
0x77: {  	_ =	shalt  }
0x78: {  	_ =	shalt  }
0x79: {  	_ =	shalt  }
0x7a: {  	_ =	shalt  }
0x7b: {  	_ =	shalt  }
0x7c: {  	_ =	shalt  }
0x7d: {  	_ =	shalt  }
0x7e: {  	_ =	shalt  }
0x7f: {  	_ =	shalt  }
0x80: {  	_ =	shalt  }
0x81: {  	_ =	shalt  }
0x82: {  	_ =	shalt  }
0x83: {  	_ =	shalt  }
0x84: {  	_ =	shalt  }
0x85: {  	_ =	shalt  }
0x86: {  	_ =	shalt  }
0x87: {  	_ =	shalt  }
.Lfunc_end0:
.L_simem_size_0:
called_computation.3_lowered:
.L_overlay_start_0:
0x88: {  	s2 =	sld [smem:$0x3FD9]  }
0x89: {  	s3 =	sld [smem:$0x3FFE];
	_ =	sdelay $0x1  }
0x8a: {  	s1 =	srdreg.scid  }
0x8b: {  	s0 =	sand.u32 $0x1, s1  }
0x8c: {  	s15 =	sshll.u32 s0, $0xA;
	s2 =	sadd.s32 s3, s2  }
0x8d: {  	s2 =	sadd.s32 s2, s15  }
0x8e: {  	[smem:$0x3FBB] =	sst s2  }
0x8f: {  	_ = 	snop  }
0x90: {  	s2 =	sld [smem:$0x3FD0];
	_ =	sdelay $0x2  }
0x91: {  	s16 =	simm.s32 $0xD;
	s4 =	simm.s32 $0x10  }
0x92: {  	[smem:s4], [sflag:s16] =	dma.local [hbm:s2], $0x1  }
0x93: {  	_ =	swait.eq [sflag:s16], $0x1  }
0x94: {  	[sflag:s16] =	ssyncset.done $0x0  }
0x95: {  	[sflag:s16] =	ssyncadd.s32 $0xFFFFFFFF  }
0x96: {  	s17 =	sld [smem:$0x13];
	(tm) =	ssettm $0x1  }
0x97: {  	s18 =	sld [smem:$0x3FFB];
	_ =	sdelay $0x3  }
0x98: {  	_ =	strace s18  }
0x99: {  	s2 =	sld [smem:$0x3FFC];
	_ =	sdelay $0x3  }
0x9a: {  	_ =	strace s2  }
0x9b: {  	s2 =	sld [smem:$0x3FFD];
	_ =	sdelay $0x3  }
0x9c: {  	_ =	strace s2  }
0x9d: {  	_ =	strace $0x8FFFFFFF  }
0x9e: {  	s19 =	sld [smem:$0x3FDB];
	_ =	sdelay $0x1  }
0x9f: {  	s20 =	simm.s32 $_scs_section_size  }
0xa0: {  	s5 =	simm.s32 $_size__tile_overlayer_lowered;
	s6 =	simm.s32 $_tile_overlayer_lowered  }
0xa1: {  	s7 =	simm.s32 $0x1BFF;
	s21 =	sshll.u32 s6, $0x1;
	s4 =	sadd.s32 s20, s19  }
0xa2: {  	s22 =	simm.s32 $0x0;
	s5 =	sshll.u32 s5, $0x1;
	s6 =	sadd.s32 s21, s4  }
0xa3: {  	[timem:s22], [sflag:s7] =	dma.local [hbm:s6], s5  }
0xa4: {  	_ =	swait.ge [sflag:s7], s5  }
0xa5: {  	s5 =	ssub.s32 $0x0, s5;
	[sflag:s7] =	ssyncset.done $0x0  }
0xa6: {  	[sflag:s7] =	ssyncadd.s32 s5;
	_ =	sdelay $0x1  }
0xa7: {  	s23 =	simm.s32 $0x1B8B  }
0xa8: {  	_ =	swait.ge [sflag:s23], $0x1  }
0xa9: {  	[sflag:s23] =	ssyncset.done $0x0  }
0xaa: {  	[sflag:s23] =	ssyncadd.s32 $0xFFFFFFFF  }
0xab: {  	s5 =	sld [smem:$0x0]  }
0xac: {  	s6 =	sand.u32 $0xFFFFFFFE, s1  }
0xad: {  	p0 =	sne.s32 s1, s6  }
0xae: {  	s6 =	sshll.u32 @p0 s6, $0xE  }
0xaf: {  	s6 =	sadd.s32 @p0 $0x11B8D, s6;
	s7 =	sshll.u32 @p0 s5, $0x11  }
0xb0: {  	s6 =	sor.u32 @p0 s7, s6  }
0xb1: {  	[sflag:s6] =	ssyncadd.remote.s32 @p0 $0x1;
	_ =	sdelay $0x1  }
0xb2: {  	s6 =	simm.s32 @p0 $0x1B8D  }
0xb3: {  	_ =	swait.eq @p0 [sflag:s6], $0x1  }
0xb4: {  	[sflag:s6] =	ssyncadd.s32 @p0 $0xFFFFFFFF  }
0xb5: {  	s7 =	sshll.u32 @!p0 s1, $0xE  }
0xb6: {  	s7 =	sor.u32 @!p0 $0x4000, s7;
	s6 =	simm.s32 @!p0 $0x1B8D  }
0xb7: {  	s5 =	sshll.u32 @!p0 s5, $0x11;
	s7 =	sadd.s32 @!p0 $0x11B8D, s7;
	_ =	swait.eq @!p0 [sflag:s6], $0x1  }
0xb8: {  	s5 =	sor.u32 @!p0 s5, s7;
	[sflag:s6] =	ssyncadd.s32 @!p0 $0xFFFFFFFF  }
0xb9: {  	s25 =	simm.s32 $0x1B8E;
	s24 =	sld [smem:$0x3FFE];
	[sflag:s5] =	ssyncadd.remote.s32 @!p0 $0x1  }
0xba: {  	s26 =	simm.s32 $execute0_lowered;
	[smem:$0x3FD2] =	sst s25  }
0xbb: {  	s6 =	sshll.u32 s26, $0x1;
	_ =	strace $0x8000004F;
	[dreg:$0x1] =	wrdreg $0xFFFFFFFF  }
0xbc: {  	s28 =	simm.s32 $_size_execute0_lowered;
	s4 =	sadd.s32 s4, s6;
	[dreg:$0x0] =	wrdreg $0x0  }
0xbd: {  	s6 =	sshll.u32 s28, $0x1;
	[dreg:$0x2] =	wrdreg s4  }
0xbe: {  	[dreg:$0x3] =	wrdreg s6  }
0xbf: {  	[dreg:$0x4] =	wrdreg $0xC0  }
0xc0: {  	_ =	task [dreg:s22], $0x5FFFF  }
0xc1: {  	[dreg:$0x1] =	wrdreg $0xFFFFFFFF  }
0xc2: {  	[dreg:$0x0] =	wrdreg $0x60  }
0xc3: {  	[dreg:$0x2] =	wrdreg s17  }
0xc4: {  	[dreg:$0x3] =	wrdreg s24  }
0xc5: {  	[dreg:$0x4] =	wrdreg $0xC  }
0xc6: {  	_ =	task.clear_ibuf [dreg:s22], $0x5FFFF;
	_ =	strace $0x9000004F  }
0xc7: {  	s29 =	simm.s32 $0xC;
	_ =	strace $0x80000051  }
0xc8: {  	_ =	swait.ge [sflag:s29], $0x1  }
0xc9: {  	[sflag:s29] =	ssyncadd.s32 $0xFFFFFFFF  }
0xca: {  	_ =	strace $0x90000051  }
0xcb: {  	_ =	sfence  }
0xcc: {  	s30 =	sld [smem:$0x0];
	_ =	sdelay $0x2  }
0xcd: {  	s31 =	sshll.u32 s1, $0xD;
	s1 =	sshrl.u32 s1, $0x2  }
0xce: {  	s4 =	sand.u32 $0x4000, s31;
	s1 =	sadd.s32 s1, s30  }
0xcf: {  	s0 =	sor.u32 s4, s0;
	s1 =	sshll.u32 s1, $0x11  }
0xd0: {  	s0 =	sor.u32 s1, s0  }
0xd1: {  	s0 =	sadd.s32 $0x8F2B, s0  }
0xd2: {  	[sflag:s0] =	ssyncadd.remote.s32 $0x1  }
0xd3: {  	_ =	sfence.sel $0xFFFF  }
0xd4: {  	[dreg:$0x0] =	wrdreg $0xFFFFFFFF;
	(pc) =	sbr.abs _section_cstart, $3  }
0xd5: {  	[dreg:$0x1] =	wrdreg $0xFFFFFFFF  }
0xd6: {  	_ =	task.clear_ibuf [dreg:s22], $0x2FFFF;
	_ =	strace $0x9FFFFFFF  }
0xd7: {  	(tm) =	ssettm $0x7FFFFFFF  }
tec
execute0_lowered:
.L_overlay_start_1:
0x0: {  	(tag) =	ssettag $0x1  }
0x1: {  	s1 =	rddreg [dreg:$0x0]  }
0x2: {  	s4 =	rddreg [dreg:$0x1]  }
0x3: {  	s0 =	rddreg [dreg:$0x2];
	s5 =	srdreg.scid  }
0x4: {  	s3 =	simm.s32 $0x0;
	s2 =	stileid.u32;
	s10 =	simm.s32 $0x0  }
0x5: {  	s5 =	sand.u32 $0x1, s5;
	[smem:$0x7FF] =	sst s3;
	s6 =	sshll.u32 s2, $0xB  }
0x6: {  	s8 =	sshll.u32 s2, $0xF;
	s7 =	sshll.u32 s5, $0xA;
	_ =	strace $0x80000050  }
0x7: {  	s31 =	ssub.s32 $0x2, s5;
	s8 =	sadd.s32 s8, s4;
	s5 =	sshll.u32 s5, $0xE  }
0x8: {  	s6 =	sor.u32 s7, s6;
	s9 =	sshrl.u32 s31, $0x1;
	s5 =	sadd.s32 s5, s8  }
0x9: {  	s8 =	simm.s32 $0x80;
	s6 =	sshrl.u32 s6, $0x3;
	s7 =	ssub.s32 s31, s9  }
0xa: {  	s5 =	sadd.s32 $0x6C6A00, s5;
	s9 =	simm.s32 $0x1;
	s6 =	sadd.s32 s6, s4  }
0xb: {  	s4 =	smax.u32 s7, $0x1;
	s7 =	simm.s32 $0x2;
	s6 =	sadd.s32 $0x6C5A00, s6  }
.LBB2_1:
0xc: {  	s11 =	sadd.s32 $0x0, s6  }
0xd: {  	[tilespmem:s3], [sflag:$0x2] =	stream.linear.gather [hbm4b:s11+s3], $0x80, $0x38;
	[tilespmem:$0x4080] =	vst v63  }
0xe: {  	_ =	swait.ge [sflag:s7], $0x80  }
0xf: {  	[sflag:s7] =	ssyncset.done $0x0  }
0x10: {  	[sflag:s7] =	ssyncadd.s32 $0xFFFFFF80  }
0x11: {  	[tilespmem:s8], [sflag:$0x1] =	stream.indirect.gather [hbm4b:s1+s8], $0x80, s3, s8, $0xb8;
	[tilespmem:$0x4080] =	vst v63  }
0x12: {  	_ =	swait.ge [sflag:s9], $0x4000  }
0x13: {  	[sflag:s9] =	ssyncset.done $0x0  }
0x14: {  	[sflag:s9] =	ssyncadd.s32 $0xFFFFC000  }
0x15: {  	[hbm4b:s5+s3] =	stream.linear.scatter [tilespmem:s8], [sflag:$0x2], $0x4000, $0x38;
	[tilespmem:$0x4080] =	vst v63  }
0x16: {  	s12 =	simm.s32 $0x10;
	_ =	swait.ge [sflag:s7], $0x4000  }
0x17: {  	s13 =	simm.s32 $0x20;
	s11 =	sadd.s32 $0x800, s5;
	[sflag:s7] =	ssyncset.done $0x0  }
.LBB2_2:
0x18: {  	s14 =	sadd.s32 s12, s6  }
0x19: {  	[sflag:s7] =	ssyncadd.s32 $0xFFFFC000;
	s12 =	smov.u32 s13;
	s15 =	sadd.s32 $0x10, s13  }
0x1a: {  	[tilespmem:s3], [sflag:$0x2] =	stream.linear.gather [hbm4b:s14+s3], $0x80, $0x38;
	[tilespmem:$0x4080] =	vst v63  }
0x1b: {  	p0 =	sne.s32 s13, $0x70;
	_ =	swait.ge [sflag:s7], $0x80  }
0x1c: {  	[sflag:s7] =	ssyncset.done $0x0  }
0x1d: {  	[sflag:s7] =	ssyncadd.s32 $0xFFFFFF80  }
0x1e: {  	[tilespmem:s8], [sflag:$0x1] =	stream.indirect.gather [hbm4b:s1+s8], $0x80, s3, s8, $0xb8;
	[tilespmem:$0x4080] =	vst v63  }
0x1f: {  	_ =	swait.ge [sflag:s9], $0x4000  }
.Ltmp0:
0x20: {  	[sflag:s9] =	ssyncset.done $0x0;
	(pc) =	sbr.rel @p0 .LBB2_2-.Ltmp0, $4  }
0x21: {  	[sflag:s9] =	ssyncadd.s32 $0xFFFFC000  }
0x22: {  	[hbm4b:s11+s3] =	stream.linear.scatter [tilespmem:s8], [sflag:$0x2], $0x4000, $0x38;
	[tilespmem:$0x4080] =	vst v63  }
0x23: {  	_ =	swait.ge [sflag:s7], $0x4000  }
0x24: {  	s13 =	smov.u32 s15;
	s11 =	sadd.s32 $0x800, s11;
	[sflag:s7] =	ssyncset.done $0x0  }
0x25: {  	s12 =	sadd.s32 s12, s6;
	[sflag:s7] =	ssyncadd.s32 $0xFFFFC000  }
0x26: {  	[tilespmem:s3], [sflag:$0x2] =	stream.linear.gather [hbm4b:s12+s3], $0x80, $0x38;
	[tilespmem:$0x4080] =	vst v63  }
0x27: {  	_ =	swait.ge [sflag:s7], $0x80  }
0x28: {  	[sflag:s7] =	ssyncset.done $0x0  }
0x29: {  	[sflag:s7] =	ssyncadd.s32 $0xFFFFFF80  }
0x2a: {  	[tilespmem:s8], [sflag:$0x1] =	stream.indirect.gather [hbm4b:s1+s8], $0x80, s3, s8, $0xb8;
	[tilespmem:$0x4080] =	vst v63  }
0x2b: {  	s10 =	sadd.s32 $0x1, s10;
	_ =	swait.ge [sflag:s9], $0x4000  }
0x2c: {  	p0 =	sne.s32 s10, s4;
	[sflag:s9] =	ssyncset.done $0x0  }
.Ltmp1:
0x2d: {  	[sflag:s9] =	ssyncadd.s32 $0xFFFFC000;
	(pc) =	sbr.rel @p0 .LBB2_1-.Ltmp1, $4  }
0x2e: {  	[hbm4b:s11+s3] =	stream.linear.scatter [tilespmem:s8], [sflag:$0x2], $0x4000, $0x38;
	[tilespmem:$0x4080] =	vst v63  }
0x2f: {  	_ =	swait.ge [sflag:s7], $0x4000  }
0x30: {  	[sflag:s7] =	ssyncset.done $0x0  }
0x31: {  	[sflag:s7] =	ssyncadd.s32 $0xFFFFC000  }
0x32: {  	_ =	sfence.sel $0x180000  }
0x33: {  	[bflag:$0x0] =	sbarrier.arrive $0xFFFF  }
0x34: {  	p0 =	sne.s32 s2, $0x0;
	_ =	strace $0x90000050  }
0x35: {  	s0 =	sadd.s32 @!p0 $0x100000, s0;
	[bflag:$0x2] =	sbarrier.arrive $0xFFFF  }
0x36: {  	[sflag:s0] =	ssyncadd.tile.s32 @!p0 $0x1;
	_ =	shalt  }
.Lfunc_end2:
_tile_overlayer_lowered:
.L_overlay_start_2:
0x37: {  	(tag) =	ssettag $0x2  }
0x38: {  	s0 =	rddreg [dreg:$0x0];
	s2 =	stileid.u32  }
0x39: {  	s1 =	rddreg [dreg:$0x1];
	p0 =	sne.s32 s2, $0x0  }
0x3a: {  	s3 =	rddreg [dreg:$0x2];
	[bflag:$0x3] =	sbarrier.arrive $0xFFFF;
	s2 =	simm.s32 @!p0 $0x1C02  }
0x3b: {  	[timem:s3], [sflag:s2] =	dma.local @!p0 [hbm:s0], s1  }
0x3c: {  	s0 =	simm.s32 @!p0 $0x2  }
0x3d: {  	_ =	swait.ge @!p0 [sflag:s0], s1  }
0x3e: {  	s1 =	ssub.s32 @!p0 $0x0, s1;
	[sflag:s0] =	ssyncset.done @!p0 $0x0  }
0x3f: {  	[sflag:s0] =	ssyncadd.s32 @!p0 s1  }
0x40: {  	[bflag:$0x3] =	sbarrier.arrive $0xFFFF  }
0x41: {  	_ =	shalt  }

</sc_bundles>
